<compile_context>
chip_gen: v7x
topology: tpu7x:2x2x1
jax: 0.10.2.dev20260603
libtpu: 0.0.44.dev20260713+nightly
codegen_flags: <defaults>
</compile_context>

<pallas_src>
import functools

import jax
import jax.numpy as jnp
from jax import lax
from jax.experimental import pallas as pl
from jax.experimental.pallas import tpu as pltpu
from jax.experimental.pallas import tpu_sc as plsc

NUM_CORES = 2
NUM_SUBCORES = 16
LANES = 16
NUM_WORKERS = NUM_CORES * NUM_SUBCORES
GROUP = 16


def _make_kernel(batch, dim, vocab):
    assert batch % (NUM_WORKERS * 2) == 0
    b_per_w = batch // NUM_WORKERS
    assert b_per_w % GROUP == 0
    n_groups = b_per_w // GROUP
    mesh = plsc.VectorSubcoreMesh(
        core_axis_name="c", subcore_axis_name="s",
        num_cores=NUM_CORES, num_subcores=NUM_SUBCORES)

    @functools.partial(
        pl.kernel,
        out_type=jax.ShapeDtypeStruct((dim, batch), jnp.float32),
        mesh=mesh,
        compiler_params=pltpu.CompilerParams(
            use_tc_tiling_on_sc=True, needs_layout_passes=False),
        scratch_types=[
            pltpu.VMEM((2 * b_per_w,), jnp.int32),
            pltpu.VMEM((GROUP, dim, 128), jnp.float32),
            pltpu.VMEM((dim, b_per_w), jnp.float32),
            pltpu.SemaphoreType.DMA,
        ],
    )
    def gmf_kernel(uids_hbm, iids_hbm, uembt_hbm, iembt_hbm, outt_hbm,
                   ids_v, blocks_v, out_v, sem):
        wid = lax.axis_index("s") * NUM_CORES + lax.axis_index("c")
        pair = wid // 2
        off = (wid % 2) * b_per_w
        fvec = jnp.arange(LANES, dtype=jnp.int32)

        def one_pass(ids_hbm, emb_hbm, first):
            pltpu.sync_copy(ids_hbm.at[pl.ds(pair * 2 * b_per_w, 2 * b_per_w)],
                            ids_v)

            @pl.loop(0, n_groups)
            def _group(g):
                b0 = g * GROUP
                chunk = ids_v[pl.ds(off + b0, GROUP)]
                lanes = chunk & 127
                for j in range(GROUP):
                    u = chunk[j]
                    blk = pl.multiple_of((u >> 7) * 128, 128)
                    pltpu.async_copy(
                        emb_hbm.at[:, pl.ds(blk, 128)], blocks_v.at[j], sem)
                for j in range(GROUP):
                    pltpu.make_async_copy(
                        emb_hbm.at[:, pl.ds(0, 128)], blocks_v.at[j], sem
                    ).wait()
                for j in range(GROUP):
                    b = b0 + j
                    lane = jnp.full((LANES,), lanes[j], jnp.int32)
                    jv = jnp.full((LANES,), j, jnp.int32)
                    bv = jnp.full((LANES,), b, jnp.int32)
                    for h in range(dim // LANES):
                        fv = fvec + h * LANES
                        val = plsc.load_gather(blocks_v, [jv, fv, lane])
                        if not first:
                            val = val * plsc.load_gather(out_v, [fv, bv])
                        plsc.store_scatter(out_v, [fv, bv], val)

        one_pass(uids_hbm, uembt_hbm, True)
        one_pass(iids_hbm, iembt_hbm, False)
        pltpu.sync_copy(out_v, outt_hbm.at[:, pl.ds(wid * b_per_w, b_per_w)])

    return gmf_kernel


def kernel(user_ids, item_ids, user_emb, item_emb):
    batch = user_ids.shape[0]
    vocab, dim = user_emb.shape
    uids = user_ids.astype(jnp.int32)
    iids = item_ids.astype(jnp.int32)
    outt = _make_kernel(batch, dim, vocab)(uids, iids, user_emb.T, item_emb.T)
    return outt.T

# --- scband reference (transcript-rebuilt; emitter-appended) ---
"""Pipeline reference for scband-base-generalized-matrix-factorization-23673859736199 (READ-ONLY COPY).

The authoritative reference and input builder live on the scoring server;
editing this copy changes nothing except your own understanding.
"""

import jax, jax.numpy as jnp
import numpy as np

USER_NUM = 1000000
ITEM_NUM = 1000000
DIM = 32
BATCH = 16384

def setup_inputs(seed: int = 0) -> dict:
    key = jax.random.key(seed)
    k1, k2, k3, k4 = jax.random.split(key, 4)
    user_ids = jax.random.randint(k1, (BATCH,), 0, USER_NUM, dtype=jnp.int64 if jax.config.jax_enable_x64 else jnp.int32)
    item_ids = jax.random.randint(k2, (BATCH,), 0, ITEM_NUM, dtype=jnp.int64 if jax.config.jax_enable_x64 else jnp.int32)
    # _init_weight: uniform(0, 1) init for both embedding tables
    user_emb = jax.random.uniform(k3, (USER_NUM, DIM), dtype=jnp.float32, minval=0.0, maxval=1.0)
    item_emb = jax.random.uniform(k4, (ITEM_NUM, DIM), dtype=jnp.float32, minval=0.0, maxval=1.0)
    return {"user_ids": user_ids, "item_ids": item_ids, "user_emb": user_emb, "item_emb": item_emb}

def reference(user_ids, item_ids, user_emb, item_emb):
    # Generalized Matrix Factorization core: embedding lookups + elementwise product
    u = jnp.take(user_emb, user_ids, axis=0)   # [B, dim]
    v = jnp.take(item_emb, item_ids, axis=0)   # [B, dim]
    return u * v                               # [B, dim]

if __name__ == "__main__":
    import jax
    _d = setup_inputs()
    print(jax.jit(kernel)(*tuple(_d.values())))

</pallas_src>

<mosaic_0001>
#map = affine_map<(d0, d1) -> (0)>
#map1 = affine_map<(d0, d1) -> (0, 0)>
module attributes {stable_mosaic.version = 14 : i64} {
  func.func @gmf_kernel(%arg0: i32, %arg1: i32, %arg2: memref<16384xi32, #tpu.memory_space<hbm>>, %arg3: memref<16384xi32, #tpu.memory_space<hbm>>, %arg4: memref<32x1000000xf32, #tpu.memory_space<hbm>>, %arg5: memref<32x1000000xf32, #tpu.memory_space<hbm>>, %arg6: memref<32x16384xf32, #tpu.memory_space<hbm>>, %arg7: memref<1024xi32, #tpu.memory_space<vmem>>, %arg8: memref<16x32x128xf32, #tpu.memory_space<vmem>>, %arg9: memref<32x512xf32, #tpu.memory_space<vmem>>, %arg10: memref<!tpu.dma_semaphore, #tpu.memory_space<semaphore_mem>>) attributes {dimension_semantics = [#tpu.dimension_semantics<core_parallel>, #tpu.dimension_semantics<subcore_parallel>], iteration_bounds = array<i64: 2, 16>, scalar_prefetch = 0 : i64, scratch_operands = 4 : i64, tpu.core_type = #tpu.core_type<sc_vector_subcore>, window_params = [{transform_indices = #map}, {transform_indices = #map}, {transform_indices = #map1}, {transform_indices = #map1}, {transform_indices = #map1}]} {
    %mul3A = arith.constant 2 : i32
    %mul3A_0 = arith.muli %arg1, %mul3A : i32
    %add3A = arith.addi %mul3A_0, %arg0 : i32
    %jit3A = arith.constant 2 : i32
    %div3A = arith.divsi %add3A, %jit3A : i32
    %sign3A = arith.constant 0 : i32
    %sign3A_1 = arith.cmpi sgt, %add3A, %sign3A : i32
    %sign3A_2 = arith.extui %sign3A_1 : i1 to i32
    %sign3A_3 = arith.constant 0 : i32
    %sign3A_4 = arith.cmpi slt, %add3A, %sign3A_3 : i32
    %sign3A_5 = arith.extui %sign3A_4 : i1 to i32
    %sign3A_6 = arith.subi %sign3A_2, %sign3A_5 : i32
    %sign3A_7 = arith.constant 0 : i32
    %sign3A_8 = arith.cmpi sgt, %jit3A, %sign3A_7 : i32
    %sign3A_9 = arith.extui %sign3A_8 : i1 to i32
    %sign3A_10 = arith.constant 0 : i32
    %sign3A_11 = arith.cmpi slt, %jit3A, %sign3A_10 : i32
    %sign3A_12 = arith.extui %sign3A_11 : i1 to i32
    %sign3A_13 = arith.subi %sign3A_9, %sign3A_12 : i32
    %ne3A = arith.cmpi ne, %sign3A_6, %sign3A_13 : i32
    %rem3A = arith.remsi %add3A, %jit3A : i32
    %ne3A_14 = arith.constant 0 : i32
    %ne3A_15 = arith.cmpi ne, %rem3A, %ne3A_14 : i32
    %and3A = arith.andi %ne3A, %ne3A_15 : i1
    %sub3A = arith.constant 1 : i32
    %sub3A_16 = arith.subi %div3A, %sub3A : i32
    %select_n3A = arith.select %and3A, %sub3A_16, %div3A : i32
    %jit3A_17 = arith.constant 2 : i32
    %eq3A = arith.constant 0 : i32
    %eq3A_18 = arith.cmpi eq, %jit3A_17, %eq3A : i32
    %jit3A_19 = arith.constant 1 : i32
    %select_n3A_20 = arith.select %eq3A_18, %jit3A_19, %jit3A_17 : i32
    %rem3A_21 = arith.remsi %add3A, %select_n3A_20 : i32
    %ne3A_22 = arith.constant 0 : i32
    %ne3A_23 = arith.cmpi ne, %rem3A_21, %ne3A_22 : i32
    %lt3A = arith.constant 0 : i32
    %lt3A_24 = arith.cmpi slt, %rem3A_21, %lt3A : i32
    %lt3A_25 = arith.constant 0 : i32
    %lt3A_26 = arith.cmpi slt, %select_n3A_20, %lt3A_25 : i32
    %ne3A_27 = arith.xori %lt3A_24, %lt3A_26 : i1
    %and3A_28 = arith.andi %ne3A_27, %ne3A_23 : i1
    %add3A_29 = arith.addi %rem3A_21, %select_n3A_20 : i32
    %select_n3A_30 = arith.select %and3A_28, %add3A_29, %rem3A_21 : i32
    %mul3A_31 = arith.constant 512 : i32
    %mul3A_32 = arith.muli %select_n3A_30, %mul3A_31 : i32
    %iota3A = tpu.iota {dimensions = array<i32: 0>} : vector<16xi32>
    %mul3A_33 = arith.constant 2 : i32
    %mul3A_34 = arith.muli %select_n3A, %mul3A_33 : i32
    %mul3A_35 = arith.constant 512 : i32
    %mul3A_36 = arith.muli %mul3A_34, %mul3A_35 : i32
    "tpu.region"() ({
      %run_scoped3A = tpu.sem_alloc : memref<!tpu.dma_semaphore, #tpu.memory_space<semaphore_mem>>
      %dma_start3A = tpu.memref_slice %arg2[%mul3A_36] : memref<16384xi32, #tpu.memory_space<hbm>> -> memref<1024xi32, #tpu.memory_space<hbm>>
      %dma_start3A_52 = tpu.memref_slice %arg2[%mul3A_36] : memref<16384xi32, #tpu.memory_space<hbm>> -> memref<1024xi32, #tpu.memory_space<hbm>>
      tpu.enqueue_dma source(%dma_start3A_52 : memref<1024xi32, #tpu.memory_space<hbm>>) target(%arg7 : memref<1024xi32, #tpu.memory_space<vmem>>) target_semaphore(%run_scoped3A : memref<!tpu.dma_semaphore, #tpu.memory_space<semaphore_mem>>)
      %dma_wait3A = tpu.memref_slice %arg2[%mul3A_36] : memref<16384xi32, #tpu.memory_space<hbm>> -> memref<1024xi32, #tpu.memory_space<hbm>>
      %dma_wait3A_53 = tpu.memref_slice %arg2[%mul3A_36] : memref<16384xi32, #tpu.memory_space<hbm>> -> memref<1024xi32, #tpu.memory_space<hbm>>
      tpu.wait_dma2 semaphore(%run_scoped3A : memref<!tpu.dma_semaphore, #tpu.memory_space<semaphore_mem>>) src(%dma_wait3A_53 : memref<1024xi32, #tpu.memory_space<hbm>>) dst(%arg7 : memref<1024xi32, #tpu.memory_space<vmem>>)
      tpu.yield
    }) : () -> ()
    %scan3A = arith.constant 0 : i32
    %scan3A_37 = arith.constant 32 : i32
    %scan3A_38 = arith.addi %scan3A, %scan3A_37 : i32
    %scan3A_39 = arith.constant 1 : i32
    scf.for %scan3A_52 = %scan3A to %scan3A_38 step %scan3A_39  : i32 {
      %mul3A_53 = arith.constant 1 : i32
      %mul3A_54 = arith.muli %scan3A_52, %mul3A_53 : i32
      %add3A_55 = arith.constant 0 : i32
      %add3A_56 = arith.addi %add3A_55, %mul3A_54 : i32
      %mul3A_57 = arith.constant 16 : i32
      %mul3A_58 = arith.muli %add3A_56, %mul3A_57 : i32
      %add3A_59 = arith.addi %mul3A_32, %mul3A_58 : i32
      %get3A = arith.index_cast %add3A_59 : i32 to index
      %get3A_60 = tpu.vector_load %arg7[%get3A] {strides = array<i32>} : memref<1024xi32, #tpu.memory_space<vmem>>, vector<16xi32>,
      %and3A_61 = arith.constant 127 : i32
      %and3A_62 = vector.broadcast %and3A_61 : i32 to vector<16xi32>
      %and3A_63 = arith.andi %get3A_60, %and3A_62 : vector<16xi32>
      %slice3A = vector.extract_strided_slice %get3A_60 {offsets = [0], sizes = [1], strides = [1]} : vector<16xi32> to vector<1xi32>
      %squeeze3A = vector.extract %slice3A[0] : i32 from vector<1xi32>
      %shift_right_arithmetic3A = arith.constant 7 : i32
      %shift_right_arithmetic3A_64 = arith.shrsi %squeeze3A, %shift_right_arithmetic3A : i32
      %mul3A_65 = arith.constant 128 : i32
      %mul3A_66 = arith.muli %shift_right_arithmetic3A_64, %mul3A_65 : i32
      %multiple_of3A = tpu.assume_multiple %mul3A_66, 128 : i32
      %dma_start3A = arith.constant 0 : i32
      %dma_start3A_67 = arith.constant 0 : i32
      %dma_start3A_68 = arith.constant 0 : i32
      %dma_start3A_69 = tpu.memref_slice %arg8[%dma_start3A, %dma_start3A_67, %dma_start3A_68] : memref<16x32x128xf32, #tpu.memory_space<vmem>> -> memref<1x32x128xf32, #tpu.memory_space<vmem>>
      %dma_start3A_70 = tpu.memref_squeeze %dma_start3A_69 : memref<1x32x128xf32, #tpu.memory_space<vmem>> -> memref<32x128xf32, #tpu.memory_space<vmem>>
      %dma_start3A_71 = arith.constant 0 : i32
      %dma_start3A_72 = tpu.memref_slice %arg4[%dma_start3A_71, %multiple_of3A] : memref<32x1000000xf32, #tpu.memory_space<hbm>> -> memref<32x128xf32, #tpu.memory_space<hbm>>
      %dma_start3A_73 = arith.constant 0 : i32
      %dma_start3A_74 = arith.constant 0 : i32
      %dma_start3A_75 = tpu.memref_slice %arg8[%dma_start3A, %dma_start3A_73, %dma_start3A_74] : memref<16x32x128xf32, #tpu.memory_space<vmem>> -> memref<1x32x128xf32, #tpu.memory_space<vmem>>
      %dma_start3A_76 = tpu.memref_squeeze %dma_start3A_75 : memref<1x32x128xf32, #tpu.memory_space<vmem>> -> memref<32x128xf32, #tpu.memory_space<vmem>>
      %dma_start3A_77 = arith.constant 0 : i32
      %dma_start3A_78 = tpu.memref_slice %arg4[%dma_start3A_77, %multiple_of3A] : memref<32x1000000xf32, #tpu.memory_space<hbm>> -> memref<32x128xf32, #tpu.memory_space<hbm>>
      tpu.enqueue_dma source(%dma_start3A_78 : memref<32x128xf32, #tpu.memory_space<hbm>>) target(%dma_start3A_76 : memref<32x128xf32, #tpu.memory_space<vmem>>) target_semaphore(%arg10 : memref<!tpu.dma_semaphore, #tpu.memory_space<semaphore_mem>>)
      %slice3A_79 = vector.extract_strided_slice %get3A_60 {offsets = [1], sizes = [1], strides = [1]} : vector<16xi32> to vector<1xi32>
      %squeeze3A_80 = vector.extract %slice3A_79[0] : i32 from vector<1xi32>
      %shift_right_arithmetic3A_81 = arith.constant 7 : i32
      %shift_right_arithmetic3A_82 = arith.shrsi %squeeze3A_80, %shift_right_arithmetic3A_81 : i32
      %mul3A_83 = arith.constant 128 : i32
      %mul3A_84 = arith.muli %shift_right_arithmetic3A_82, %mul3A_83 : i32
      %multiple_of3A_85 = tpu.assume_multiple %mul3A_84, 128 : i32
      %dma_start3A_86 = arith.constant 1 : i32
      %dma_start3A_87 = arith.constant 0 : i32
      %dma_start3A_88 = arith.constant 0 : i32
      %dma_start3A_89 = tpu.memref_slice %arg8[%dma_start3A_86, %dma_start3A_87, %dma_start3A_88] : memref<16x32x128xf32, #tpu.memory_space<vmem>> -> memref<1x32x128xf32, #tpu.memory_space<vmem>>
      %dma_start3A_90 = tpu.memref_squeeze %dma_start3A_89 : memref<1x32x128xf32, #tpu.memory_space<vmem>> -> memref<32x128xf32, #tpu.memory_space<vmem>>
      %dma_start3A_91 = arith.constant 0 : i32
      %dma_start3A_92 = tpu.memref_slice %arg4[%dma_start3A_91, %multiple_of3A_85] : memref<32x1000000xf32, #tpu.memory_space<hbm>> -> memref<32x128xf32, #tpu.memory_space<hbm>>
      %dma_start3A_93 = arith.constant 0 : i32
      %dma_start3A_94 = arith.constant 0 : i32
      %dma_start3A_95 = tpu.memref_slice %arg8[%dma_start3A_86, %dma_start3A_93, %dma_start3A_94] : memref<16x32x128xf32, #tpu.memory_space<vmem>> -> memref<1x32x128xf32, #tpu.memory_space<vmem>>
      %dma_start3A_96 = tpu.memref_squeeze %dma_start3A_95 : memref<1x32x128xf32, #tpu.memory_space<vmem>> -> memref<32x128xf32, #tpu.memory_space<vmem>>
      %dma_start3A_97 = arith.constant 0 : i32
      %dma_start3A_98 = tpu.memref_slice %arg4[%dma_start3A_97, %multiple_of3A_85] : memref<32x1000000xf32, #tpu.memory_space<hbm>> -> memref<32x128xf32, #tpu.memory_space<hbm>>
      tpu.enqueue_dma source(%dma_start3A_98 : memref<32x128xf32, #tpu.memory_space<hbm>>) target(%dma_start3A_96 : memref<32x128xf32, #tpu.memory_space<vmem>>) target_semaphore(%arg10 : memref<!tpu.dma_semaphore, #tpu.memory_space<semaphore_mem>>)
      %slice3A_99 = vector.extract_strided_slice %get3A_60 {offsets = [2], sizes = [1], strides = [1]} : vector<16xi32> to vector<1xi32>
      %squeeze3A_100 = vector.extract %slice3A_99[0] : i32 from vector<1xi32>
      %shift_right_arithmetic3A_101 = arith.constant 7 : i32
      %shift_right_arithmetic3A_102 = arith.shrsi %squeeze3A_100, %shift_right_arithmetic3A_101 : i32
      %mul3A_103 = arith.constant 128 : i32
      %mul3A_104 = arith.muli %shift_right_arithmetic3A_102, %mul3A_103 : i32
      %multiple_of3A_105 = tpu.assume_multiple %mul3A_104, 128 : i32
      %dma_start3A_106 = arith.constant 2 : i32
      %dma_start3A_107 = arith.constant 0 : i32
      %dma_start3A_108 = arith.constant 0 : i32
      %dma_start3A_109 = tpu.memref_slice %arg8[%dma_start3A_106, %dma_start3A_107, %dma_start3A_108] : memref<16x32x128xf32, #tpu.memory_space<vmem>> -> memref<1x32x128xf32, #tpu.memory_space<vmem>>
      %dma_start3A_110 = tpu.memref_squeeze %dma_start3A_109 : memref<1x32x128xf32, #tpu.memory_space<vmem>> -> memref<32x128xf32, #tpu.memory_space<vmem>>
      %dma_start3A_111 = arith.constant 0 : i32
      %dma_start3A_112 = tpu.memref_slice %arg4[%dma_start3A_111, %multiple_of3A_105] : memref<32x1000000xf32, #tpu.memory_space<hbm>> -> memref<32x128xf32, #tpu.memory_space<hbm>>
      %dma_start3A_113 = arith.constant 0 : i32
      %dma_start3A_114 = arith.constant 0 : i32
      %dma_start3A_115 = tpu.memref_slice %arg8[%dma_start3A_106, %dma_start3A_113, %dma_start3A_114] : memref<16x32x128xf32, #tpu.memory_space<vmem>> -> memref<1x32x128xf32, #tpu.memory_space<vmem>>
      %dma_start3A_116 = tpu.memref_squeeze %dma_start3A_115 : memref<1x32x128xf32, #tpu.memory_space<vmem>> -> memref<32x128xf32, #tpu.memory_space<vmem>>
      %dma_start3A_117 = arith.constant 0 : i32
      %dma_start3A_118 = tpu.memref_slice %arg4[%dma_start3A_117, %multiple_of3A_105] : memref<32x1000000xf32, #tpu.memory_space<hbm>> -> memref<32x128xf32, #tpu.memory_space<hbm>>
      tpu.enqueue_dma source(%dma_start3A_118 : memref<32x128xf32, #tpu.memory_space<hbm>>) target(%dma_start3A_116 : memref<32x128xf32, #tpu.memory_space<vmem>>) target_semaphore(%arg10 : memref<!tpu.dma_semaphore, #tpu.memory_space<semaphore_mem>>)
      %slice3A_119 = vector.extract_strided_slice %get3A_60 {offsets = [3], sizes = [1], strides = [1]} : vector<16xi32> to vector<1xi32>
      %squeeze3A_120 = vector.extract %slice3A_119[0] : i32 from vector<1xi32>
      %shift_right_arithmetic3A_121 = arith.constant 7 : i32
      %shift_right_arithmetic3A_122 = arith.shrsi %squeeze3A_120, %shift_right_arithmetic3A_121 : i32
      %mul3A_123 = arith.constant 128 : i32
      %mul3A_124 = arith.muli %shift_right_arithmetic3A_122, %mul3A_123 : i32
      %multiple_of3A_125 = tpu.assume_multiple %mul3A_124, 128 : i32
      %dma_start3A_126 = arith.constant 3 : i32
      %dma_start3A_127 = arith.constant 0 : i32
      %dma_start3A_128 = arith.constant 0 : i32
      %dma_start3A_129 = tpu.memref_slice %arg8[%dma_start3A_126, %dma_start3A_127, %dma_start3A_128] : memref<16x32x128xf32, #tpu.memory_space<vmem>> -> memref<1x32x128xf32, #tpu.memory_space<vmem>>
      %dma_start3A_130 = tpu.memref_squeeze %dma_start3A_129 : memref<1x32x128xf32, #tpu.memory_space<vmem>> -> memref<32x128xf32, #tpu.memory_space<vmem>>
      %dma_start3A_131 = arith.constant 0 : i32
      %dma_start3A_132 = tpu.memref_slice %arg4[%dma_start3A_131, %multiple_of3A_125] : memref<32x1000000xf32, #tpu.memory_space<hbm>> -> memref<32x128xf32, #tpu.memory_space<hbm>>
      %dma_start3A_133 = arith.constant 0 : i32
      %dma_start3A_134 = arith.constant 0 : i32
      %dma_start3A_135 = tpu.memref_slice %arg8[%dma_start3A_126, %dma_start3A_133, %dma_start3A_134] : memref<16x32x128xf32, #tpu.memory_space<vmem>> -> memref<1x32x128xf32, #tpu.memory_space<vmem>>
      %dma_start3A_136 = tpu.memref_squeeze %dma_start3A_135 : memref<1x32x128xf32, #tpu.memory_space<vmem>> -> memref<32x128xf32, #tpu.memory_space<vmem>>
      %dma_start3A_137 = arith.constant 0 : i32
      %dma_start3A_138 = tpu.memref_slice %arg4[%dma_start3A_137, %multiple_of3A_125] : memref<32x1000000xf32, #tpu.memory_space<hbm>> -> memref<32x128xf32, #tpu.memory_space<hbm>>
      tpu.enqueue_dma source(%dma_start3A_138 : memref<32x128xf32, #tpu.memory_space<hbm>>) target(%dma_start3A_136 : memref<32x128xf32, #tpu.memory_space<vmem>>) target_semaphore(%arg10 : memref<!tpu.dma_semaphore, #tpu.memory_space<semaphore_mem>>)
      %slice3A_139 = vector.extract_strided_slice %get3A_60 {offsets = [4], sizes = [1], strides = [1]} : vector<16xi32> to vector<1xi32>
      %squeeze3A_140 = vector.extract %slice3A_139[0] : i32 from vector<1xi32>
      %shift_right_arithmetic3A_141 = arith.constant 7 : i32
      %shift_right_arithmetic3A_142 = arith.shrsi %squeeze3A_140, %shift_right_arithmetic3A_141 : i32
      %mul3A_143 = arith.constant 128 : i32
      %mul3A_144 = arith.muli %shift_right_arithmetic3A_142, %mul3A_143 : i32
      %multiple_of3A_145 = tpu.assume_multiple %mul3A_144, 128 : i32
      %dma_start3A_146 = arith.constant 4 : i32
      %dma_start3A_147 = arith.constant 0 : i32
      %dma_start3A_148 = arith.constant 0 : i32
      %dma_start3A_149 = tpu.memref_slice %arg8[%dma_start3A_146, %dma_start3A_147, %dma_start3A_148] : memref<16x32x128xf32, #tpu.memory_space<vmem>> -> memref<1x32x128xf32, #tpu.memory_space<vmem>>
      %dma_start3A_150 = tpu.memref_squeeze %dma_start3A_149 : memref<1x32x128xf32, #tpu.memory_space<vmem>> -> memref<32x128xf32, #tpu.memory_space<vmem>>
      %dma_start3A_151 = arith.constant 0 : i32
      %dma_start3A_152 = tpu.memref_slice %arg4[%dma_start3A_151, %multiple_of3A_145] : memref<32x1000000xf32, #tpu.memory_space<hbm>> -> memref<32x128xf32, #tpu.memory_space<hbm>>
      %dma_start3A_153 = arith.constant 0 : i32
      %dma_start3A_154 = arith.constant 0 : i32
      %dma_start3A_155 = tpu.memref_slice %arg8[%dma_start3A_146, %dma_start3A_153, %dma_start3A_154] : memref<16x32x128xf32, #tpu.memory_space<vmem>> -> memref<1x32x128xf32, #tpu.memory_space<vmem>>
      %dma_start3A_156 = tpu.memref_squeeze %dma_start3A_155 : memref<1x32x128xf32, #tpu.memory_space<vmem>> -> memref<32x128xf32, #tpu.memory_space<vmem>>
      %dma_start3A_157 = arith.constant 0 : i32
      %dma_start3A_158 = tpu.memref_slice %arg4[%dma_start3A_157, %multiple_of3A_145] : memref<32x1000000xf32, #tpu.memory_space<hbm>> -> memref<32x128xf32, #tpu.memory_space<hbm>>
      tpu.enqueue_dma source(%dma_start3A_158 : memref<32x128xf32, #tpu.memory_space<hbm>>) target(%dma_start3A_156 : memref<32x128xf32, #tpu.memory_space<vmem>>) target_semaphore(%arg10 : memref<!tpu.dma_semaphore, #tpu.memory_space<semaphore_mem>>)
      %slice3A_159 = vector.extract_strided_slice %get3A_60 {offsets = [5], sizes = [1], strides = [1]} : vector<16xi32> to vector<1xi32>
      %squeeze3A_160 = vector.extract %slice3A_159[0] : i32 from vector<1xi32>
      %shift_right_arithmetic3A_161 = arith.constant 7 : i32
      %shift_right_arithmetic3A_162 = arith.shrsi %squeeze3A_160, %shift_right_arithmetic3A_161 : i32
      %mul3A_163 = arith.constant 128 : i32
      %mul3A_164 = arith.muli %shift_right_arithmetic3A_162, %mul3A_163 : i32
      %multiple_of3A_165 = tpu.assume_multiple %mul3A_164, 128 : i32
      %dma_start3A_166 = arith.constant 5 : i32
      %dma_start3A_167 = arith.constant 0 : i32
      %dma_start3A_168 = arith.constant 0 : i32
      %dma_start3A_169 = tpu.memref_slice %arg8[%dma_start3A_166, %dma_start3A_167, %dma_start3A_168] : memref<16x32x128xf32, #tpu.memory_space<vmem>> -> memref<1x32x128xf32, #tpu.memory_space<vmem>>
      %dma_start3A_170 = tpu.memref_squeeze %dma_start3A_169 : memref<1x32x128xf32, #tpu.memory_space<vmem>> -> memref<32x128xf32, #tpu.memory_space<vmem>>
      %dma_start3A_171 = arith.constant 0 : i32
      %dma_start3A_172 = tpu.memref_slice %arg4[%dma_start3A_171, %multiple_of3A_165] : memref<32x1000000xf32, #tpu.memory_space<hbm>> -> memref<32x128xf32, #tpu.memory_space<hbm>>
      %dma_start3A_173 = arith.constant 0 : i32
      %dma_start3A_174 = arith.constant 0 : i32
      %dma_start3A_175 = tpu.memref_slice %arg8[%dma_start3A_166, %dma_start3A_173, %dma_start3A_174] : memref<16x32x128xf32, #tpu.memory_space<vmem>> -> memref<1x32x128xf32, #tpu.memory_space<vmem>>
      %dma_start3A_176 = tpu.memref_squeeze %dma_start3A_175 : memref<1x32x128xf32, #tpu.memory_space<vmem>> -> memref<32x128xf32, #tpu.memory_space<vmem>>
      %dma_start3A_177 = arith.constant 0 : i32
      %dma_start3A_178 = tpu.memref_slice %arg4[%dma_start3A_177, %multiple_of3A_165] : memref<32x1000000xf32, #tpu.memory_space<hbm>> -> memref<32x128xf32, #tpu.memory_space<hbm>>
      tpu.enqueue_dma source(%dma_start3A_178 : memref<32x128xf32, #tpu.memory_space<hbm>>) target(%dma_start3A_176 : memref<32x128xf32, #tpu.memory_space<vmem>>) target_semaphore(%arg10 : memref<!tpu.dma_semaphore, #tpu.memory_space<semaphore_mem>>)
      %slice3A_179 = vector.extract_strided_slice %get3A_60 {offsets = [6], sizes = [1], strides = [1]} : vector<16xi32> to vector<1xi32>
      %squeeze3A_180 = vector.extract %slice3A_179[0] : i32 from vector<1xi32>
      %shift_right_arithmetic3A_181 = arith.constant 7 : i32
      %shift_right_arithmetic3A_182 = arith.shrsi %squeeze3A_180, %shift_right_arithmetic3A_181 : i32
      %mul3A_183 = arith.constant 128 : i32
      %mul3A_184 = arith.muli %shift_right_arithmetic3A_182, %mul3A_183 : i32
      %multiple_of3A_185 = tpu.assume_multiple %mul3A_184, 128 : i32
      %dma_start3A_186 = arith.constant 6 : i32
      %dma_start3A_187 = arith.constant 0 : i32
      %dma_start3A_188 = arith.constant 0 : i32
      %dma_start3A_189 = tpu.memref_slice %arg8[%dma_start3A_186, %dma_start3A_187, %dma_start3A_188] : memref<16x32x128xf32, #tpu.memory_space<vmem>> -> memref<1x32x128xf32, #tpu.memory_space<vmem>>
      %dma_start3A_190 = tpu.memref_squeeze %dma_start3A_189 : memref<1x32x128xf32, #tpu.memory_space<vmem>> -> memref<32x128xf32, #tpu.memory_space<vmem>>
      %dma_start3A_191 = arith.constant 0 : i32
      %dma_start3A_192 = tpu.memref_slice %arg4[%dma_start3A_191, %multiple_of3A_185] : memref<32x1000000xf32, #tpu.memory_space<hbm>> -> memref<32x128xf32, #tpu.memory_space<hbm>>
      %dma_start3A_193 = arith.constant 0 : i32
      %dma_start3A_194 = arith.constant 0 : i32
      %dma_start3A_195 = tpu.memref_slice %arg8[%dma_start3A_186, %dma_start3A_193, %dma_start3A_194] : memref<16x32x128xf32, #tpu.memory_space<vmem>> -> memref<1x32x128xf32, #tpu.memory_space<vmem>>
      %dma_start3A_196 = tpu.memref_squeeze %dma_start3A_195 : memref<1x32x128xf32, #tpu.memory_space<vmem>> -> memref<32x128xf32, #tpu.memory_space<vmem>>
      %dma_start3A_197 = arith.constant 0 : i32
      %dma_start3A_198 = tpu.memref_slice %arg4[%dma_start3A_197, %multiple_of3A_185] : memref<32x1000000xf32, #tpu.memory_space<hbm>> -> memref<32x128xf32, #tpu.memory_space<hbm>>
      tpu.enqueue_dma source(%dma_start3A_198 : memref<32x128xf32, #tpu.memory_space<hbm>>) target(%dma_start3A_196 : memref<32x128xf32, #tpu.memory_space<vmem>>) target_semaphore(%arg10 : memref<!tpu.dma_semaphore, #tpu.memory_space<semaphore_mem>>)
      %slice3A_199 = vector.extract_strided_slice %get3A_60 {offsets = [7], sizes = [1], strides = [1]} : vector<16xi32> to vector<1xi32>
      %squeeze3A_200 = vector.extract %slice3A_199[0] : i32 from vector<1xi32>
      %shift_right_arithmetic3A_201 = arith.constant 7 : i32
      %shift_right_arithmetic3A_202 = arith.shrsi %squeeze3A_200, %shift_right_arithmetic3A_201 : i32
      %mul3A_203 = arith.constant 128 : i32
      %mul3A_204 = arith.muli %shift_right_arithmetic3A_202, %mul3A_203 : i32
      %multiple_of3A_205 = tpu.assume_multiple %mul3A_204, 128 : i32
      %dma_start3A_206 = arith.constant 7 : i32
      %dma_start3A_207 = arith.constant 0 : i32
      %dma_start3A_208 = arith.constant 0 : i32
      %dma_start3A_209 = tpu.memref_slice %arg8[%dma_start3A_206, %dma_start3A_207, %dma_start3A_208] : memref<16x32x128xf32, #tpu.memory_space<vmem>> -> memref<1x32x128xf32, #tpu.memory_space<vmem>>
      %dma_start3A_210 = tpu.memref_squeeze %dma_start3A_209 : memref<1x32x128xf32, #tpu.memory_space<vmem>> -> memref<32x128xf32, #tpu.memory_space<vmem>>
      %dma_start3A_211 = arith.constant 0 : i32
      %dma_start3A_212 = tpu.memref_slice %arg4[%dma_start3A_211, %multiple_of3A_205] : memref<32x1000000xf32, #tpu.memory_space<hbm>> -> memref<32x128xf32, #tpu.memory_space<hbm>>
      %dma_start3A_213 = arith.constant 0 : i32
      %dma_start3A_214 = arith.constant 0 : i32
      %dma_start3A_215 = tpu.memref_slice %arg8[%dma_start3A_206, %dma_start3A_213, %dma_start3A_214] : memref<16x32x128xf32, #tpu.memory_space<vmem>> -> memref<1x32x128xf32, #tpu.memory_space<vmem>>
      %dma_start3A_216 = tpu.memref_squeeze %dma_start3A_215 : memref<1x32x128xf32, #tpu.memory_space<vmem>> -> memref<32x128xf32, #tpu.memory_space<vmem>>
      %dma_start3A_217 = arith.constant 0 : i32
      %dma_start3A_218 = tpu.memref_slice %arg4[%dma_start3A_217, %multiple_of3A_205] : memref<32x1000000xf32, #tpu.memory_space<hbm>> -> memref<32x128xf32, #tpu.memory_space<hbm>>
      tpu.enqueue_dma source(%dma_start3A_218 : memref<32x128xf32, #tpu.memory_space<hbm>>) target(%dma_start3A_216 : memref<32x128xf32, #tpu.memory_space<vmem>>) target_semaphore(%arg10 : memref<!tpu.dma_semaphore, #tpu.memory_space<semaphore_mem>>)
      %slice3A_219 = vector.extract_strided_slice %get3A_60 {offsets = [8], sizes = [1], strides = [1]} : vector<16xi32> to vector<1xi32>
      %squeeze3A_220 = vector.extract %slice3A_219[0] : i32 from vector<1xi32>
      %shift_right_arithmetic3A_221 = arith.constant 7 : i32
      %shift_right_arithmetic3A_222 = arith.shrsi %squeeze3A_220, %shift_right_arithmetic3A_221 : i32
      %mul3A_223 = arith.constant 128 : i32
      %mul3A_224 = arith.muli %shift_right_arithmetic3A_222, %mul3A_223 : i32
      %multiple_of3A_225 = tpu.assume_multiple %mul3A_224, 128 : i32
      %dma_start3A_226 = arith.constant 8 : i32
      %dma_start3A_227 = arith.constant 0 : i32
      %dma_start3A_228 = arith.constant 0 : i32
      %dma_start3A_229 = tpu.memref_slice %arg8[%dma_start3A_226, %dma_start3A_227, %dma_start3A_228] : memref<16x32x128xf32, #tpu.memory_space<vmem>> -> memref<1x32x128xf32, #tpu.memory_space<vmem>>
      %dma_start3A_230 = tpu.memref_squeeze %dma_start3A_229 : memref<1x32x128xf32, #tpu.memory_space<vmem>> -> memref<32x128xf32, #tpu.memory_space<vmem>>
      %dma_start3A_231 = arith.constant 0 : i32
      %dma_start3A_232 = tpu.memref_slice %arg4[%dma_start3A_231, %multiple_of3A_225] : memref<32x1000000xf32, #tpu.memory_space<hbm>> -> memref<32x128xf32, #tpu.memory_space<hbm>>
      %dma_start3A_233 = arith.constant 0 : i32
      %dma_start3A_234 = arith.constant 0 : i32
      %dma_start3A_235 = tpu.memref_slice %arg8[%dma_start3A_226, %dma_start3A_233, %dma_start3A_234] : memref<16x32x128xf32, #tpu.memory_space<vmem>> -> memref<1x32x128xf32, #tpu.memory_space<vmem>>
      %dma_start3A_236 = tpu.memref_squeeze %dma_start3A_235 : memref<1x32x128xf32, #tpu.memory_space<vmem>> -> memref<32x128xf32, #tpu.memory_space<vmem>>
      %dma_start3A_237 = arith.constant 0 : i32
      %dma_start3A_238 = tpu.memref_slice %arg4[%dma_start3A_237, %multiple_of3A_225] : memref<32x1000000xf32, #tpu.memory_space<hbm>> -> memref<32x128xf32, #tpu.memory_space<hbm>>
      tpu.enqueue_dma source(%dma_start3A_238 : memref<32x128xf32, #tpu.memory_space<hbm>>) target(%dma_start3A_236 : memref<32x128xf32, #tpu.memory_space<vmem>>) target_semaphore(%arg10 : memref<!tpu.dma_semaphore, #tpu.memory_space<semaphore_mem>>)
      %slice3A_239 = vector.extract_strided_slice %get3A_60 {offsets = [9], sizes = [1], strides = [1]} : vector<16xi32> to vector<1xi32>
      %squeeze3A_240 = vector.extract %slice3A_239[0] : i32 from vector<1xi32>
      %shift_right_arithmetic3A_241 = arith.constant 7 : i32
      %shift_right_arithmetic3A_242 = arith.shrsi %squeeze3A_240, %shift_right_arithmetic3A_241 : i32
      %mul3A_243 = arith.constant 128 : i32
      %mul3A_244 = arith.muli %shift_right_arithmetic3A_242, %mul3A_243 : i32
      %multiple_of3A_245 = tpu.assume_multiple %mul3A_244, 128 : i32
      %dma_start3A_246 = arith.constant 9 : i32
      %dma_start3A_247 = arith.constant 0 : i32
      %dma_start3A_248 = arith.constant 0 : i32
      %dma_start3A_249 = tpu.memref_slice %arg8[%dma_start3A_246, %dma_start3A_247, %dma_start3A_248] : memref<16x32x128xf32, #tpu.memory_space<vmem>> -> memref<1x32x128xf32, #tpu.memory_space<vmem>>
      %dma_start3A_250 = tpu.memref_squeeze %dma_start3A_249 : memref<1x32x128xf32, #tpu.memory_space<vmem>> -> memref<32x128xf32, #tpu.memory_space<vmem>>
      %dma_start3A_251 = arith.constant 0 : i32
      %dma_start3A_252 = tpu.memref_slice %arg4[%dma_start3A_251, %multiple_of3A_245] : memref<32x1000000xf32, #tpu.memory_space<hbm>> -> memref<32x128xf32, #tpu.memory_space<hbm>>
      %dma_start3A_253 = arith.constant 0 : i32
      %dma_start3A_254 = arith.constant 0 : i32
      %dma_start3A_255 = tpu.memref_slice %arg8[%dma_start3A_246, %dma_start3A_253, %dma_start3A_254] : memref<16x32x128xf32, #tpu.memory_space<vmem>> -> memref<1x32x128xf32, #tpu.memory_space<vmem>>
      %dma_start3A_256 = tpu.memref_squeeze %dma_start3A_255 : memref<1x32x128xf32, #tpu.memory_space<vmem>> -> memref<32x128xf32, #tpu.memory_space<vmem>>
      %dma_start3A_257 = arith.constant 0 : i32
      %dma_start3A_258 = tpu.memref_slice %arg4[%dma_start3A_257, %multiple_of3A_245] : memref<32x1000000xf32, #tpu.memory_space<hbm>> -> memref<32x128xf32, #tpu.memory_space<hbm>>
      tpu.enqueue_dma source(%dma_start3A_258 : memref<32x128xf32, #tpu.memory_space<hbm>>) target(%dma_start3A_256 : memref<32x128xf32, #tpu.memory_space<vmem>>) target_semaphore(%arg10 : memref<!tpu.dma_semaphore, #tpu.memory_space<semaphore_mem>>)
      %slice3A_259 = vector.extract_strided_slice %get3A_60 {offsets = [10], sizes = [1], strides = [1]} : vector<16xi32> to vector<1xi32>
      %squeeze3A_260 = vector.extract %slice3A_259[0] : i32 from vector<1xi32>
      %shift_right_arithmetic3A_261 = arith.constant 7 : i32
      %shift_right_arithmetic3A_262 = arith.shrsi %squeeze3A_260, %shift_right_arithmetic3A_261 : i32
      %mul3A_263 = arith.constant 128 : i32
      %mul3A_264 = arith.muli %shift_right_arithmetic3A_262, %mul3A_263 : i32
      %multiple_of3A_265 = tpu.assume_multiple %mul3A_264, 128 : i32
      %dma_start3A_266 = arith.constant 10 : i32
      %dma_start3A_267 = arith.constant 0 : i32
      %dma_start3A_268 = arith.constant 0 : i32
      %dma_start3A_269 = tpu.memref_slice %arg8[%dma_start3A_266, %dma_start3A_267, %dma_start3A_268] : memref<16x32x128xf32, #tpu.memory_space<vmem>> -> memref<1x32x128xf32, #tpu.memory_space<vmem>>
      %dma_start3A_270 = tpu.memref_squeeze %dma_start3A_269 : memref<1x32x128xf32, #tpu.memory_space<vmem>> -> memref<32x128xf32, #tpu.memory_space<vmem>>
      %dma_start3A_271 = arith.constant 0 : i32
      %dma_start3A_272 = tpu.memref_slice %arg4[%dma_start3A_271, %multiple_of3A_265] : memref<32x1000000xf32, #tpu.memory_space<hbm>> -> memref<32x128xf32, #tpu.memory_space<hbm>>
      %dma_start3A_273 = arith.constant 0 : i32
      %dma_start3A_274 = arith.constant 0 : i32
      %dma_start3A_275 = tpu.memref_slice %arg8[%dma_start3A_266, %dma_start3A_273, %dma_start3A_274] : memref<16x32x128xf32, #tpu.memory_space<vmem>> -> memref<1x32x128xf32, #tpu.memory_space<vmem>>
      %dma_start3A_276 = tpu.memref_squeeze %dma_start3A_275 : memref<1x32x128xf32, #tpu.memory_space<vmem>> -> memref<32x128xf32, #tpu.memory_space<vmem>>
      %dma_start3A_277 = arith.constant 0 : i32
      %dma_start3A_278 = tpu.memref_slice %arg4[%dma_start3A_277, %multiple_of3A_265] : memref<32x1000000xf32, #tpu.memory_space<hbm>> -> memref<32x128xf32, #tpu.memory_space<hbm>>
      tpu.enqueue_dma source(%dma_start3A_278 : memref<32x128xf32, #tpu.memory_space<hbm>>) target(%dma_start3A_276 : memref<32x128xf32, #tpu.memory_space<vmem>>) target_semaphore(%arg10 : memref<!tpu.dma_semaphore, #tpu.memory_space<semaphore_mem>>)
      %slice3A_279 = vector.extract_strided_slice %get3A_60 {offsets = [11], sizes = [1], strides = [1]} : vector<16xi32> to vector<1xi32>
      %squeeze3A_280 = vector.extract %slice3A_279[0] : i32 from vector<1xi32>
      %shift_right_arithmetic3A_281 = arith.constant 7 : i32
      %shift_right_arithmetic3A_282 = arith.shrsi %squeeze3A_280, %shift_right_arithmetic3A_281 : i32
      %mul3A_283 = arith.constant 128 : i32
      %mul3A_284 = arith.muli %shift_right_arithmetic3A_282, %mul3A_283 : i32
      %multiple_of3A_285 = tpu.assume_multiple %mul3A_284, 128 : i32
      %dma_start3A_286 = arith.constant 11 : i32
      %dma_start3A_287 = arith.constant 0 : i32
      %dma_start3A_288 = arith.constant 0 : i32
      %dma_start3A_289 = tpu.memref_slice %arg8[%dma_start3A_286, %dma_start3A_287, %dma_start3A_288] : memref<16x32x128xf32, #tpu.memory_space<vmem>> -> memref<1x32x128xf32, #tpu.memory_space<vmem>>
      %dma_start3A_290 = tpu.memref_squeeze %dma_start3A_289 : memref<1x32x128xf32, #tpu.memory_space<vmem>> -> memref<32x128xf32, #tpu.memory_space<vmem>>
      %dma_start3A_291 = arith.constant 0 : i32
      %dma_start3A_292 = tpu.memref_slice %arg4[%dma_start3A_291, %multiple_of3A_285] : memref<32x1000000xf32, #tpu.memory_space<hbm>> -> memref<32x128xf32, #tpu.memory_space<hbm>>
      %dma_start3A_293 = arith.constant 0 : i32
      %dma_start3A_294 = arith.constant 0 : i32
      %dma_start3A_295 = tpu.memref_slice %arg8[%dma_start3A_286, %dma_start3A_293, %dma_start3A_294] : memref<16x32x128xf32, #tpu.memory_space<vmem>> -> memref<1x32x128xf32, #tpu.memory_space<vmem>>
      %dma_start3A_296 = tpu.memref_squeeze %dma_start3A_295 : memref<1x32x128xf32, #tpu.memory_space<vmem>> -> memref<32x128xf32, #tpu.memory_space<vmem>>
      %dma_start3A_297 = arith.constant 0 : i32
      %dma_start3A_298 = tpu.memref_slice %arg4[%dma_start3A_297, %multiple_of3A_285] : memref<32x1000000xf32, #tpu.memory_space<hbm>> -> memref<32x128xf32, #tpu.memory_space<hbm>>
      tpu.enqueue_dma source(%dma_start3A_298 : memref<32x128xf32, #tpu.memory_space<hbm>>) target(%dma_start3A_296 : memref<32x128xf32, #tpu.memory_space<vmem>>) target_semaphore(%arg10 : memref<!tpu.dma_semaphore, #tpu.memory_space<semaphore_mem>>)
      %slice3A_299 = vector.extract_strided_slice %get3A_60 {offsets = [12], sizes = [1], strides = [1]} : vector<16xi32> to vector<1xi32>
      %squeeze3A_300 = vector.extract %slice3A_299[0] : i32 from vector<1xi32>
      %shift_right_arithmetic3A_301 = arith.constant 7 : i32
      %shift_right_arithmetic3A_302 = arith.shrsi %squeeze3A_300, %shift_right_arithmetic3A_301 : i32
      %mul3A_303 = arith.constant 128 : i32
      %mul3A_304 = arith.muli %shift_right_arithmetic3A_302, %mul3A_303 : i32
      %multiple_of3A_305 = tpu.assume_multiple %mul3A_304, 128 : i32
      %dma_start3A_306 = arith.constant 12 : i32
      %dma_start3A_307 = arith.constant 0 : i32
      %dma_start3A_308 = arith.constant 0 : i32
      %dma_start3A_309 = tpu.memref_slice %arg8[%dma_start3A_306, %dma_start3A_307, %dma_start3A_308] : memref<16x32x128xf32, #tpu.memory_space<vmem>> -> memref<1x32x128xf32, #tpu.memory_space<vmem>>
      %dma_start3A_310 = tpu.memref_squeeze %dma_start3A_309 : memref<1x32x128xf32, #tpu.memory_space<vmem>> -> memref<32x128xf32, #tpu.memory_space<vmem>>
      %dma_start3A_311 = arith.constant 0 : i32
      %dma_start3A_312 = tpu.memref_slice %arg4[%dma_start3A_311, %multiple_of3A_305] : memref<32x1000000xf32, #tpu.memory_space<hbm>> -> memref<32x128xf32, #tpu.memory_space<hbm>>
      %dma_start3A_313 = arith.constant 0 : i32
      %dma_start3A_314 = arith.constant 0 : i32
      %dma_start3A_315 = tpu.memref_slice %arg8[%dma_start3A_306, %dma_start3A_313, %dma_start3A_314] : memref<16x32x128xf32, #tpu.memory_space<vmem>> -> memref<1x32x128xf32, #tpu.memory_space<vmem>>
      %dma_start3A_316 = tpu.memref_squeeze %dma_start3A_315 : memref<1x32x128xf32, #tpu.memory_space<vmem>> -> memref<32x128xf32, #tpu.memory_space<vmem>>
      %dma_start3A_317 = arith.constant 0 : i32
      %dma_start3A_318 = tpu.memref_slice %arg4[%dma_start3A_317, %multiple_of3A_305] : memref<32x1000000xf32, #tpu.memory_space<hbm>> -> memref<32x128xf32, #tpu.memory_space<hbm>>
      tpu.enqueue_dma source(%dma_start3A_318 : memref<32x128xf32, #tpu.memory_space<hbm>>) target(%dma_start3A_316 : memref<32x128xf32, #tpu.memory_space<vmem>>) target_semaphore(%arg10 : memref<!tpu.dma_semaphore, #tpu.memory_space<semaphore_mem>>)
      %slice3A_319 = vector.extract_strided_slice %get3A_60 {offsets = [13], sizes = [1], strides = [1]} : vector<16xi32> to vector<1xi32>
      %squeeze3A_320 = vector.extract %slice3A_319[0] : i32 from vector<1xi32>
      %shift_right_arithmetic3A_321 = arith.constant 7 : i32
      %shift_right_arithmetic3A_322 = arith.shrsi %squeeze3A_320, %shift_right_arithmetic3A_321 : i32
      %mul3A_323 = arith.constant 128 : i32
      %mul3A_324 = arith.muli %shift_right_arithmetic3A_322, %mul3A_323 : i32
      %multiple_of3A_325 = tpu.assume_multiple %mul3A_324, 128 : i32
      %dma_start3A_326 = arith.constant 13 : i32
      %dma_start3A_327 = arith.constant 0 : i32
      %dma_start3A_328 = arith.constant 0 : i32
      %dma_start3A_329 = tpu.memref_slice %arg8[%dma_start3A_326, %dma_start3A_327, %dma_start3A_328] : memref<16x32x128xf32, #tpu.memory_space<vmem>> -> memref<1x32x128xf32, #tpu.memory_space<vmem>>
      %dma_start3A_330 = tpu.memref_squeeze %dma_start3A_329 : memref<1x32x128xf32, #tpu.memory_space<vmem>> -> memref<32x128xf32, #tpu.memory_space<vmem>>
      %dma_start3A_331 = arith.constant 0 : i32
      %dma_start3A_332 = tpu.memref_slice %arg4[%dma_start3A_331, %multiple_of3A_325] : memref<32x1000000xf32, #tpu.memory_space<hbm>> -> memref<32x128xf32, #tpu.memory_space<hbm>>
      %dma_start3A_333 = arith.constant 0 : i32
      %dma_start3A_334 = arith.constant 0 : i32
      %dma_start3A_335 = tpu.memref_slice %arg8[%dma_start3A_326, %dma_start3A_333, %dma_start3A_334] : memref<16x32x128xf32, #tpu.memory_space<vmem>> -> memref<1x32x128xf32, #tpu.memory_space<vmem>>
      %dma_start3A_336 = tpu.memref_squeeze %dma_start3A_335 : memref<1x32x128xf32, #tpu.memory_space<vmem>> -> memref<32x128xf32, #tpu.memory_space<vmem>>
      %dma_start3A_337 = arith.constant 0 : i32
      %dma_start3A_338 = tpu.memref_slice %arg4[%dma_start3A_337, %multiple_of3A_325] : memref<32x1000000xf32, #tpu.memory_space<hbm>> -> memref<32x128xf32, #tpu.memory_space<hbm>>
      tpu.enqueue_dma source(%dma_start3A_338 : memref<32x128xf32, #tpu.memory_space<hbm>>) target(%dma_start3A_336 : memref<32x128xf32, #tpu.memory_space<vmem>>) target_semaphore(%arg10 : memref<!tpu.dma_semaphore, #tpu.memory_space<semaphore_mem>>)
      %slice3A_339 = vector.extract_strided_slice %get3A_60 {offsets = [14], sizes = [1], strides = [1]} : vector<16xi32> to vector<1xi32>
      %squeeze3A_340 = vector.extract %slice3A_339[0] : i32 from vector<1xi32>
      %shift_right_arithmetic3A_341 = arith.constant 7 : i32
      %shift_right_arithmetic3A_342 = arith.shrsi %squeeze3A_340, %shift_right_arithmetic3A_341 : i32
      %mul3A_343 = arith.constant 128 : i32
      %mul3A_344 = arith.muli %shift_right_arithmetic3A_342, %mul3A_343 : i32
      %multiple_of3A_345 = tpu.assume_multiple %mul3A_344, 128 : i32
      %dma_start3A_346 = arith.constant 14 : i32
      %dma_start3A_347 = arith.constant 0 : i32
      %dma_start3A_348 = arith.constant 0 : i32
      %dma_start3A_349 = tpu.memref_slice %arg8[%dma_start3A_346, %dma_start3A_347, %dma_start3A_348] : memref<16x32x128xf32, #tpu.memory_space<vmem>> -> memref<1x32x128xf32, #tpu.memory_space<vmem>>
      %dma_start3A_350 = tpu.memref_squeeze %dma_start3A_349 : memref<1x32x128xf32, #tpu.memory_space<vmem>> -> memref<32x128xf32, #tpu.memory_space<vmem>>
      %dma_start3A_351 = arith.constant 0 : i32
      %dma_start3A_352 = tpu.memref_slice %arg4[%dma_start3A_351, %multiple_of3A_345] : memref<32x1000000xf32, #tpu.memory_space<hbm>> -> memref<32x128xf32, #tpu.memory_space<hbm>>
      %dma_start3A_353 = arith.constant 0 : i32
      %dma_start3A_354 = arith.constant 0 : i32
      %dma_start3A_355 = tpu.memref_slice %arg8[%dma_start3A_346, %dma_start3A_353, %dma_start3A_354] : memref<16x32x128xf32, #tpu.memory_space<vmem>> -> memref<1x32x128xf32, #tpu.memory_space<vmem>>
      %dma_start3A_356 = tpu.memref_squeeze %dma_start3A_355 : memref<1x32x128xf32, #tpu.memory_space<vmem>> -> memref<32x128xf32, #tpu.memory_space<vmem>>
      %dma_start3A_357 = arith.constant 0 : i32
      %dma_start3A_358 = tpu.memref_slice %arg4[%dma_start3A_357, %multiple_of3A_345] : memref<32x1000000xf32, #tpu.memory_space<hbm>> -> memref<32x128xf32, #tpu.memory_space<hbm>>
      tpu.enqueue_dma source(%dma_start3A_358 : memref<32x128xf32, #tpu.memory_space<hbm>>) target(%dma_start3A_356 : memref<32x128xf32, #tpu.memory_space<vmem>>) target_semaphore(%arg10 : memref<!tpu.dma_semaphore, #tpu.memory_space<semaphore_mem>>)
      %slice3A_359 = vector.extract_strided_slice %get3A_60 {offsets = [15], sizes = [1], strides = [1]} : vector<16xi32> to vector<1xi32>
      %squeeze3A_360 = vector.extract %slice3A_359[0] : i32 from vector<1xi32>
      %shift_right_arithmetic3A_361 = arith.constant 7 : i32
      %shift_right_arithmetic3A_362 = arith.shrsi %squeeze3A_360, %shift_right_arithmetic3A_361 : i32
      %mul3A_363 = arith.constant 128 : i32
      %mul3A_364 = arith.muli %shift_right_arithmetic3A_362, %mul3A_363 : i32
      %multiple_of3A_365 = tpu.assume_multiple %mul3A_364, 128 : i32
      %dma_start3A_366 = arith.constant 15 : i32
      %dma_start3A_367 = arith.constant 0 : i32
      %dma_start3A_368 = arith.constant 0 : i32
      %dma_start3A_369 = tpu.memref_slice %arg8[%dma_start3A_366, %dma_start3A_367, %dma_start3A_368] : memref<16x32x128xf32, #tpu.memory_space<vmem>> -> memref<1x32x128xf32, #tpu.memory_space<vmem>>
      %dma_start3A_370 = tpu.memref_squeeze %dma_start3A_369 : memref<1x32x128xf32, #tpu.memory_space<vmem>> -> memref<32x128xf32, #tpu.memory_space<vmem>>
      %dma_start3A_371 = arith.constant 0 : i32
      %dma_start3A_372 = tpu.memref_slice %arg4[%dma_start3A_371, %multiple_of3A_365] : memref<32x1000000xf32, #tpu.memory_space<hbm>> -> memref<32x128xf32, #tpu.memory_space<hbm>>
      %dma_start3A_373 = arith.constant 0 : i32
      %dma_start3A_374 = arith.constant 0 : i32
      %dma_start3A_375 = tpu.memref_slice %arg8[%dma_start3A_366, %dma_start3A_373, %dma_start3A_374] : memref<16x32x128xf32, #tpu.memory_space<vmem>> -> memref<1x32x128xf32, #tpu.memory_space<vmem>>
      %dma_start3A_376 = tpu.memref_squeeze %dma_start3A_375 : memref<1x32x128xf32, #tpu.memory_space<vmem>> -> memref<32x128xf32, #tpu.memory_space<vmem>>
      %dma_start3A_377 = arith.constant 0 : i32
      %dma_start3A_378 = tpu.memref_slice %arg4[%dma_start3A_377, %multiple_of3A_365] : memref<32x1000000xf32, #tpu.memory_space<hbm>> -> memref<32x128xf32, #tpu.memory_space<hbm>>
      tpu.enqueue_dma source(%dma_start3A_378 : memref<32x128xf32, #tpu.memory_space<hbm>>) target(%dma_start3A_376 : memref<32x128xf32, #tpu.memory_space<vmem>>) target_semaphore(%arg10 : memref<!tpu.dma_semaphore, #tpu.memory_space<semaphore_mem>>)
      %dma_wait3A = arith.constant 0 : i32
      %dma_wait3A_379 = arith.constant 0 : i32
      %dma_wait3A_380 = arith.constant 0 : i32
      %dma_wait3A_381 = tpu.memref_slice %arg8[%dma_wait3A, %dma_wait3A_379, %dma_wait3A_380] : memref<16x32x128xf32, #tpu.memory_space<vmem>> -> memref<1x32x128xf32, #tpu.memory_space<vmem>>
      %dma_wait3A_382 = tpu.memref_squeeze %dma_wait3A_381 : memref<1x32x128xf32, #tpu.memory_space<vmem>> -> memref<32x128xf32, #tpu.memory_space<vmem>>
      %dma_wait3A_383 = arith.constant 0 : i32
      %dma_wait3A_384 = arith.constant 0 : i32
      %dma_wait3A_385 = tpu.memref_slice %arg4[%dma_wait3A_383, %dma_wait3A_384] : memref<32x1000000xf32, #tpu.memory_space<hbm>> -> memref<32x128xf32, #tpu.memory_space<hbm>>
      %dma_wait3A_386 = arith.constant 0 : i32
      %dma_wait3A_387 = arith.constant 0 : i32
      %dma_wait3A_388 = tpu.memref_slice %arg8[%dma_wait3A, %dma_wait3A_386, %dma_wait3A_387] : memref<16x32x128xf32, #tpu.memory_space<vmem>> -> memref<1x32x128xf32, #tpu.memory_space<vmem>>
      %dma_wait3A_389 = tpu.memref_squeeze %dma_wait3A_388 : memref<1x32x128xf32, #tpu.memory_space<vmem>> -> memref<32x128xf32, #tpu.memory_space<vmem>>
      %dma_wait3A_390 = arith.constant 0 : i32
      %dma_wait3A_391 = arith.constant 0 : i32
      %dma_wait3A_392 = tpu.memref_slice %arg4[%dma_wait3A_390, %dma_wait3A_391] : memref<32x1000000xf32, #tpu.memory_space<hbm>> -> memref<32x128xf32, #tpu.memory_space<hbm>>
      tpu.wait_dma2 semaphore(%arg10 : memref<!tpu.dma_semaphore, #tpu.memory_space<semaphore_mem>>) src(%dma_wait3A_392 : memref<32x128xf32, #tpu.memory_space<hbm>>) dst(%dma_wait3A_389 : memref<32x128xf32, #tpu.memory_space<vmem>>)
      %dma_wait3A_393 = arith.constant 1 : i32
      %dma_wait3A_394 = arith.constant 0 : i32
      %dma_wait3A_395 = arith.constant 0 : i32
      %dma_wait3A_396 = tpu.memref_slice %arg8[%dma_wait3A_393, %dma_wait3A_394, %dma_wait3A_395] : memref<16x32x128xf32, #tpu.memory_space<vmem>> -> memref<1x32x128xf32, #tpu.memory_space<vmem>>
      %dma_wait3A_397 = tpu.memref_squeeze %dma_wait3A_396 : memref<1x32x128xf32, #tpu.memory_space<vmem>> -> memref<32x128xf32, #tpu.memory_space<vmem>>
      %dma_wait3A_398 = arith.constant 0 : i32
      %dma_wait3A_399 = arith.constant 0 : i32
      %dma_wait3A_400 = tpu.memref_slice %arg4[%dma_wait3A_398, %dma_wait3A_399] : memref<32x1000000xf32, #tpu.memory_space<hbm>> -> memref<32x128xf32, #tpu.memory_space<hbm>>
      %dma_wait3A_401 = arith.constant 0 : i32
      %dma_wait3A_402 = arith.constant 0 : i32
      %dma_wait3A_403 = tpu.memref_slice %arg8[%dma_wait3A_393, %dma_wait3A_401, %dma_wait3A_402] : memref<16x32x128xf32, #tpu.memory_space<vmem>> -> memref<1x32x128xf32, #tpu.memory_space<vmem>>
      %dma_wait3A_404 = tpu.memref_squeeze %dma_wait3A_403 : memref<1x32x128xf32, #tpu.memory_space<vmem>> -> memref<32x128xf32, #tpu.memory_space<vmem>>
      %dma_wait3A_405 = arith.constant 0 : i32
      %dma_wait3A_406 = arith.constant 0 : i32
      %dma_wait3A_407 = tpu.memref_slice %arg4[%dma_wait3A_405, %dma_wait3A_406] : memref<32x1000000xf32, #tpu.memory_space<hbm>> -> memref<32x128xf32, #tpu.memory_space<hbm>>
      tpu.wait_dma2 semaphore(%arg10 : memref<!tpu.dma_semaphore, #tpu.memory_space<semaphore_mem>>) src(%dma_wait3A_407 : memref<32x128xf32, #tpu.memory_space<hbm>>) dst(%dma_wait3A_404 : memref<32x128xf32, #tpu.memory_space<vmem>>)
      %dma_wait3A_408 = arith.constant 2 : i32
      %dma_wait3A_409 = arith.constant 0 : i32
      %dma_wait3A_410 = arith.constant 0 : i32
      %dma_wait3A_411 = tpu.memref_slice %arg8[%dma_wait3A_408, %dma_wait3A_409, %dma_wait3A_410] : memref<16x32x128xf32, #tpu.memory_space<vmem>> -> memref<1x32x128xf32, #tpu.memory_space<vmem>>
      %dma_wait3A_412 = tpu.memref_squeeze %dma_wait3A_411 : memref<1x32x128xf32, #tpu.memory_space<vmem>> -> memref<32x128xf32, #tpu.memory_space<vmem>>
      %dma_wait3A_413 = arith.constant 0 : i32
      %dma_wait3A_414 = arith.constant 0 : i32
      %dma_wait3A_415 = tpu.memref_slice %arg4[%dma_wait3A_413, %dma_wait3A_414] : memref<32x1000000xf32, #tpu.memory_space<hbm>> -> memref<32x128xf32, #tpu.memory_space<hbm>>
      %dma_wait3A_416 = arith.constant 0 : i32
      %dma_wait3A_417 = arith.constant 0 : i32
      %dma_wait3A_418 = tpu.memref_slice %arg8[%dma_wait3A_408, %dma_wait3A_416, %dma_wait3A_417] : memref<16x32x128xf32, #tpu.memory_space<vmem>> -> memref<1x32x128xf32, #tpu.memory_space<vmem>>
      %dma_wait3A_419 = tpu.memref_squeeze %dma_wait3A_418 : memref<1x32x128xf32, #tpu.memory_space<vmem>> -> memref<32x128xf32, #tpu.memory_space<vmem>>
      %dma_wait3A_420 = arith.constant 0 : i32
      %dma_wait3A_421 = arith.constant 0 : i32
      %dma_wait3A_422 = tpu.memref_slice %arg4[%dma_wait3A_420, %dma_wait3A_421] : memref<32x1000000xf32, #tpu.memory_space<hbm>> -> memref<32x128xf32, #tpu.memory_space<hbm>>
      tpu.wait_dma2 semaphore(%arg10 : memref<!tpu.dma_semaphore, #tpu.memory_space<semaphore_mem>>) src(%dma_wait3A_422 : memref<32x128xf32, #tpu.memory_space<hbm>>) dst(%dma_wait3A_419 : memref<32x128xf32, #tpu.memory_space<vmem>>)
      %dma_wait3A_423 = arith.constant 3 : i32
      %dma_wait3A_424 = arith.constant 0 : i32
      %dma_wait3A_425 = arith.constant 0 : i32
      %dma_wait3A_426 = tpu.memref_slice %arg8[%dma_wait3A_423, %dma_wait3A_424, %dma_wait3A_425] : memref<16x32x128xf32, #tpu.memory_space<vmem>> -> memref<1x32x128xf32, #tpu.memory_space<vmem>>
      %dma_wait3A_427 = tpu.memref_squeeze %dma_wait3A_426 : memref<1x32x128xf32, #tpu.memory_space<vmem>> -> memref<32x128xf32, #tpu.memory_space<vmem>>
      %dma_wait3A_428 = arith.constant 0 : i32
      %dma_wait3A_429 = arith.constant 0 : i32
      %dma_wait3A_430 = tpu.memref_slice %arg4[%dma_wait3A_428, %dma_wait3A_429] : memref<32x1000000xf32, #tpu.memory_space<hbm>> -> memref<32x128xf32, #tpu.memory_space<hbm>>
      %dma_wait3A_431 = arith.constant 0 : i32
      %dma_wait3A_432 = arith.constant 0 : i32
      %dma_wait3A_433 = tpu.memref_slice %arg8[%dma_wait3A_423, %dma_wait3A_431, %dma_wait3A_432] : memref<16x32x128xf32, #tpu.memory_space<vmem>> -> memref<1x32x128xf32, #tpu.memory_space<vmem>>
      %dma_wait3A_434 = tpu.memref_squeeze %dma_wait3A_433 : memref<1x32x128xf32, #tpu.memory_space<vmem>> -> memref<32x128xf32, #tpu.memory_space<vmem>>
      %dma_wait3A_435 = arith.constant 0 : i32
      %dma_wait3A_436 = arith.constant 0 : i32
      %dma_wait3A_437 = tpu.memref_slice %arg4[%dma_wait3A_435, %dma_wait3A_436] : memref<32x1000000xf32, #tpu.memory_space<hbm>> -> memref<32x128xf32, #tpu.memory_space<hbm>>
      tpu.wait_dma2 semaphore(%arg10 : memref<!tpu.dma_semaphore, #tpu.memory_space<semaphore_mem>>) src(%dma_wait3A_437 : memref<32x128xf32, #tpu.memory_space<hbm>>) dst(%dma_wait3A_434 : memref<32x128xf32, #tpu.memory_space<vmem>>)
      %dma_wait3A_438 = arith.constant 4 : i32
      %dma_wait3A_439 = arith.constant 0 : i32
      %dma_wait3A_440 = arith.constant 0 : i32
      %dma_wait3A_441 = tpu.memref_slice %arg8[%dma_wait3A_438, %dma_wait3A_439, %dma_wait3A_440] : memref<16x32x128xf32, #tpu.memory_space<vmem>> -> memref<1x32x128xf32, #tpu.memory_space<vmem>>
      %dma_wait3A_442 = tpu.memref_squeeze %dma_wait3A_441 : memref<1x32x128xf32, #tpu.memory_space<vmem>> -> memref<32x128xf32, #tpu.memory_space<vmem>>
      %dma_wait3A_443 = arith.constant 0 : i32
      %dma_wait3A_444 = arith.constant 0 : i32
      %dma_wait3A_445 = tpu.memref_slice %arg4[%dma_wait3A_443, %dma_wait3A_444] : memref<32x1000000xf32, #tpu.memory_space<hbm>> -> memref<32x128xf32, #tpu.memory_space<hbm>>
      %dma_wait3A_446 = arith.constant 0 : i32
      %dma_wait3A_447 = arith.constant 0 : i32
      %dma_wait3A_448 = tpu.memref_slice %arg8[%dma_wait3A_438, %dma_wait3A_446, %dma_wait3A_447] : memref<16x32x128xf32, #tpu.memory_space<vmem>> -> memref<1x32x128xf32, #tpu.memory_space<vmem>>
      %dma_wait3A_449 = tpu.memref_squeeze %dma_wait3A_448 : memref<1x32x128xf32, #tpu.memory_space<vmem>> -> memref<32x128xf32, #tpu.memory_space<vmem>>
      %dma_wait3A_450 = arith.constant 0 : i32
      %dma_wait3A_451 = arith.constant 0 : i32
      %dma_wait3A_452 = tpu.memref_slice %arg4[%dma_wait3A_450, %dma_wait3A_451] : memref<32x1000000xf32, #tpu.memory_space<hbm>> -> memref<32x128xf32, #tpu.memory_space<hbm>>
      tpu.wait_dma2 semaphore(%arg10 : memref<!tpu.dma_semaphore, #tpu.memory_space<semaphore_mem>>) src(%dma_wait3A_452 : memref<32x128xf32, #tpu.memory_space<hbm>>) dst(%dma_wait3A_449 : memref<32x128xf32, #tpu.memory_space<vmem>>)
      %dma_wait3A_453 = arith.constant 5 : i32
      %dma_wait3A_454 = arith.constant 0 : i32
      %dma_wait3A_455 = arith.constant 0 : i32
      %dma_wait3A_456 = tpu.memref_slice %arg8[%dma_wait3A_453, %dma_wait3A_454, %dma_wait3A_455] : memref<16x32x128xf32, #tpu.memory_space<vmem>> -> memref<1x32x128xf32, #tpu.memory_space<vmem>>
      %dma_wait3A_457 = tpu.memref_squeeze %dma_wait3A_456 : memref<1x32x128xf32, #tpu.memory_space<vmem>> -> memref<32x128xf32, #tpu.memory_space<vmem>>
      %dma_wait3A_458 = arith.constant 0 : i32
      %dma_wait3A_459 = arith.constant 0 : i32
      %dma_wait3A_460 = tpu.memref_slice %arg4[%dma_wait3A_458, %dma_wait3A_459] : memref<32x1000000xf32, #tpu.memory_space<hbm>> -> memref<32x128xf32, #tpu.memory_space<hbm>>
      %dma_wait3A_461 = arith.constant 0 : i32
      %dma_wait3A_462 = arith.constant 0 : i32
      %dma_wait3A_463 = tpu.memref_slice %arg8[%dma_wait3A_453, %dma_wait3A_461, %dma_wait3A_462] : memref<16x32x128xf32, #tpu.memory_space<vmem>> -> memref<1x32x128xf32, #tpu.memory_space<vmem>>
      %dma_wait3A_464 = tpu.memref_squeeze %dma_wait3A_463 : memref<1x32x128xf32, #tpu.memory_space<vmem>> -> memref<32x128xf32, #tpu.memory_space<vmem>>
      %dma_wait3A_465 = arith.constant 0 : i32
      %dma_wait3A_466 = arith.constant 0 : i32
      %dma_wait3A_467 = tpu.memref_slice %arg4[%dma_wait3A_465, %dma_wait3A_466] : memref<32x1000000xf32, #tpu.memory_space<hbm>> -> memref<32x128xf32, #tpu.memory_space<hbm>>
      tpu.wait_dma2 semaphore(%arg10 : memref<!tpu.dma_semaphore, #tpu.memory_space<semaphore_mem>>) src(%dma_wait3A_467 : memref<32x128xf32, #tpu.memory_space<hbm>>) dst(%dma_wait3A_464 : memref<32x128xf32, #tpu.memory_space<vmem>>)
      %dma_wait3A_468 = arith.constant 6 : i32
      %dma_wait3A_469 = arith.constant 0 : i32
      %dma_wait3A_470 = arith.constant 0 : i32
      %dma_wait3A_471 = tpu.memref_slice %arg8[%dma_wait3A_468, %dma_wait3A_469, %dma_wait3A_470] : memref<16x32x128xf32, #tpu.memory_space<vmem>> -> memref<1x32x128xf32, #tpu.memory_space<vmem>>
      %dma_wait3A_472 = tpu.memref_squeeze %dma_wait3A_471 : memref<1x32x128xf32, #tpu.memory_space<vmem>> -> memref<32x128xf32, #tpu.memory_space<vmem>>
      %dma_wait3A_473 = arith.constant 0 : i32
      %dma_wait3A_474 = arith.constant 0 : i32
      %dma_wait3A_475 = tpu.memref_slice %arg4[%dma_wait3A_473, %dma_wait3A_474] : memref<32x1000000xf32, #tpu.memory_space<hbm>> -> memref<32x128xf32, #tpu.memory_space<hbm>>
      %dma_wait3A_476 = arith.constant 0 : i32
      %dma_wait3A_477 = arith.constant 0 : i32
      %dma_wait3A_478 = tpu.memref_slice %arg8[%dma_wait3A_468, %dma_wait3A_476, %dma_wait3A_477] : memref<16x32x128xf32, #tpu.memory_space<vmem>> -> memref<1x32x128xf32, #tpu.memory_space<vmem>>
      %dma_wait3A_479 = tpu.memref_squeeze %dma_wait3A_478 : memref<1x32x128xf32, #tpu.memory_space<vmem>> -> memref<32x128xf32, #tpu.memory_space<vmem>>
      %dma_wait3A_480 = arith.constant 0 : i32
      %dma_wait3A_481 = arith.constant 0 : i32
      %dma_wait3A_482 = tpu.memref_slice %arg4[%dma_wait3A_480, %dma_wait3A_481] : memref<32x1000000xf32, #tpu.memory_space<hbm>> -> memref<32x128xf32, #tpu.memory_space<hbm>>
      tpu.wait_dma2 semaphore(%arg10 : memref<!tpu.dma_semaphore, #tpu.memory_space<semaphore_mem>>) src(%dma_wait3A_482 : memref<32x128xf32, #tpu.memory_space<hbm>>) dst(%dma_wait3A_479 : memref<32x128xf32, #tpu.memory_space<vmem>>)
      %dma_wait3A_483 = arith.constant 7 : i32
      %dma_wait3A_484 = arith.constant 0 : i32
      %dma_wait3A_485 = arith.constant 0 : i32
      %dma_wait3A_486 = tpu.memref_slice %arg8[%dma_wait3A_483, %dma_wait3A_484, %dma_wait3A_485] : memref<16x32x128xf32, #tpu.memory_space<vmem>> -> memref<1x32x128xf32, #tpu.memory_space<vmem>>
      %dma_wait3A_487 = tpu.memref_squeeze %dma_wait3A_486 : memref<1x32x128xf32, #tpu.memory_space<vmem>> -> memref<32x128xf32, #tpu.memory_space<vmem>>
      %dma_wait3A_488 = arith.constant 0 : i32
      %dma_wait3A_489 = arith.constant 0 : i32
      %dma_wait3A_490 = tpu.memref_slice %arg4[%dma_wait3A_488, %dma_wait3A_489] : memref<32x1000000xf32, #tpu.memory_space<hbm>> -> memref<32x128xf32, #tpu.memory_space<hbm>>
      %dma_wait3A_491 = arith.constant 0 : i32
      %dma_wait3A_492 = arith.constant 0 : i32
      %dma_wait3A_493 = tpu.memref_slice %arg8[%dma_wait3A_483, %dma_wait3A_491, %dma_wait3A_492] : memref<16x32x128xf32, #tpu.memory_space<vmem>> -> memref<1x32x128xf32, #tpu.memory_space<vmem>>
      %dma_wait3A_494 = tpu.memref_squeeze %dma_wait3A_493 : memref<1x32x128xf32, #tpu.memory_space<vmem>> -> memref<32x128xf32, #tpu.memory_space<vmem>>
      %dma_wait3A_495 = arith.constant 0 : i32
      %dma_wait3A_496 = arith.constant 0 : i32
      %dma_wait3A_497 = tpu.memref_slice %arg4[%dma_wait3A_495, %dma_wait3A_496] : memref<32x1000000xf32, #tpu.memory_space<hbm>> -> memref<32x128xf32, #tpu.memory_space<hbm>>
      tpu.wait_dma2 semaphore(%arg10 : memref<!tpu.dma_semaphore, #tpu.memory_space<semaphore_mem>>) src(%dma_wait3A_497 : memref<32x128xf32, #tpu.memory_space<hbm>>) dst(%dma_wait3A_494 : memref<32x128xf32, #tpu.memory_space<vmem>>)
      %dma_wait3A_498 = arith.constant 8 : i32
      %dma_wait3A_499 = arith.constant 0 : i32
      %dma_wait3A_500 = arith.constant 0 : i32
      %dma_wait3A_501 = tpu.memref_slice %arg8[%dma_wait3A_498, %dma_wait3A_499, %dma_wait3A_500] : memref<16x32x128xf32, #tpu.memory_space<vmem>> -> memref<1x32x128xf32, #tpu.memory_space<vmem>>
      %dma_wait3A_502 = tpu.memref_squeeze %dma_wait3A_501 : memref<1x32x128xf32, #tpu.memory_space<vmem>> -> memref<32x128xf32, #tpu.memory_space<vmem>>
      %dma_wait3A_503 = arith.constant 0 : i32
      %dma_wait3A_504 = arith.constant 0 : i32
      %dma_wait3A_505 = tpu.memref_slice %arg4[%dma_wait3A_503, %dma_wait3A_504] : memref<32x1000000xf32, #tpu.memory_space<hbm>> -> memref<32x128xf32, #tpu.memory_space<hbm>>
      %dma_wait3A_506 = arith.constant 0 : i32
      %dma_wait3A_507 = arith.constant 0 : i32
      %dma_wait3A_508 = tpu.memref_slice %arg8[%dma_wait3A_498, %dma_wait3A_506, %dma_wait3A_507] : memref<16x32x128xf32, #tpu.memory_space<vmem>> -> memref<1x32x128xf32, #tpu.memory_space<vmem>>
      %dma_wait3A_509 = tpu.memref_squeeze %dma_wait3A_508 : memref<1x32x128xf32, #tpu.memory_space<vmem>> -> memref<32x128xf32, #tpu.memory_space<vmem>>
      %dma_wait3A_510 = arith.constant 0 : i32
      %dma_wait3A_511 = arith.constant 0 : i32
      %dma_wait3A_512 = tpu.memref_slice %arg4[%dma_wait3A_510, %dma_wait3A_511] : memref<32x1000000xf32, #tpu.memory_space<hbm>> -> memref<32x128xf32, #tpu.memory_space<hbm>>
      tpu.wait_dma2 semaphore(%arg10 : memref<!tpu.dma_semaphore, #tpu.memory_space<semaphore_mem>>) src(%dma_wait3A_512 : memref<32x128xf32, #tpu.memory_space<hbm>>) dst(%dma_wait3A_509 : memref<32x128xf32, #tpu.memory_space<vmem>>)
      %dma_wait3A_513 = arith.constant 9 : i32
      %dma_wait3A_514 = arith.constant 0 : i32
      %dma_wait3A_515 = arith.constant 0 : i32
      %dma_wait3A_516 = tpu.memref_slice %arg8[%dma_wait3A_513, %dma_wait3A_514, %dma_wait3A_515] : memref<16x32x128xf32, #tpu.memory_space<vmem>> -> memref<1x32x128xf32, #tpu.memory_space<vmem>>
      %dma_wait3A_517 = tpu.memref_squeeze %dma_wait3A_516 : memref<1x32x128xf32, #tpu.memory_space<vmem>> -> memref<32x128xf32, #tpu.memory_space<vmem>>
      %dma_wait3A_518 = arith.constant 0 : i32
      %dma_wait3A_519 = arith.constant 0 : i32
      %dma_wait3A_520 = tpu.memref_slice %arg4[%dma_wait3A_518, %dma_wait3A_519] : memref<32x1000000xf32, #tpu.memory_space<hbm>> -> memref<32x128xf32, #tpu.memory_space<hbm>>
      %dma_wait3A_521 = arith.constant 0 : i32
      %dma_wait3A_522 = arith.constant 0 : i32
      %dma_wait3A_523 = tpu.memref_slice %arg8[%dma_wait3A_513, %dma_wait3A_521, %dma_wait3A_522] : memref<16x32x128xf32, #tpu.memory_space<vmem>> -> memref<1x32x128xf32, #tpu.memory_space<vmem>>
      %dma_wait3A_524 = tpu.memref_squeeze %dma_wait3A_523 : memref<1x32x128xf32, #tpu.memory_space<vmem>> -> memref<32x128xf32, #tpu.memory_space<vmem>>
      %dma_wait3A_525 = arith.constant 0 : i32
      %dma_wait3A_526 = arith.constant 0 : i32
      %dma_wait3A_527 = tpu.memref_slice %arg4[%dma_wait3A_525, %dma_wait3A_526] : memref<32x1000000xf32, #tpu.memory_space<hbm>> -> memref<32x128xf32, #tpu.memory_space<hbm>>
      tpu.wait_dma2 semaphore(%arg10 : memref<!tpu.dma_semaphore, #tpu.memory_space<semaphore_mem>>) src(%dma_wait3A_527 : memref<32x128xf32, #tpu.memory_space<hbm>>) dst(%dma_wait3A_524 : memref<32x128xf32, #tpu.memory_space<vmem>>)
      %dma_wait3A_528 = arith.constant 10 : i32
      %dma_wait3A_529 = arith.constant 0 : i32
      %dma_wait3A_530 = arith.constant 0 : i32
      %dma_wait3A_531 = tpu.memref_slice %arg8[%dma_wait3A_528, %dma_wait3A_529, %dma_wait3A_530] : memref<16x32x128xf32, #tpu.memory_space<vmem>> -> memref<1x32x128xf32, #tpu.memory_space<vmem>>
      %dma_wait3A_532 = tpu.memref_squeeze %dma_wait3A_531 : memref<1x32x128xf32, #tpu.memory_space<vmem>> -> memref<32x128xf32, #tpu.memory_space<vmem>>
      %dma_wait3A_533 = arith.constant 0 : i32
      %dma_wait3A_534 = arith.constant 0 : i32
      %dma_wait3A_535 = tpu.memref_slice %arg4[%dma_wait3A_533, %dma_wait3A_534] : memref<32x1000000xf32, #tpu.memory_space<hbm>> -> memref<32x128xf32, #tpu.memory_space<hbm>>
      %dma_wait3A_536 = arith.constant 0 : i32
      %dma_wait3A_537 = arith.constant 0 : i32
      %dma_wait3A_538 = tpu.memref_slice %arg8[%dma_wait3A_528, %dma_wait3A_536, %dma_wait3A_537] : memref<16x32x128xf32, #tpu.memory_space<vmem>> -> memref<1x32x128xf32, #tpu.memory_space<vmem>>
      %dma_wait3A_539 = tpu.memref_squeeze %dma_wait3A_538 : memref<1x32x128xf32, #tpu.memory_space<vmem>> -> memref<32x128xf32, #tpu.memory_space<vmem>>
      %dma_wait3A_540 = arith.constant 0 : i32
      %dma_wait3A_541 = arith.constant 0 : i32
      %dma_wait3A_542 = tpu.memref_slice %arg4[%dma_wait3A_540, %dma_wait3A_541] : memref<32x1000000xf32, #tpu.memory_space<hbm>> -> memref<32x128xf32, #tpu.memory_space<hbm>>
      tpu.wait_dma2 semaphore(%arg10 : memref<!tpu.dma_semaphore, #tpu.memory_space<semaphore_mem>>) src(%dma_wait3A_542 : memref<32x128xf32, #tpu.memory_space<hbm>>) dst(%dma_wait3A_539 : memref<32x128xf32, #tpu.memory_space<vmem>>)
      %dma_wait3A_543 = arith.constant 11 : i32
      %dma_wait3A_544 = arith.constant 0 : i32
      %dma_wait3A_545 = arith.constant 0 : i32
      %dma_wait3A_546 = tpu.memref_slice %arg8[%dma_wait3A_543, %dma_wait3A_544, %dma_wait3A_545] : memref<16x32x128xf32, #tpu.memory_space<vmem>> -> memref<1x32x128xf32, #tpu.memory_space<vmem>>
      %dma_wait3A_547 = tpu.memref_squeeze %dma_wait3A_546 : memref<1x32x128xf32, #tpu.memory_space<vmem>> -> memref<32x128xf32, #tpu.memory_space<vmem>>
      %dma_wait3A_548 = arith.constant 0 : i32
      %dma_wait3A_549 = arith.constant 0 : i32
      %dma_wait3A_550 = tpu.memref_slice %arg4[%dma_wait3A_548, %dma_wait3A_549] : memref<32x1000000xf32, #tpu.memory_space<hbm>> -> memref<32x128xf32, #tpu.memory_space<hbm>>
      %dma_wait3A_551 = arith.constant 0 : i32
      %dma_wait3A_552 = arith.constant 0 : i32
      %dma_wait3A_553 = tpu.memref_slice %arg8[%dma_wait3A_543, %dma_wait3A_551, %dma_wait3A_552] : memref<16x32x128xf32, #tpu.memory_space<vmem>> -> memref<1x32x128xf32, #tpu.memory_space<vmem>>
      %dma_wait3A_554 = tpu.memref_squeeze %dma_wait3A_553 : memref<1x32x128xf32, #tpu.memory_space<vmem>> -> memref<32x128xf32, #tpu.memory_space<vmem>>
      %dma_wait3A_555 = arith.constant 0 : i32
      %dma_wait3A_556 = arith.constant 0 : i32
      %dma_wait3A_557 = tpu.memref_slice %arg4[%dma_wait3A_555, %dma_wait3A_556] : memref<32x1000000xf32, #tpu.memory_space<hbm>> -> memref<32x128xf32, #tpu.memory_space<hbm>>
      tpu.wait_dma2 semaphore(%arg10 : memref<!tpu.dma_semaphore, #tpu.memory_space<semaphore_mem>>) src(%dma_wait3A_557 : memref<32x128xf32, #tpu.memory_space<hbm>>) dst(%dma_wait3A_554 : memref<32x128xf32, #tpu.memory_space<vmem>>)
      %dma_wait3A_558 = arith.constant 12 : i32
      %dma_wait3A_559 = arith.constant 0 : i32
      %dma_wait3A_560 = arith.constant 0 : i32
      %dma_wait3A_561 = tpu.memref_slice %arg8[%dma_wait3A_558, %dma_wait3A_559, %dma_wait3A_560] : memref<16x32x128xf32, #tpu.memory_space<vmem>> -> memref<1x32x128xf32, #tpu.memory_space<vmem>>
      %dma_wait3A_562 = tpu.memref_squeeze %dma_wait3A_561 : memref<1x32x128xf32, #tpu.memory_space<vmem>> -> memref<32x128xf32, #tpu.memory_space<vmem>>
      %dma_wait3A_563 = arith.constant 0 : i32
      %dma_wait3A_564 = arith.constant 0 : i32
      %dma_wait3A_565 = tpu.memref_slice %arg4[%dma_wait3A_563, %dma_wait3A_564] : memref<32x1000000xf32, #tpu.memory_space<hbm>> -> memref<32x128xf32, #tpu.memory_space<hbm>>
      %dma_wait3A_566 = arith.constant 0 : i32
      %dma_wait3A_567 = arith.constant 0 : i32
      %dma_wait3A_568 = tpu.memref_slice %arg8[%dma_wait3A_558, %dma_wait3A_566, %dma_wait3A_567] : memref<16x32x128xf32, #tpu.memory_space<vmem>> -> memref<1x32x128xf32, #tpu.memory_space<vmem>>
      %dma_wait3A_569 = tpu.memref_squeeze %dma_wait3A_568 : memref<1x32x128xf32, #tpu.memory_space<vmem>> -> memref<32x128xf32, #tpu.memory_space<vmem>>
      %dma_wait3A_570 = arith.constant 0 : i32
      %dma_wait3A_571 = arith.constant 0 : i32
      %dma_wait3A_572 = tpu.memref_slice %arg4[%dma_wait3A_570, %dma_wait3A_571] : memref<32x1000000xf32, #tpu.memory_space<hbm>> -> memref<32x128xf32, #tpu.memory_space<hbm>>
      tpu.wait_dma2 semaphore(%arg10 : memref<!tpu.dma_semaphore, #tpu.memory_space<semaphore_mem>>) src(%dma_wait3A_572 : memref<32x128xf32, #tpu.memory_space<hbm>>) dst(%dma_wait3A_569 : memref<32x128xf32, #tpu.memory_space<vmem>>)
      %dma_wait3A_573 = arith.constant 13 : i32
      %dma_wait3A_574 = arith.constant 0 : i32
      %dma_wait3A_575 = arith.constant 0 : i32
      %dma_wait3A_576 = tpu.memref_slice %arg8[%dma_wait3A_573, %dma_wait3A_574, %dma_wait3A_575] : memref<16x32x128xf32, #tpu.memory_space<vmem>> -> memref<1x32x128xf32, #tpu.memory_space<vmem>>
      %dma_wait3A_577 = tpu.memref_squeeze %dma_wait3A_576 : memref<1x32x128xf32, #tpu.memory_space<vmem>> -> memref<32x128xf32, #tpu.memory_space<vmem>>
      %dma_wait3A_578 = arith.constant 0 : i32
      %dma_wait3A_579 = arith.constant 0 : i32
      %dma_wait3A_580 = tpu.memref_slice %arg4[%dma_wait3A_578, %dma_wait3A_579] : memref<32x1000000xf32, #tpu.memory_space<hbm>> -> memref<32x128xf32, #tpu.memory_space<hbm>>
      %dma_wait3A_581 = arith.constant 0 : i32
      %dma_wait3A_582 = arith.constant 0 : i32
      %dma_wait3A_583 = tpu.memref_slice %arg8[%dma_wait3A_573, %dma_wait3A_581, %dma_wait3A_582] : memref<16x32x128xf32, #tpu.memory_space<vmem>> -> memref<1x32x128xf32, #tpu.memory_space<vmem>>
      %dma_wait3A_584 = tpu.memref_squeeze %dma_wait3A_583 : memref<1x32x128xf32, #tpu.memory_space<vmem>> -> memref<32x128xf32, #tpu.memory_space<vmem>>
      %dma_wait3A_585 = arith.constant 0 : i32
      %dma_wait3A_586 = arith.constant 0 : i32
      %dma_wait3A_587 = tpu.memref_slice %arg4[%dma_wait3A_585, %dma_wait3A_586] : memref<32x1000000xf32, #tpu.memory_space<hbm>> -> memref<32x128xf32, #tpu.memory_space<hbm>>
      tpu.wait_dma2 semaphore(%arg10 : memref<!tpu.dma_semaphore, #tpu.memory_space<semaphore_mem>>) src(%dma_wait3A_587 : memref<32x128xf32, #tpu.memory_space<hbm>>) dst(%dma_wait3A_584 : memref<32x128xf32, #tpu.memory_space<vmem>>)
      %dma_wait3A_588 = arith.constant 14 : i32
      %dma_wait3A_589 = arith.constant 0 : i32
      %dma_wait3A_590 = arith.constant 0 : i32
      %dma_wait3A_591 = tpu.memref_slice %arg8[%dma_wait3A_588, %dma_wait3A_589, %dma_wait3A_590] : memref<16x32x128xf32, #tpu.memory_space<vmem>> -> memref<1x32x128xf32, #tpu.memory_space<vmem>>
      %dma_wait3A_592 = tpu.memref_squeeze %dma_wait3A_591 : memref<1x32x128xf32, #tpu.memory_space<vmem>> -> memref<32x128xf32, #tpu.memory_space<vmem>>
      %dma_wait3A_593 = arith.constant 0 : i32
      %dma_wait3A_594 = arith.constant 0 : i32
      %dma_wait3A_595 = tpu.memref_slice %arg4[%dma_wait3A_593, %dma_wait3A_594] : memref<32x1000000xf32, #tpu.memory_space<hbm>> -> memref<32x128xf32, #tpu.memory_space<hbm>>
      %dma_wait3A_596 = arith.constant 0 : i32
      %dma_wait3A_597 = arith.constant 0 : i32
      %dma_wait3A_598 = tpu.memref_slice %arg8[%dma_wait3A_588, %dma_wait3A_596, %dma_wait3A_597] : memref<16x32x128xf32, #tpu.memory_space<vmem>> -> memref<1x32x128xf32, #tpu.memory_space<vmem>>
      %dma_wait3A_599 = tpu.memref_squeeze %dma_wait3A_598 : memref<1x32x128xf32, #tpu.memory_space<vmem>> -> memref<32x128xf32, #tpu.memory_space<vmem>>
      %dma_wait3A_600 = arith.constant 0 : i32
      %dma_wait3A_601 = arith.constant 0 : i32
      %dma_wait3A_602 = tpu.memref_slice %arg4[%dma_wait3A_600, %dma_wait3A_601] : memref<32x1000000xf32, #tpu.memory_space<hbm>> -> memref<32x128xf32, #tpu.memory_space<hbm>>
      tpu.wait_dma2 semaphore(%arg10 : memref<!tpu.dma_semaphore, #tpu.memory_space<semaphore_mem>>) src(%dma_wait3A_602 : memref<32x128xf32, #tpu.memory_space<hbm>>) dst(%dma_wait3A_599 : memref<32x128xf32, #tpu.memory_space<vmem>>)
      %dma_wait3A_603 = arith.constant 15 : i32
      %dma_wait3A_604 = arith.constant 0 : i32
      %dma_wait3A_605 = arith.constant 0 : i32
      %dma_wait3A_606 = tpu.memref_slice %arg8[%dma_wait3A_603, %dma_wait3A_604, %dma_wait3A_605] : memref<16x32x128xf32, #tpu.memory_space<vmem>> -> memref<1x32x128xf32, #tpu.memory_space<vmem>>
      %dma_wait3A_607 = tpu.memref_squeeze %dma_wait3A_606 : memref<1x32x128xf32, #tpu.memory_space<vmem>> -> memref<32x128xf32, #tpu.memory_space<vmem>>
      %dma_wait3A_608 = arith.constant 0 : i32
      %dma_wait3A_609 = arith.constant 0 : i32
      %dma_wait3A_610 = tpu.memref_slice %arg4[%dma_wait3A_608, %dma_wait3A_609] : memref<32x1000000xf32, #tpu.memory_space<hbm>> -> memref<32x128xf32, #tpu.memory_space<hbm>>
      %dma_wait3A_611 = arith.constant 0 : i32
      %dma_wait3A_612 = arith.constant 0 : i32
      %dma_wait3A_613 = tpu.memref_slice %arg8[%dma_wait3A_603, %dma_wait3A_611, %dma_wait3A_612] : memref<16x32x128xf32, #tpu.memory_space<vmem>> -> memref<1x32x128xf32, #tpu.memory_space<vmem>>
      %dma_wait3A_614 = tpu.memref_squeeze %dma_wait3A_613 : memref<1x32x128xf32, #tpu.memory_space<vmem>> -> memref<32x128xf32, #tpu.memory_space<vmem>>
      %dma_wait3A_615 = arith.constant 0 : i32
      %dma_wait3A_616 = arith.constant 0 : i32
      %dma_wait3A_617 = tpu.memref_slice %arg4[%dma_wait3A_615, %dma_wait3A_616] : memref<32x1000000xf32, #tpu.memory_space<hbm>> -> memref<32x128xf32, #tpu.memory_space<hbm>>
      tpu.wait_dma2 semaphore(%arg10 : memref<!tpu.dma_semaphore, #tpu.memory_space<semaphore_mem>>) src(%dma_wait3A_617 : memref<32x128xf32, #tpu.memory_space<hbm>>) dst(%dma_wait3A_614 : memref<32x128xf32, #tpu.memory_space<vmem>>)
      %add3A_618 = arith.constant 0 : i32
      %add3A_619 = arith.addi %mul3A_58, %add3A_618 : i32
      %slice3A_620 = vector.extract_strided_slice %and3A_63 {offsets = [0], sizes = [1], strides = [1]} : vector<16xi32> to vector<1xi32>
      %squeeze3A_621 = vector.extract %slice3A_620[0] : i32 from vector<1xi32>
      %broadcast_in_dim3A = vector.broadcast %squeeze3A_621 : i32 to vector<16xi32>
      %broadcast_in_dim3A_622 = arith.constant 0 : i32
      %broadcast_in_dim3A_623 = vector.broadcast %broadcast_in_dim3A_622 : i32 to vector<16xi32>
      %broadcast_in_dim3A_624 = vector.broadcast %add3A_619 : i32 to vector<16xi32>
      %add3A_625 = arith.constant 0 : i32
      %add3A_626 = vector.broadcast %add3A_625 : i32 to vector<16xi32>
      %add3A_627 = arith.addi %iota3A, %add3A_626 : vector<16xi32>
      %gather3A = tpu.vector_load_idx %arg8[%broadcast_in_dim3A_623, %add3A_627, %broadcast_in_dim3A] : memref<16x32x128xf32, #tpu.memory_space<vmem>>[vector<16xi32>, vector<16xi32>, vector<16xi32>], vector<16xf32>,
      tpu.vector_store_idx %arg9[%add3A_627, %broadcast_in_dim3A_624], %gather3A : memref<32x512xf32, #tpu.memory_space<vmem>>[vector<16xi32>, vector<16xi32>], vector<16xf32>,
      %add3A_628 = arith.constant 16 : i32
      %add3A_629 = vector.broadcast %add3A_628 : i32 to vector<16xi32>
      %add3A_630 = arith.addi %iota3A, %add3A_629 : vector<16xi32>
      %gather3A_631 = tpu.vector_load_idx %arg8[%broadcast_in_dim3A_623, %add3A_630, %broadcast_in_dim3A] : memref<16x32x128xf32, #tpu.memory_space<vmem>>[vector<16xi32>, vector<16xi32>, vector<16xi32>], vector<16xf32>,
      tpu.vector_store_idx %arg9[%add3A_630, %broadcast_in_dim3A_624], %gather3A_631 : memref<32x512xf32, #tpu.memory_space<vmem>>[vector<16xi32>, vector<16xi32>], vector<16xf32>,
      %add3A_632 = arith.constant 1 : i32
      %add3A_633 = arith.addi %mul3A_58, %add3A_632 : i32
      %slice3A_634 = vector.extract_strided_slice %and3A_63 {offsets = [1], sizes = [1], strides = [1]} : vector<16xi32> to vector<1xi32>
      %squeeze3A_635 = vector.extract %slice3A_634[0] : i32 from vector<1xi32>
      %broadcast_in_dim3A_636 = vector.broadcast %squeeze3A_635 : i32 to vector<16xi32>
      %broadcast_in_dim3A_637 = arith.constant 1 : i32
      %broadcast_in_dim3A_638 = vector.broadcast %broadcast_in_dim3A_637 : i32 to vector<16xi32>
      %broadcast_in_dim3A_639 = vector.broadcast %add3A_633 : i32 to vector<16xi32>
      %add3A_640 = arith.constant 0 : i32
      %add3A_641 = vector.broadcast %add3A_640 : i32 to vector<16xi32>
      %add3A_642 = arith.addi %iota3A, %add3A_641 : vector<16xi32>
      %gather3A_643 = tpu.vector_load_idx %arg8[%broadcast_in_dim3A_638, %add3A_642, %broadcast_in_dim3A_636] : memref<16x32x128xf32, #tpu.memory_space<vmem>>[vector<16xi32>, vector<16xi32>, vector<16xi32>], vector<16xf32>,
      tpu.vector_store_idx %arg9[%add3A_642, %broadcast_in_dim3A_639], %gather3A_643 : memref<32x512xf32, #tpu.memory_space<vmem>>[vector<16xi32>, vector<16xi32>], vector<16xf32>,
      %add3A_644 = arith.constant 16 : i32
      %add3A_645 = vector.broadcast %add3A_644 : i32 to vector<16xi32>
      %add3A_646 = arith.addi %iota3A, %add3A_645 : vector<16xi32>
      %gather3A_647 = tpu.vector_load_idx %arg8[%broadcast_in_dim3A_638, %add3A_646, %broadcast_in_dim3A_636] : memref<16x32x128xf32, #tpu.memory_space<vmem>>[vector<16xi32>, vector<16xi32>, vector<16xi32>], vector<16xf32>,
      tpu.vector_store_idx %arg9[%add3A_646, %broadcast_in_dim3A_639], %gather3A_647 : memref<32x512xf32, #tpu.memory_space<vmem>>[vector<16xi32>, vector<16xi32>], vector<16xf32>,
      %add3A_648 = arith.constant 2 : i32
      %add3A_649 = arith.addi %mul3A_58, %add3A_648 : i32
      %slice3A_650 = vector.extract_strided_slice %and3A_63 {offsets = [2], sizes = [1], strides = [1]} : vector<16xi32> to vector<1xi32>
      %squeeze3A_651 = vector.extract %slice3A_650[0] : i32 from vector<1xi32>
      %broadcast_in_dim3A_652 = vector.broadcast %squeeze3A_651 : i32 to vector<16xi32>
      %broadcast_in_dim3A_653 = arith.constant 2 : i32
      %broadcast_in_dim3A_654 = vector.broadcast %broadcast_in_dim3A_653 : i32 to vector<16xi32>
      %broadcast_in_dim3A_655 = vector.broadcast %add3A_649 : i32 to vector<16xi32>
      %add3A_656 = arith.constant 0 : i32
      %add3A_657 = vector.broadcast %add3A_656 : i32 to vector<16xi32>
      %add3A_658 = arith.addi %iota3A, %add3A_657 : vector<16xi32>
      %gather3A_659 = tpu.vector_load_idx %arg8[%broadcast_in_dim3A_654, %add3A_658, %broadcast_in_dim3A_652] : memref<16x32x128xf32, #tpu.memory_space<vmem>>[vector<16xi32>, vector<16xi32>, vector<16xi32>], vector<16xf32>,
      tpu.vector_store_idx %arg9[%add3A_658, %broadcast_in_dim3A_655], %gather3A_659 : memref<32x512xf32, #tpu.memory_space<vmem>>[vector<16xi32>, vector<16xi32>], vector<16xf32>,
      %add3A_660 = arith.constant 16 : i32
      %add3A_661 = vector.broadcast %add3A_660 : i32 to vector<16xi32>
      %add3A_662 = arith.addi %iota3A, %add3A_661 : vector<16xi32>
      %gather3A_663 = tpu.vector_load_idx %arg8[%broadcast_in_dim3A_654, %add3A_662, %broadcast_in_dim3A_652] : memref<16x32x128xf32, #tpu.memory_space<vmem>>[vector<16xi32>, vector<16xi32>, vector<16xi32>], vector<16xf32>,
      tpu.vector_store_idx %arg9[%add3A_662, %broadcast_in_dim3A_655], %gather3A_663 : memref<32x512xf32, #tpu.memory_space<vmem>>[vector<16xi32>, vector<16xi32>], vector<16xf32>,
      %add3A_664 = arith.constant 3 : i32
      %add3A_665 = arith.addi %mul3A_58, %add3A_664 : i32
      %slice3A_666 = vector.extract_strided_slice %and3A_63 {offsets = [3], sizes = [1], strides = [1]} : vector<16xi32> to vector<1xi32>
      %squeeze3A_667 = vector.extract %slice3A_666[0] : i32 from vector<1xi32>
      %broadcast_in_dim3A_668 = vector.broadcast %squeeze3A_667 : i32 to vector<16xi32>
      %broadcast_in_dim3A_669 = arith.constant 3 : i32
      %broadcast_in_dim3A_670 = vector.broadcast %broadcast_in_dim3A_669 : i32 to vector<16xi32>
      %broadcast_in_dim3A_671 = vector.broadcast %add3A_665 : i32 to vector<16xi32>
      %add3A_672 = arith.constant 0 : i32
      %add3A_673 = vector.broadcast %add3A_672 : i32 to vector<16xi32>
      %add3A_674 = arith.addi %iota3A, %add3A_673 : vector<16xi32>
      %gather3A_675 = tpu.vector_load_idx %arg8[%broadcast_in_dim3A_670, %add3A_674, %broadcast_in_dim3A_668] : memref<16x32x128xf32, #tpu.memory_space<vmem>>[vector<16xi32>, vector<16xi32>, vector<16xi32>], vector<16xf32>,
      tpu.vector_store_idx %arg9[%add3A_674, %broadcast_in_dim3A_671], %gather3A_675 : memref<32x512xf32, #tpu.memory_space<vmem>>[vector<16xi32>, vector<16xi32>], vector<16xf32>,
      %add3A_676 = arith.constant 16 : i32
      %add3A_677 = vector.broadcast %add3A_676 : i32 to vector<16xi32>
      %add3A_678 = arith.addi %iota3A, %add3A_677 : vector<16xi32>
      %gather3A_679 = tpu.vector_load_idx %arg8[%broadcast_in_dim3A_670, %add3A_678, %broadcast_in_dim3A_668] : memref<16x32x128xf32, #tpu.memory_space<vmem>>[vector<16xi32>, vector<16xi32>, vector<16xi32>], vector<16xf32>,
      tpu.vector_store_idx %arg9[%add3A_678, %broadcast_in_dim3A_671], %gather3A_679 : memref<32x512xf32, #tpu.memory_space<vmem>>[vector<16xi32>, vector<16xi32>], vector<16xf32>,
      %add3A_680 = arith.constant 4 : i32
      %add3A_681 = arith.addi %mul3A_58, %add3A_680 : i32
      %slice3A_682 = vector.extract_strided_slice %and3A_63 {offsets = [4], sizes = [1], strides = [1]} : vector<16xi32> to vector<1xi32>
      %squeeze3A_683 = vector.extract %slice3A_682[0] : i32 from vector<1xi32>
      %broadcast_in_dim3A_684 = vector.broadcast %squeeze3A_683 : i32 to vector<16xi32>
      %broadcast_in_dim3A_685 = arith.constant 4 : i32
      %broadcast_in_dim3A_686 = vector.broadcast %broadcast_in_dim3A_685 : i32 to vector<16xi32>
      %broadcast_in_dim3A_687 = vector.broadcast %add3A_681 : i32 to vector<16xi32>
      %add3A_688 = arith.constant 0 : i32
      %add3A_689 = vector.broadcast %add3A_688 : i32 to vector<16xi32>
      %add3A_690 = arith.addi %iota3A, %add3A_689 : vector<16xi32>
      %gather3A_691 = tpu.vector_load_idx %arg8[%broadcast_in_dim3A_686, %add3A_690, %broadcast_in_dim3A_684] : memref<16x32x128xf32, #tpu.memory_space<vmem>>[vector<16xi32>, vector<16xi32>, vector<16xi32>], vector<16xf32>,
      tpu.vector_store_idx %arg9[%add3A_690, %broadcast_in_dim3A_687], %gather3A_691 : memref<32x512xf32, #tpu.memory_space<vmem>>[vector<16xi32>, vector<16xi32>], vector<16xf32>,
      %add3A_692 = arith.constant 16 : i32
      %add3A_693 = vector.broadcast %add3A_692 : i32 to vector<16xi32>
      %add3A_694 = arith.addi %iota3A, %add3A_693 : vector<16xi32>
      %gather3A_695 = tpu.vector_load_idx %arg8[%broadcast_in_dim3A_686, %add3A_694, %broadcast_in_dim3A_684] : memref<16x32x128xf32, #tpu.memory_space<vmem>>[vector<16xi32>, vector<16xi32>, vector<16xi32>], vector<16xf32>,
      tpu.vector_store_idx %arg9[%add3A_694, %broadcast_in_dim3A_687], %gather3A_695 : memref<32x512xf32, #tpu.memory_space<vmem>>[vector<16xi32>, vector<16xi32>], vector<16xf32>,
      %add3A_696 = arith.constant 5 : i32
      %add3A_697 = arith.addi %mul3A_58, %add3A_696 : i32
      %slice3A_698 = vector.extract_strided_slice %and3A_63 {offsets = [5], sizes = [1], strides = [1]} : vector<16xi32> to vector<1xi32>
      %squeeze3A_699 = vector.extract %slice3A_698[0] : i32 from vector<1xi32>
      %broadcast_in_dim3A_700 = vector.broadcast %squeeze3A_699 : i32 to vector<16xi32>
      %broadcast_in_dim3A_701 = arith.constant 5 : i32
      %broadcast_in_dim3A_702 = vector.broadcast %broadcast_in_dim3A_701 : i32 to vector<16xi32>
      %broadcast_in_dim3A_703 = vector.broadcast %add3A_697 : i32 to vector<16xi32>
      %add3A_704 = arith.constant 0 : i32
      %add3A_705 = vector.broadcast %add3A_704 : i32 to vector<16xi32>
      %add3A_706 = arith.addi %iota3A, %add3A_705 : vector<16xi32>
      %gather3A_707 = tpu.vector_load_idx %arg8[%broadcast_in_dim3A_702, %add3A_706, %broadcast_in_dim3A_700] : memref<16x32x128xf32, #tpu.memory_space<vmem>>[vector<16xi32>, vector<16xi32>, vector<16xi32>], vector<16xf32>,
      tpu.vector_store_idx %arg9[%add3A_706, %broadcast_in_dim3A_703], %gather3A_707 : memref<32x512xf32, #tpu.memory_space<vmem>>[vector<16xi32>, vector<16xi32>], vector<16xf32>,
      %add3A_708 = arith.constant 16 : i32
      %add3A_709 = vector.broadcast %add3A_708 : i32 to vector<16xi32>
      %add3A_710 = arith.addi %iota3A, %add3A_709 : vector<16xi32>
      %gather3A_711 = tpu.vector_load_idx %arg8[%broadcast_in_dim3A_702, %add3A_710, %broadcast_in_dim3A_700] : memref<16x32x128xf32, #tpu.memory_space<vmem>>[vector<16xi32>, vector<16xi32>, vector<16xi32>], vector<16xf32>,
      tpu.vector_store_idx %arg9[%add3A_710, %broadcast_in_dim3A_703], %gather3A_711 : memref<32x512xf32, #tpu.memory_space<vmem>>[vector<16xi32>, vector<16xi32>], vector<16xf32>,
      %add3A_712 = arith.constant 6 : i32
      %add3A_713 = arith.addi %mul3A_58, %add3A_712 : i32
      %slice3A_714 = vector.extract_strided_slice %and3A_63 {offsets = [6], sizes = [1], strides = [1]} : vector<16xi32> to vector<1xi32>
      %squeeze3A_715 = vector.extract %slice3A_714[0] : i32 from vector<1xi32>
      %broadcast_in_dim3A_716 = vector.broadcast %squeeze3A_715 : i32 to vector<16xi32>
      %broadcast_in_dim3A_717 = arith.constant 6 : i32
      %broadcast_in_dim3A_718 = vector.broadcast %broadcast_in_dim3A_717 : i32 to vector<16xi32>
      %broadcast_in_dim3A_719 = vector.broadcast %add3A_713 : i32 to vector<16xi32>
      %add3A_720 = arith.constant 0 : i32
      %add3A_721 = vector.broadcast %add3A_720 : i32 to vector<16xi32>
      %add3A_722 = arith.addi %iota3A, %add3A_721 : vector<16xi32>
      %gather3A_723 = tpu.vector_load_idx %arg8[%broadcast_in_dim3A_718, %add3A_722, %broadcast_in_dim3A_716] : memref<16x32x128xf32, #tpu.memory_space<vmem>>[vector<16xi32>, vector<16xi32>, vector<16xi32>], vector<16xf32>,
      tpu.vector_store_idx %arg9[%add3A_722, %broadcast_in_dim3A_719], %gather3A_723 : memref<32x512xf32, #tpu.memory_space<vmem>>[vector<16xi32>, vector<16xi32>], vector<16xf32>,
      %add3A_724 = arith.constant 16 : i32
      %add3A_725 = vector.broadcast %add3A_724 : i32 to vector<16xi32>
      %add3A_726 = arith.addi %iota3A, %add3A_725 : vector<16xi32>
      %gather3A_727 = tpu.vector_load_idx %arg8[%broadcast_in_dim3A_718, %add3A_726, %broadcast_in_dim3A_716] : memref<16x32x128xf32, #tpu.memory_space<vmem>>[vector<16xi32>, vector<16xi32>, vector<16xi32>], vector<16xf32>,
      tpu.vector_store_idx %arg9[%add3A_726, %broadcast_in_dim3A_719], %gather3A_727 : memref<32x512xf32, #tpu.memory_space<vmem>>[vector<16xi32>, vector<16xi32>], vector<16xf32>,
      %add3A_728 = arith.constant 7 : i32
      %add3A_729 = arith.addi %mul3A_58, %add3A_728 : i32
      %slice3A_730 = vector.extract_strided_slice %and3A_63 {offsets = [7], sizes = [1], strides = [1]} : vector<16xi32> to vector<1xi32>
      %squeeze3A_731 = vector.extract %slice3A_730[0] : i32 from vector<1xi32>
      %broadcast_in_dim3A_732 = vector.broadcast %squeeze3A_731 : i32 to vector<16xi32>
      %broadcast_in_dim3A_733 = arith.constant 7 : i32
      %broadcast_in_dim3A_734 = vector.broadcast %broadcast_in_dim3A_733 : i32 to vector<16xi32>
      %broadcast_in_dim3A_735 = vector.broadcast %add3A_729 : i32 to vector<16xi32>
      %add3A_736 = arith.constant 0 : i32
      %add3A_737 = vector.broadcast %add3A_736 : i32 to vector<16xi32>
      %add3A_738 = arith.addi %iota3A, %add3A_737 : vector<16xi32>
      %gather3A_739 = tpu.vector_load_idx %arg8[%broadcast_in_dim3A_734, %add3A_738, %broadcast_in_dim3A_732] : memref<16x32x128xf32, #tpu.memory_space<vmem>>[vector<16xi32>, vector<16xi32>, vector<16xi32>], vector<16xf32>,
      tpu.vector_store_idx %arg9[%add3A_738, %broadcast_in_dim3A_735], %gather3A_739 : memref<32x512xf32, #tpu.memory_space<vmem>>[vector<16xi32>, vector<16xi32>], vector<16xf32>,
      %add3A_740 = arith.constant 16 : i32
      %add3A_741 = vector.broadcast %add3A_740 : i32 to vector<16xi32>
      %add3A_742 = arith.addi %iota3A, %add3A_741 : vector<16xi32>
      %gather3A_743 = tpu.vector_load_idx %arg8[%broadcast_in_dim3A_734, %add3A_742, %broadcast_in_dim3A_732] : memref<16x32x128xf32, #tpu.memory_space<vmem>>[vector<16xi32>, vector<16xi32>, vector<16xi32>], vector<16xf32>,
      tpu.vector_store_idx %arg9[%add3A_742, %broadcast_in_dim3A_735], %gather3A_743 : memref<32x512xf32, #tpu.memory_space<vmem>>[vector<16xi32>, vector<16xi32>], vector<16xf32>,
      %add3A_744 = arith.constant 8 : i32
      %add3A_745 = arith.addi %mul3A_58, %add3A_744 : i32
      %slice3A_746 = vector.extract_strided_slice %and3A_63 {offsets = [8], sizes = [1], strides = [1]} : vector<16xi32> to vector<1xi32>
      %squeeze3A_747 = vector.extract %slice3A_746[0] : i32 from vector<1xi32>
      %broadcast_in_dim3A_748 = vector.broadcast %squeeze3A_747 : i32 to vector<16xi32>
      %broadcast_in_dim3A_749 = arith.constant 8 : i32
      %broadcast_in_dim3A_750 = vector.broadcast %broadcast_in_dim3A_749 : i32 to vector<16xi32>
      %broadcast_in_dim3A_751 = vector.broadcast %add3A_745 : i32 to vector<16xi32>
      %add3A_752 = arith.constant 0 : i32
      %add3A_753 = vector.broadcast %add3A_752 : i32 to vector<16xi32>
      %add3A_754 = arith.addi %iota3A, %add3A_753 : vector<16xi32>
      %gather3A_755 = tpu.vector_load_idx %arg8[%broadcast_in_dim3A_750, %add3A_754, %broadcast_in_dim3A_748] : memref<16x32x128xf32, #tpu.memory_space<vmem>>[vector<16xi32>, vector<16xi32>, vector<16xi32>], vector<16xf32>,
      tpu.vector_store_idx %arg9[%add3A_754, %broadcast_in_dim3A_751], %gather3A_755 : memref<32x512xf32, #tpu.memory_space<vmem>>[vector<16xi32>, vector<16xi32>], vector<16xf32>,
      %add3A_756 = arith.constant 16 : i32
      %add3A_757 = vector.broadcast %add3A_756 : i32 to vector<16xi32>
      %add3A_758 = arith.addi %iota3A, %add3A_757 : vector<16xi32>
      %gather3A_759 = tpu.vector_load_idx %arg8[%broadcast_in_dim3A_750, %add3A_758, %broadcast_in_dim3A_748] : memref<16x32x128xf32, #tpu.memory_space<vmem>>[vector<16xi32>, vector<16xi32>, vector<16xi32>], vector<16xf32>,
      tpu.vector_store_idx %arg9[%add3A_758, %broadcast_in_dim3A_751], %gather3A_759 : memref<32x512xf32, #tpu.memory_space<vmem>>[vector<16xi32>, vector<16xi32>], vector<16xf32>,
      %add3A_760 = arith.constant 9 : i32
      %add3A_761 = arith.addi %mul3A_58, %add3A_760 : i32
      %slice3A_762 = vector.extract_strided_slice %and3A_63 {offsets = [9], sizes = [1], strides = [1]} : vector<16xi32> to vector<1xi32>
      %squeeze3A_763 = vector.extract %slice3A_762[0] : i32 from vector<1xi32>
      %broadcast_in_dim3A_764 = vector.broadcast %squeeze3A_763 : i32 to vector<16xi32>
      %broadcast_in_dim3A_765 = arith.constant 9 : i32
      %broadcast_in_dim3A_766 = vector.broadcast %broadcast_in_dim3A_765 : i32 to vector<16xi32>
      %broadcast_in_dim3A_767 = vector.broadcast %add3A_761 : i32 to vector<16xi32>
      %add3A_768 = arith.constant 0 : i32
      %add3A_769 = vector.broadcast %add3A_768 : i32 to vector<16xi32>
      %add3A_770 = arith.addi %iota3A, %add3A_769 : vector<16xi32>
      %gather3A_771 = tpu.vector_load_idx %arg8[%broadcast_in_dim3A_766, %add3A_770, %broadcast_in_dim3A_764] : memref<16x32x128xf32, #tpu.memory_space<vmem>>[vector<16xi32>, vector<16xi32>, vector<16xi32>], vector<16xf32>,
      tpu.vector_store_idx %arg9[%add3A_770, %broadcast_in_dim3A_767], %gather3A_771 : memref<32x512xf32, #tpu.memory_space<vmem>>[vector<16xi32>, vector<16xi32>], vector<16xf32>,
      %add3A_772 = arith.constant 16 : i32
      %add3A_773 = vector.broadcast %add3A_772 : i32 to vector<16xi32>
      %add3A_774 = arith.addi %iota3A, %add3A_773 : vector<16xi32>
      %gather3A_775 = tpu.vector_load_idx %arg8[%broadcast_in_dim3A_766, %add3A_774, %broadcast_in_dim3A_764] : memref<16x32x128xf32, #tpu.memory_space<vmem>>[vector<16xi32>, vector<16xi32>, vector<16xi32>], vector<16xf32>,
      tpu.vector_store_idx %arg9[%add3A_774, %broadcast_in_dim3A_767], %gather3A_775 : memref<32x512xf32, #tpu.memory_space<vmem>>[vector<16xi32>, vector<16xi32>], vector<16xf32>,
      %add3A_776 = arith.constant 10 : i32
      %add3A_777 = arith.addi %mul3A_58, %add3A_776 : i32
      %slice3A_778 = vector.extract_strided_slice %and3A_63 {offsets = [10], sizes = [1], strides = [1]} : vector<16xi32> to vector<1xi32>
      %squeeze3A_779 = vector.extract %slice3A_778[0] : i32 from vector<1xi32>
      %broadcast_in_dim3A_780 = vector.broadcast %squeeze3A_779 : i32 to vector<16xi32>
      %broadcast_in_dim3A_781 = arith.constant 10 : i32
      %broadcast_in_dim3A_782 = vector.broadcast %broadcast_in_dim3A_781 : i32 to vector<16xi32>
      %broadcast_in_dim3A_783 = vector.broadcast %add3A_777 : i32 to vector<16xi32>
      %add3A_784 = arith.constant 0 : i32
      %add3A_785 = vector.broadcast %add3A_784 : i32 to vector<16xi32>
      %add3A_786 = arith.addi %iota3A, %add3A_785 : vector<16xi32>
      %gather3A_787 = tpu.vector_load_idx %arg8[%broadcast_in_dim3A_782, %add3A_786, %broadcast_in_dim3A_780] : memref<16x32x128xf32, #tpu.memory_space<vmem>>[vector<16xi32>, vector<16xi32>, vector<16xi32>], vector<16xf32>,
      tpu.vector_store_idx %arg9[%add3A_786, %broadcast_in_dim3A_783], %gather3A_787 : memref<32x512xf32, #tpu.memory_space<vmem>>[vector<16xi32>, vector<16xi32>], vector<16xf32>,
      %add3A_788 = arith.constant 16 : i32
      %add3A_789 = vector.broadcast %add3A_788 : i32 to vector<16xi32>
      %add3A_790 = arith.addi %iota3A, %add3A_789 : vector<16xi32>
      %gather3A_791 = tpu.vector_load_idx %arg8[%broadcast_in_dim3A_782, %add3A_790, %broadcast_in_dim3A_780] : memref<16x32x128xf32, #tpu.memory_space<vmem>>[vector<16xi32>, vector<16xi32>, vector<16xi32>], vector<16xf32>,
      tpu.vector_store_idx %arg9[%add3A_790, %broadcast_in_dim3A_783], %gather3A_791 : memref<32x512xf32, #tpu.memory_space<vmem>>[vector<16xi32>, vector<16xi32>], vector<16xf32>,
      %add3A_792 = arith.constant 11 : i32
      %add3A_793 = arith.addi %mul3A_58, %add3A_792 : i32
      %slice3A_794 = vector.extract_strided_slice %and3A_63 {offsets = [11], sizes = [1], strides = [1]} : vector<16xi32> to vector<1xi32>
      %squeeze3A_795 = vector.extract %slice3A_794[0] : i32 from vector<1xi32>
      %broadcast_in_dim3A_796 = vector.broadcast %squeeze3A_795 : i32 to vector<16xi32>
      %broadcast_in_dim3A_797 = arith.constant 11 : i32
      %broadcast_in_dim3A_798 = vector.broadcast %broadcast_in_dim3A_797 : i32 to vector<16xi32>
      %broadcast_in_dim3A_799 = vector.broadcast %add3A_793 : i32 to vector<16xi32>
      %add3A_800 = arith.constant 0 : i32
      %add3A_801 = vector.broadcast %add3A_800 : i32 to vector<16xi32>
      %add3A_802 = arith.addi %iota3A, %add3A_801 : vector<16xi32>
      %gather3A_803 = tpu.vector_load_idx %arg8[%broadcast_in_dim3A_798, %add3A_802, %broadcast_in_dim3A_796] : memref<16x32x128xf32, #tpu.memory_space<vmem>>[vector<16xi32>, vector<16xi32>, vector<16xi32>], vector<16xf32>,
      tpu.vector_store_idx %arg9[%add3A_802, %broadcast_in_dim3A_799], %gather3A_803 : memref<32x512xf32, #tpu.memory_space<vmem>>[vector<16xi32>, vector<16xi32>], vector<16xf32>,
      %add3A_804 = arith.constant 16 : i32
      %add3A_805 = vector.broadcast %add3A_804 : i32 to vector<16xi32>
      %add3A_806 = arith.addi %iota3A, %add3A_805 : vector<16xi32>
      %gather3A_807 = tpu.vector_load_idx %arg8[%broadcast_in_dim3A_798, %add3A_806, %broadcast_in_dim3A_796] : memref<16x32x128xf32, #tpu.memory_space<vmem>>[vector<16xi32>, vector<16xi32>, vector<16xi32>], vector<16xf32>,
      tpu.vector_store_idx %arg9[%add3A_806, %broadcast_in_dim3A_799], %gather3A_807 : memref<32x512xf32, #tpu.memory_space<vmem>>[vector<16xi32>, vector<16xi32>], vector<16xf32>,
      %add3A_808 = arith.constant 12 : i32
      %add3A_809 = arith.addi %mul3A_58, %add3A_808 : i32
      %slice3A_810 = vector.extract_strided_slice %and3A_63 {offsets = [12], sizes = [1], strides = [1]} : vector<16xi32> to vector<1xi32>
      %squeeze3A_811 = vector.extract %slice3A_810[0] : i32 from vector<1xi32>
      %broadcast_in_dim3A_812 = vector.broadcast %squeeze3A_811 : i32 to vector<16xi32>
      %broadcast_in_dim3A_813 = arith.constant 12 : i32
      %broadcast_in_dim3A_814 = vector.broadcast %broadcast_in_dim3A_813 : i32 to vector<16xi32>
      %broadcast_in_dim3A_815 = vector.broadcast %add3A_809 : i32 to vector<16xi32>
      %add3A_816 = arith.constant 0 : i32
      %add3A_817 = vector.broadcast %add3A_816 : i32 to vector<16xi32>
      %add3A_818 = arith.addi %iota3A, %add3A_817 : vector<16xi32>
      %gather3A_819 = tpu.vector_load_idx %arg8[%broadcast_in_dim3A_814, %add3A_818, %broadcast_in_dim3A_812] : memref<16x32x128xf32, #tpu.memory_space<vmem>>[vector<16xi32>, vector<16xi32>, vector<16xi32>], vector<16xf32>,
      tpu.vector_store_idx %arg9[%add3A_818, %broadcast_in_dim3A_815], %gather3A_819 : memref<32x512xf32, #tpu.memory_space<vmem>>[vector<16xi32>, vector<16xi32>], vector<16xf32>,
      %add3A_820 = arith.constant 16 : i32
      %add3A_821 = vector.broadcast %add3A_820 : i32 to vector<16xi32>
      %add3A_822 = arith.addi %iota3A, %add3A_821 : vector<16xi32>
      %gather3A_823 = tpu.vector_load_idx %arg8[%broadcast_in_dim3A_814, %add3A_822, %broadcast_in_dim3A_812] : memref<16x32x128xf32, #tpu.memory_space<vmem>>[vector<16xi32>, vector<16xi32>, vector<16xi32>], vector<16xf32>,
      tpu.vector_store_idx %arg9[%add3A_822, %broadcast_in_dim3A_815], %gather3A_823 : memref<32x512xf32, #tpu.memory_space<vmem>>[vector<16xi32>, vector<16xi32>], vector<16xf32>,
      %add3A_824 = arith.constant 13 : i32
      %add3A_825 = arith.addi %mul3A_58, %add3A_824 : i32
      %slice3A_826 = vector.extract_strided_slice %and3A_63 {offsets = [13], sizes = [1], strides = [1]} : vector<16xi32> to vector<1xi32>
      %squeeze3A_827 = vector.extract %slice3A_826[0] : i32 from vector<1xi32>
      %broadcast_in_dim3A_828 = vector.broadcast %squeeze3A_827 : i32 to vector<16xi32>
      %broadcast_in_dim3A_829 = arith.constant 13 : i32
      %broadcast_in_dim3A_830 = vector.broadcast %broadcast_in_dim3A_829 : i32 to vector<16xi32>
      %broadcast_in_dim3A_831 = vector.broadcast %add3A_825 : i32 to vector<16xi32>
      %add3A_832 = arith.constant 0 : i32
      %add3A_833 = vector.broadcast %add3A_832 : i32 to vector<16xi32>
      %add3A_834 = arith.addi %iota3A, %add3A_833 : vector<16xi32>
      %gather3A_835 = tpu.vector_load_idx %arg8[%broadcast_in_dim3A_830, %add3A_834, %broadcast_in_dim3A_828] : memref<16x32x128xf32, #tpu.memory_space<vmem>>[vector<16xi32>, vector<16xi32>, vector<16xi32>], vector<16xf32>,
      tpu.vector_store_idx %arg9[%add3A_834, %broadcast_in_dim3A_831], %gather3A_835 : memref<32x512xf32, #tpu.memory_space<vmem>>[vector<16xi32>, vector<16xi32>], vector<16xf32>,
      %add3A_836 = arith.constant 16 : i32
      %add3A_837 = vector.broadcast %add3A_836 : i32 to vector<16xi32>
      %add3A_838 = arith.addi %iota3A, %add3A_837 : vector<16xi32>
      %gather3A_839 = tpu.vector_load_idx %arg8[%broadcast_in_dim3A_830, %add3A_838, %broadcast_in_dim3A_828] : memref<16x32x128xf32, #tpu.memory_space<vmem>>[vector<16xi32>, vector<16xi32>, vector<16xi32>], vector<16xf32>,
      tpu.vector_store_idx %arg9[%add3A_838, %broadcast_in_dim3A_831], %gather3A_839 : memref<32x512xf32, #tpu.memory_space<vmem>>[vector<16xi32>, vector<16xi32>], vector<16xf32>,
      %add3A_840 = arith.constant 14 : i32
      %add3A_841 = arith.addi %mul3A_58, %add3A_840 : i32
      %slice3A_842 = vector.extract_strided_slice %and3A_63 {offsets = [14], sizes = [1], strides = [1]} : vector<16xi32> to vector<1xi32>
      %squeeze3A_843 = vector.extract %slice3A_842[0] : i32 from vector<1xi32>
      %broadcast_in_dim3A_844 = vector.broadcast %squeeze3A_843 : i32 to vector<16xi32>
      %broadcast_in_dim3A_845 = arith.constant 14 : i32
      %broadcast_in_dim3A_846 = vector.broadcast %broadcast_in_dim3A_845 : i32 to vector<16xi32>
      %broadcast_in_dim3A_847 = vector.broadcast %add3A_841 : i32 to vector<16xi32>
      %add3A_848 = arith.constant 0 : i32
      %add3A_849 = vector.broadcast %add3A_848 : i32 to vector<16xi32>
      %add3A_850 = arith.addi %iota3A, %add3A_849 : vector<16xi32>
      %gather3A_851 = tpu.vector_load_idx %arg8[%broadcast_in_dim3A_846, %add3A_850, %broadcast_in_dim3A_844] : memref<16x32x128xf32, #tpu.memory_space<vmem>>[vector<16xi32>, vector<16xi32>, vector<16xi32>], vector<16xf32>,
      tpu.vector_store_idx %arg9[%add3A_850, %broadcast_in_dim3A_847], %gather3A_851 : memref<32x512xf32, #tpu.memory_space<vmem>>[vector<16xi32>, vector<16xi32>], vector<16xf32>,
      %add3A_852 = arith.constant 16 : i32
      %add3A_853 = vector.broadcast %add3A_852 : i32 to vector<16xi32>
      %add3A_854 = arith.addi %iota3A, %add3A_853 : vector<16xi32>
      %gather3A_855 = tpu.vector_load_idx %arg8[%broadcast_in_dim3A_846, %add3A_854, %broadcast_in_dim3A_844] : memref<16x32x128xf32, #tpu.memory_space<vmem>>[vector<16xi32>, vector<16xi32>, vector<16xi32>], vector<16xf32>,
      tpu.vector_store_idx %arg9[%add3A_854, %broadcast_in_dim3A_847], %gather3A_855 : memref<32x512xf32, #tpu.memory_space<vmem>>[vector<16xi32>, vector<16xi32>], vector<16xf32>,
      %add3A_856 = arith.constant 15 : i32
      %add3A_857 = arith.addi %mul3A_58, %add3A_856 : i32
      %slice3A_858 = vector.extract_strided_slice %and3A_63 {offsets = [15], sizes = [1], strides = [1]} : vector<16xi32> to vector<1xi32>
      %squeeze3A_859 = vector.extract %slice3A_858[0] : i32 from vector<1xi32>
      %broadcast_in_dim3A_860 = vector.broadcast %squeeze3A_859 : i32 to vector<16xi32>
      %broadcast_in_dim3A_861 = arith.constant 15 : i32
      %broadcast_in_dim3A_862 = vector.broadcast %broadcast_in_dim3A_861 : i32 to vector<16xi32>
      %broadcast_in_dim3A_863 = vector.broadcast %add3A_857 : i32 to vector<16xi32>
      %add3A_864 = arith.constant 0 : i32
      %add3A_865 = vector.broadcast %add3A_864 : i32 to vector<16xi32>
      %add3A_866 = arith.addi %iota3A, %add3A_865 : vector<16xi32>
      %gather3A_867 = tpu.vector_load_idx %arg8[%broadcast_in_dim3A_862, %add3A_866, %broadcast_in_dim3A_860] : memref<16x32x128xf32, #tpu.memory_space<vmem>>[vector<16xi32>, vector<16xi32>, vector<16xi32>], vector<16xf32>,
      tpu.vector_store_idx %arg9[%add3A_866, %broadcast_in_dim3A_863], %gather3A_867 : memref<32x512xf32, #tpu.memory_space<vmem>>[vector<16xi32>, vector<16xi32>], vector<16xf32>,
      %add3A_868 = arith.constant 16 : i32
      %add3A_869 = vector.broadcast %add3A_868 : i32 to vector<16xi32>
      %add3A_870 = arith.addi %iota3A, %add3A_869 : vector<16xi32>
      %gather3A_871 = tpu.vector_load_idx %arg8[%broadcast_in_dim3A_862, %add3A_870, %broadcast_in_dim3A_860] : memref<16x32x128xf32, #tpu.memory_space<vmem>>[vector<16xi32>, vector<16xi32>, vector<16xi32>], vector<16xf32>,
      tpu.vector_store_idx %arg9[%add3A_870, %broadcast_in_dim3A_863], %gather3A_871 : memref<32x512xf32, #tpu.memory_space<vmem>>[vector<16xi32>, vector<16xi32>], vector<16xf32>,
    }
    %scan3A_40 = arith.constant 32 : i32
    %mul3A_41 = arith.constant 2 : i32
    %mul3A_42 = arith.muli %select_n3A, %mul3A_41 : i32
    %mul3A_43 = arith.constant 512 : i32
    %mul3A_44 = arith.muli %mul3A_42, %mul3A_43 : i32
    "tpu.region"() ({
      %run_scoped3A = tpu.sem_alloc : memref<!tpu.dma_semaphore, #tpu.memory_space<semaphore_mem>>
      %dma_start3A = tpu.memref_slice %arg3[%mul3A_44] : memref<16384xi32, #tpu.memory_space<hbm>> -> memref<1024xi32, #tpu.memory_space<hbm>>
      %dma_start3A_52 = tpu.memref_slice %arg3[%mul3A_44] : memref<16384xi32, #tpu.memory_space<hbm>> -> memref<1024xi32, #tpu.memory_space<hbm>>
      tpu.enqueue_dma source(%dma_start3A_52 : memref<1024xi32, #tpu.memory_space<hbm>>) target(%arg7 : memref<1024xi32, #tpu.memory_space<vmem>>) target_semaphore(%run_scoped3A : memref<!tpu.dma_semaphore, #tpu.memory_space<semaphore_mem>>)
      %dma_wait3A = tpu.memref_slice %arg3[%mul3A_44] : memref<16384xi32, #tpu.memory_space<hbm>> -> memref<1024xi32, #tpu.memory_space<hbm>>
      %dma_wait3A_53 = tpu.memref_slice %arg3[%mul3A_44] : memref<16384xi32, #tpu.memory_space<hbm>> -> memref<1024xi32, #tpu.memory_space<hbm>>
      tpu.wait_dma2 semaphore(%run_scoped3A : memref<!tpu.dma_semaphore, #tpu.memory_space<semaphore_mem>>) src(%dma_wait3A_53 : memref<1024xi32, #tpu.memory_space<hbm>>) dst(%arg7 : memref<1024xi32, #tpu.memory_space<vmem>>)
      tpu.yield
    }) : () -> ()
    %scan3A_45 = arith.constant 0 : i32
    %scan3A_46 = arith.constant 32 : i32
    %scan3A_47 = arith.addi %scan3A_45, %scan3A_46 : i32
    %scan3A_48 = arith.constant 1 : i32
    scf.for %scan3A_52 = %scan3A_45 to %scan3A_47 step %scan3A_48  : i32 {
      %mul3A_53 = arith.constant 1 : i32
      %mul3A_54 = arith.muli %scan3A_52, %mul3A_53 : i32
      %add3A_55 = arith.constant 0 : i32
      %add3A_56 = arith.addi %add3A_55, %mul3A_54 : i32
      %mul3A_57 = arith.constant 16 : i32
      %mul3A_58 = arith.muli %add3A_56, %mul3A_57 : i32
      %add3A_59 = arith.addi %mul3A_32, %mul3A_58 : i32
      %get3A = arith.index_cast %add3A_59 : i32 to index
      %get3A_60 = tpu.vector_load %arg7[%get3A] {strides = array<i32>} : memref<1024xi32, #tpu.memory_space<vmem>>, vector<16xi32>,
      %and3A_61 = arith.constant 127 : i32
      %and3A_62 = vector.broadcast %and3A_61 : i32 to vector<16xi32>
      %and3A_63 = arith.andi %get3A_60, %and3A_62 : vector<16xi32>
      %slice3A = vector.extract_strided_slice %get3A_60 {offsets = [0], sizes = [1], strides = [1]} : vector<16xi32> to vector<1xi32>
      %squeeze3A = vector.extract %slice3A[0] : i32 from vector<1xi32>
      %shift_right_arithmetic3A = arith.constant 7 : i32
      %shift_right_arithmetic3A_64 = arith.shrsi %squeeze3A, %shift_right_arithmetic3A : i32
      %mul3A_65 = arith.constant 128 : i32
      %mul3A_66 = arith.muli %shift_right_arithmetic3A_64, %mul3A_65 : i32
      %multiple_of3A = tpu.assume_multiple %mul3A_66, 128 : i32
      %dma_start3A = arith.constant 0 : i32
      %dma_start3A_67 = arith.constant 0 : i32
      %dma_start3A_68 = arith.constant 0 : i32
      %dma_start3A_69 = tpu.memref_slice %arg8[%dma_start3A, %dma_start3A_67, %dma_start3A_68] : memref<16x32x128xf32, #tpu.memory_space<vmem>> -> memref<1x32x128xf32, #tpu.memory_space<vmem>>
      %dma_start3A_70 = tpu.memref_squeeze %dma_start3A_69 : memref<1x32x128xf32, #tpu.memory_space<vmem>> -> memref<32x128xf32, #tpu.memory_space<vmem>>
      %dma_start3A_71 = arith.constant 0 : i32
      %dma_start3A_72 = tpu.memref_slice %arg5[%dma_start3A_71, %multiple_of3A] : memref<32x1000000xf32, #tpu.memory_space<hbm>> -> memref<32x128xf32, #tpu.memory_space<hbm>>
      %dma_start3A_73 = arith.constant 0 : i32
      %dma_start3A_74 = arith.constant 0 : i32
      %dma_start3A_75 = tpu.memref_slice %arg8[%dma_start3A, %dma_start3A_73, %dma_start3A_74] : memref<16x32x128xf32, #tpu.memory_space<vmem>> -> memref<1x32x128xf32, #tpu.memory_space<vmem>>
      %dma_start3A_76 = tpu.memref_squeeze %dma_start3A_75 : memref<1x32x128xf32, #tpu.memory_space<vmem>> -> memref<32x128xf32, #tpu.memory_space<vmem>>
      %dma_start3A_77 = arith.constant 0 : i32
      %dma_start3A_78 = tpu.memref_slice %arg5[%dma_start3A_77, %multiple_of3A] : memref<32x1000000xf32, #tpu.memory_space<hbm>> -> memref<32x128xf32, #tpu.memory_space<hbm>>
      tpu.enqueue_dma source(%dma_start3A_78 : memref<32x128xf32, #tpu.memory_space<hbm>>) target(%dma_start3A_76 : memref<32x128xf32, #tpu.memory_space<vmem>>) target_semaphore(%arg10 : memref<!tpu.dma_semaphore, #tpu.memory_space<semaphore_mem>>)
      %slice3A_79 = vector.extract_strided_slice %get3A_60 {offsets = [1], sizes = [1], strides = [1]} : vector<16xi32> to vector<1xi32>
      %squeeze3A_80 = vector.extract %slice3A_79[0] : i32 from vector<1xi32>
      %shift_right_arithmetic3A_81 = arith.constant 7 : i32
      %shift_right_arithmetic3A_82 = arith.shrsi %squeeze3A_80, %shift_right_arithmetic3A_81 : i32
      %mul3A_83 = arith.constant 128 : i32
      %mul3A_84 = arith.muli %shift_right_arithmetic3A_82, %mul3A_83 : i32
      %multiple_of3A_85 = tpu.assume_multiple %mul3A_84, 128 : i32
      %dma_start3A_86 = arith.constant 1 : i32
      %dma_start3A_87 = arith.constant 0 : i32
      %dma_start3A_88 = arith.constant 0 : i32
      %dma_start3A_89 = tpu.memref_slice %arg8[%dma_start3A_86, %dma_start3A_87, %dma_start3A_88] : memref<16x32x128xf32, #tpu.memory_space<vmem>> -> memref<1x32x128xf32, #tpu.memory_space<vmem>>
      %dma_start3A_90 = tpu.memref_squeeze %dma_start3A_89 : memref<1x32x128xf32, #tpu.memory_space<vmem>> -> memref<32x128xf32, #tpu.memory_space<vmem>>
      %dma_start3A_91 = arith.constant 0 : i32
      %dma_start3A_92 = tpu.memref_slice %arg5[%dma_start3A_91, %multiple_of3A_85] : memref<32x1000000xf32, #tpu.memory_space<hbm>> -> memref<32x128xf32, #tpu.memory_space<hbm>>
      %dma_start3A_93 = arith.constant 0 : i32
      %dma_start3A_94 = arith.constant 0 : i32
      %dma_start3A_95 = tpu.memref_slice %arg8[%dma_start3A_86, %dma_start3A_93, %dma_start3A_94] : memref<16x32x128xf32, #tpu.memory_space<vmem>> -> memref<1x32x128xf32, #tpu.memory_space<vmem>>
      %dma_start3A_96 = tpu.memref_squeeze %dma_start3A_95 : memref<1x32x128xf32, #tpu.memory_space<vmem>> -> memref<32x128xf32, #tpu.memory_space<vmem>>
      %dma_start3A_97 = arith.constant 0 : i32
      %dma_start3A_98 = tpu.memref_slice %arg5[%dma_start3A_97, %multiple_of3A_85] : memref<32x1000000xf32, #tpu.memory_space<hbm>> -> memref<32x128xf32, #tpu.memory_space<hbm>>
      tpu.enqueue_dma source(%dma_start3A_98 : memref<32x128xf32, #tpu.memory_space<hbm>>) target(%dma_start3A_96 : memref<32x128xf32, #tpu.memory_space<vmem>>) target_semaphore(%arg10 : memref<!tpu.dma_semaphore, #tpu.memory_space<semaphore_mem>>)
      %slice3A_99 = vector.extract_strided_slice %get3A_60 {offsets = [2], sizes = [1], strides = [1]} : vector<16xi32> to vector<1xi32>
      %squeeze3A_100 = vector.extract %slice3A_99[0] : i32 from vector<1xi32>
      %shift_right_arithmetic3A_101 = arith.constant 7 : i32
      %shift_right_arithmetic3A_102 = arith.shrsi %squeeze3A_100, %shift_right_arithmetic3A_101 : i32
      %mul3A_103 = arith.constant 128 : i32
      %mul3A_104 = arith.muli %shift_right_arithmetic3A_102, %mul3A_103 : i32
      %multiple_of3A_105 = tpu.assume_multiple %mul3A_104, 128 : i32
      %dma_start3A_106 = arith.constant 2 : i32
      %dma_start3A_107 = arith.constant 0 : i32
      %dma_start3A_108 = arith.constant 0 : i32
      %dma_start3A_109 = tpu.memref_slice %arg8[%dma_start3A_106, %dma_start3A_107, %dma_start3A_108] : memref<16x32x128xf32, #tpu.memory_space<vmem>> -> memref<1x32x128xf32, #tpu.memory_space<vmem>>
      %dma_start3A_110 = tpu.memref_squeeze %dma_start3A_109 : memref<1x32x128xf32, #tpu.memory_space<vmem>> -> memref<32x128xf32, #tpu.memory_space<vmem>>
      %dma_start3A_111 = arith.constant 0 : i32
      %dma_start3A_112 = tpu.memref_slice %arg5[%dma_start3A_111, %multiple_of3A_105] : memref<32x1000000xf32, #tpu.memory_space<hbm>> -> memref<32x128xf32, #tpu.memory_space<hbm>>
      %dma_start3A_113 = arith.constant 0 : i32
      %dma_start3A_114 = arith.constant 0 : i32
      %dma_start3A_115 = tpu.memref_slice %arg8[%dma_start3A_106, %dma_start3A_113, %dma_start3A_114] : memref<16x32x128xf32, #tpu.memory_space<vmem>> -> memref<1x32x128xf32, #tpu.memory_space<vmem>>
      %dma_start3A_116 = tpu.memref_squeeze %dma_start3A_115 : memref<1x32x128xf32, #tpu.memory_space<vmem>> -> memref<32x128xf32, #tpu.memory_space<vmem>>
      %dma_start3A_117 = arith.constant 0 : i32
      %dma_start3A_118 = tpu.memref_slice %arg5[%dma_start3A_117, %multiple_of3A_105] : memref<32x1000000xf32, #tpu.memory_space<hbm>> -> memref<32x128xf32, #tpu.memory_space<hbm>>
      tpu.enqueue_dma source(%dma_start3A_118 : memref<32x128xf32, #tpu.memory_space<hbm>>) target(%dma_start3A_116 : memref<32x128xf32, #tpu.memory_space<vmem>>) target_semaphore(%arg10 : memref<!tpu.dma_semaphore, #tpu.memory_space<semaphore_mem>>)
      %slice3A_119 = vector.extract_strided_slice %get3A_60 {offsets = [3], sizes = [1], strides = [1]} : vector<16xi32> to vector<1xi32>
      %squeeze3A_120 = vector.extract %slice3A_119[0] : i32 from vector<1xi32>
      %shift_right_arithmetic3A_121 = arith.constant 7 : i32
      %shift_right_arithmetic3A_122 = arith.shrsi %squeeze3A_120, %shift_right_arithmetic3A_121 : i32
      %mul3A_123 = arith.constant 128 : i32
      %mul3A_124 = arith.muli %shift_right_arithmetic3A_122, %mul3A_123 : i32
      %multiple_of3A_125 = tpu.assume_multiple %mul3A_124, 128 : i32
      %dma_start3A_126 = arith.constant 3 : i32
      %dma_start3A_127 = arith.constant 0 : i32
      %dma_start3A_128 = arith.constant 0 : i32
      %dma_start3A_129 = tpu.memref_slice %arg8[%dma_start3A_126, %dma_start3A_127, %dma_start3A_128] : memref<16x32x128xf32, #tpu.memory_space<vmem>> -> memref<1x32x128xf32, #tpu.memory_space<vmem>>
      %dma_start3A_130 = tpu.memref_squeeze %dma_start3A_129 : memref<1x32x128xf32, #tpu.memory_space<vmem>> -> memref<32x128xf32, #tpu.memory_space<vmem>>
      %dma_start3A_131 = arith.constant 0 : i32
      %dma_start3A_132 = tpu.memref_slice %arg5[%dma_start3A_131, %multiple_of3A_125] : memref<32x1000000xf32, #tpu.memory_space<hbm>> -> memref<32x128xf32, #tpu.memory_space<hbm>>
      %dma_start3A_133 = arith.constant 0 : i32
      %dma_start3A_134 = arith.constant 0 : i32
      %dma_start3A_135 = tpu.memref_slice %arg8[%dma_start3A_126, %dma_start3A_133, %dma_start3A_134] : memref<16x32x128xf32, #tpu.memory_space<vmem>> -> memref<1x32x128xf32, #tpu.memory_space<vmem>>
      %dma_start3A_136 = tpu.memref_squeeze %dma_start3A_135 : memref<1x32x128xf32, #tpu.memory_space<vmem>> -> memref<32x128xf32, #tpu.memory_space<vmem>>
      %dma_start3A_137 = arith.constant 0 : i32
      %dma_start3A_138 = tpu.memref_slice %arg5[%dma_start3A_137, %multiple_of3A_125] : memref<32x1000000xf32, #tpu.memory_space<hbm>> -> memref<32x128xf32, #tpu.memory_space<hbm>>
      tpu.enqueue_dma source(%dma_start3A_138 : memref<32x128xf32, #tpu.memory_space<hbm>>) target(%dma_start3A_136 : memref<32x128xf32, #tpu.memory_space<vmem>>) target_semaphore(%arg10 : memref<!tpu.dma_semaphore, #tpu.memory_space<semaphore_mem>>)
      %slice3A_139 = vector.extract_strided_slice %get3A_60 {offsets = [4], sizes = [1], strides = [1]} : vector<16xi32> to vector<1xi32>
      %squeeze3A_140 = vector.extract %slice3A_139[0] : i32 from vector<1xi32>
      %shift_right_arithmetic3A_141 = arith.constant 7 : i32
      %shift_right_arithmetic3A_142 = arith.shrsi %squeeze3A_140, %shift_right_arithmetic3A_141 : i32
      %mul3A_143 = arith.constant 128 : i32
      %mul3A_144 = arith.muli %shift_right_arithmetic3A_142, %mul3A_143 : i32
      %multiple_of3A_145 = tpu.assume_multiple %mul3A_144, 128 : i32
      %dma_start3A_146 = arith.constant 4 : i32
      %dma_start3A_147 = arith.constant 0 : i32
      %dma_start3A_148 = arith.constant 0 : i32
      %dma_start3A_149 = tpu.memref_slice %arg8[%dma_start3A_146, %dma_start3A_147, %dma_start3A_148] : memref<16x32x128xf32, #tpu.memory_space<vmem>> -> memref<1x32x128xf32, #tpu.memory_space<vmem>>
      %dma_start3A_150 = tpu.memref_squeeze %dma_start3A_149 : memref<1x32x128xf32, #tpu.memory_space<vmem>> -> memref<32x128xf32, #tpu.memory_space<vmem>>
      %dma_start3A_151 = arith.constant 0 : i32
      %dma_start3A_152 = tpu.memref_slice %arg5[%dma_start3A_151, %multiple_of3A_145] : memref<32x1000000xf32, #tpu.memory_space<hbm>> -> memref<32x128xf32, #tpu.memory_space<hbm>>
      %dma_start3A_153 = arith.constant 0 : i32
      %dma_start3A_154 = arith.constant 0 : i32
      %dma_start3A_155 = tpu.memref_slice %arg8[%dma_start3A_146, %dma_start3A_153, %dma_start3A_154] : memref<16x32x128xf32, #tpu.memory_space<vmem>> -> memref<1x32x128xf32, #tpu.memory_space<vmem>>
      %dma_start3A_156 = tpu.memref_squeeze %dma_start3A_155 : memref<1x32x128xf32, #tpu.memory_space<vmem>> -> memref<32x128xf32, #tpu.memory_space<vmem>>
      %dma_start3A_157 = arith.constant 0 : i32
      %dma_start3A_158 = tpu.memref_slice %arg5[%dma_start3A_157, %multiple_of3A_145] : memref<32x1000000xf32, #tpu.memory_space<hbm>> -> memref<32x128xf32, #tpu.memory_space<hbm>>
      tpu.enqueue_dma source(%dma_start3A_158 : memref<32x128xf32, #tpu.memory_space<hbm>>) target(%dma_start3A_156 : memref<32x128xf32, #tpu.memory_space<vmem>>) target_semaphore(%arg10 : memref<!tpu.dma_semaphore, #tpu.memory_space<semaphore_mem>>)
      %slice3A_159 = vector.extract_strided_slice %get3A_60 {offsets = [5], sizes = [1], strides = [1]} : vector<16xi32> to vector<1xi32>
      %squeeze3A_160 = vector.extract %slice3A_159[0] : i32 from vector<1xi32>
      %shift_right_arithmetic3A_161 = arith.constant 7 : i32
      %shift_right_arithmetic3A_162 = arith.shrsi %squeeze3A_160, %shift_right_arithmetic3A_161 : i32
      %mul3A_163 = arith.constant 128 : i32
      %mul3A_164 = arith.muli %shift_right_arithmetic3A_162, %mul3A_163 : i32
      %multiple_of3A_165 = tpu.assume_multiple %mul3A_164, 128 : i32
      %dma_start3A_166 = arith.constant 5 : i32
      %dma_start3A_167 = arith.constant 0 : i32
      %dma_start3A_168 = arith.constant 0 : i32
      %dma_start3A_169 = tpu.memref_slice %arg8[%dma_start3A_166, %dma_start3A_167, %dma_start3A_168] : memref<16x32x128xf32, #tpu.memory_space<vmem>> -> memref<1x32x128xf32, #tpu.memory_space<vmem>>
      %dma_start3A_170 = tpu.memref_squeeze %dma_start3A_169 : memref<1x32x128xf32, #tpu.memory_space<vmem>> -> memref<32x128xf32, #tpu.memory_space<vmem>>
      %dma_start3A_171 = arith.constant 0 : i32
      %dma_start3A_172 = tpu.memref_slice %arg5[%dma_start3A_171, %multiple_of3A_165] : memref<32x1000000xf32, #tpu.memory_space<hbm>> -> memref<32x128xf32, #tpu.memory_space<hbm>>
      %dma_start3A_173 = arith.constant 0 : i32
      %dma_start3A_174 = arith.constant 0 : i32
      %dma_start3A_175 = tpu.memref_slice %arg8[%dma_start3A_166, %dma_start3A_173, %dma_start3A_174] : memref<16x32x128xf32, #tpu.memory_space<vmem>> -> memref<1x32x128xf32, #tpu.memory_space<vmem>>
      %dma_start3A_176 = tpu.memref_squeeze %dma_start3A_175 : memref<1x32x128xf32, #tpu.memory_space<vmem>> -> memref<32x128xf32, #tpu.memory_space<vmem>>
      %dma_start3A_177 = arith.constant 0 : i32
      %dma_start3A_178 = tpu.memref_slice %arg5[%dma_start3A_177, %multiple_of3A_165] : memref<32x1000000xf32, #tpu.memory_space<hbm>> -> memref<32x128xf32, #tpu.memory_space<hbm>>
      tpu.enqueue_dma source(%dma_start3A_178 : memref<32x128xf32, #tpu.memory_space<hbm>>) target(%dma_start3A_176 : memref<32x128xf32, #tpu.memory_space<vmem>>) target_semaphore(%arg10 : memref<!tpu.dma_semaphore, #tpu.memory_space<semaphore_mem>>)
      %slice3A_179 = vector.extract_strided_slice %get3A_60 {offsets = [6], sizes = [1], strides = [1]} : vector<16xi32> to vector<1xi32>
      %squeeze3A_180 = vector.extract %slice3A_179[0] : i32 from vector<1xi32>
      %shift_right_arithmetic3A_181 = arith.constant 7 : i32
      %shift_right_arithmetic3A_182 = arith.shrsi %squeeze3A_180, %shift_right_arithmetic3A_181 : i32
      %mul3A_183 = arith.constant 128 : i32
      %mul3A_184 = arith.muli %shift_right_arithmetic3A_182, %mul3A_183 : i32
      %multiple_of3A_185 = tpu.assume_multiple %mul3A_184, 128 : i32
      %dma_start3A_186 = arith.constant 6 : i32
      %dma_start3A_187 = arith.constant 0 : i32
      %dma_start3A_188 = arith.constant 0 : i32
      %dma_start3A_189 = tpu.memref_slice %arg8[%dma_start3A_186, %dma_start3A_187, %dma_start3A_188] : memref<16x32x128xf32, #tpu.memory_space<vmem>> -> memref<1x32x128xf32, #tpu.memory_space<vmem>>
      %dma_start3A_190 = tpu.memref_squeeze %dma_start3A_189 : memref<1x32x128xf32, #tpu.memory_space<vmem>> -> memref<32x128xf32, #tpu.memory_space<vmem>>
      %dma_start3A_191 = arith.constant 0 : i32
      %dma_start3A_192 = tpu.memref_slice %arg5[%dma_start3A_191, %multiple_of3A_185] : memref<32x1000000xf32, #tpu.memory_space<hbm>> -> memref<32x128xf32, #tpu.memory_space<hbm>>
      %dma_start3A_193 = arith.constant 0 : i32
      %dma_start3A_194 = arith.constant 0 : i32
      %dma_start3A_195 = tpu.memref_slice %arg8[%dma_start3A_186, %dma_start3A_193, %dma_start3A_194] : memref<16x32x128xf32, #tpu.memory_space<vmem>> -> memref<1x32x128xf32, #tpu.memory_space<vmem>>
      %dma_start3A_196 = tpu.memref_squeeze %dma_start3A_195 : memref<1x32x128xf32, #tpu.memory_space<vmem>> -> memref<32x128xf32, #tpu.memory_space<vmem>>
      %dma_start3A_197 = arith.constant 0 : i32
      %dma_start3A_198 = tpu.memref_slice %arg5[%dma_start3A_197, %multiple_of3A_185] : memref<32x1000000xf32, #tpu.memory_space<hbm>> -> memref<32x128xf32, #tpu.memory_space<hbm>>
      tpu.enqueue_dma source(%dma_start3A_198 : memref<32x128xf32, #tpu.memory_space<hbm>>) target(%dma_start3A_196 : memref<32x128xf32, #tpu.memory_space<vmem>>) target_semaphore(%arg10 : memref<!tpu.dma_semaphore, #tpu.memory_space<semaphore_mem>>)
      %slice3A_199 = vector.extract_strided_slice %get3A_60 {offsets = [7], sizes = [1], strides = [1]} : vector<16xi32> to vector<1xi32>
      %squeeze3A_200 = vector.extract %slice3A_199[0] : i32 from vector<1xi32>
      %shift_right_arithmetic3A_201 = arith.constant 7 : i32
      %shift_right_arithmetic3A_202 = arith.shrsi %squeeze3A_200, %shift_right_arithmetic3A_201 : i32
      %mul3A_203 = arith.constant 128 : i32
      %mul3A_204 = arith.muli %shift_right_arithmetic3A_202, %mul3A_203 : i32
      %multiple_of3A_205 = tpu.assume_multiple %mul3A_204, 128 : i32
      %dma_start3A_206 = arith.constant 7 : i32
      %dma_start3A_207 = arith.constant 0 : i32
      %dma_start3A_208 = arith.constant 0 : i32
      %dma_start3A_209 = tpu.memref_slice %arg8[%dma_start3A_206, %dma_start3A_207, %dma_start3A_208] : memref<16x32x128xf32, #tpu.memory_space<vmem>> -> memref<1x32x128xf32, #tpu.memory_space<vmem>>
      %dma_start3A_210 = tpu.memref_squeeze %dma_start3A_209 : memref<1x32x128xf32, #tpu.memory_space<vmem>> -> memref<32x128xf32, #tpu.memory_space<vmem>>
      %dma_start3A_211 = arith.constant 0 : i32
      %dma_start3A_212 = tpu.memref_slice %arg5[%dma_start3A_211, %multiple_of3A_205] : memref<32x1000000xf32, #tpu.memory_space<hbm>> -> memref<32x128xf32, #tpu.memory_space<hbm>>
      %dma_start3A_213 = arith.constant 0 : i32
      %dma_start3A_214 = arith.constant 0 : i32
      %dma_start3A_215 = tpu.memref_slice %arg8[%dma_start3A_206, %dma_start3A_213, %dma_start3A_214] : memref<16x32x128xf32, #tpu.memory_space<vmem>> -> memref<1x32x128xf32, #tpu.memory_space<vmem>>
      %dma_start3A_216 = tpu.memref_squeeze %dma_start3A_215 : memref<1x32x128xf32, #tpu.memory_space<vmem>> -> memref<32x128xf32, #tpu.memory_space<vmem>>
      %dma_start3A_217 = arith.constant 0 : i32
      %dma_start3A_218 = tpu.memref_slice %arg5[%dma_start3A_217, %multiple_of3A_205] : memref<32x1000000xf32, #tpu.memory_space<hbm>> -> memref<32x128xf32, #tpu.memory_space<hbm>>
      tpu.enqueue_dma source(%dma_start3A_218 : memref<32x128xf32, #tpu.memory_space<hbm>>) target(%dma_start3A_216 : memref<32x128xf32, #tpu.memory_space<vmem>>) target_semaphore(%arg10 : memref<!tpu.dma_semaphore, #tpu.memory_space<semaphore_mem>>)
      %slice3A_219 = vector.extract_strided_slice %get3A_60 {offsets = [8], sizes = [1], strides = [1]} : vector<16xi32> to vector<1xi32>
      %squeeze3A_220 = vector.extract %slice3A_219[0] : i32 from vector<1xi32>
      %shift_right_arithmetic3A_221 = arith.constant 7 : i32
      %shift_right_arithmetic3A_222 = arith.shrsi %squeeze3A_220, %shift_right_arithmetic3A_221 : i32
      %mul3A_223 = arith.constant 128 : i32
      %mul3A_224 = arith.muli %shift_right_arithmetic3A_222, %mul3A_223 : i32
      %multiple_of3A_225 = tpu.assume_multiple %mul3A_224, 128 : i32
      %dma_start3A_226 = arith.constant 8 : i32
      %dma_start3A_227 = arith.constant 0 : i32
      %dma_start3A_228 = arith.constant 0 : i32
      %dma_start3A_229 = tpu.memref_slice %arg8[%dma_start3A_226, %dma_start3A_227, %dma_start3A_228] : memref<16x32x128xf32, #tpu.memory_space<vmem>> -> memref<1x32x128xf32, #tpu.memory_space<vmem>>
      %dma_start3A_230 = tpu.memref_squeeze %dma_start3A_229 : memref<1x32x128xf32, #tpu.memory_space<vmem>> -> memref<32x128xf32, #tpu.memory_space<vmem>>
      %dma_start3A_231 = arith.constant 0 : i32
      %dma_start3A_232 = tpu.memref_slice %arg5[%dma_start3A_231, %multiple_of3A_225] : memref<32x1000000xf32, #tpu.memory_space<hbm>> -> memref<32x128xf32, #tpu.memory_space<hbm>>
      %dma_start3A_233 = arith.constant 0 : i32
      %dma_start3A_234 = arith.constant 0 : i32
      %dma_start3A_235 = tpu.memref_slice %arg8[%dma_start3A_226, %dma_start3A_233, %dma_start3A_234] : memref<16x32x128xf32, #tpu.memory_space<vmem>> -> memref<1x32x128xf32, #tpu.memory_space<vmem>>
      %dma_start3A_236 = tpu.memref_squeeze %dma_start3A_235 : memref<1x32x128xf32, #tpu.memory_space<vmem>> -> memref<32x128xf32, #tpu.memory_space<vmem>>
      %dma_start3A_237 = arith.constant 0 : i32
      %dma_start3A_238 = tpu.memref_slice %arg5[%dma_start3A_237, %multiple_of3A_225] : memref<32x1000000xf32, #tpu.memory_space<hbm>> -> memref<32x128xf32, #tpu.memory_space<hbm>>
      tpu.enqueue_dma source(%dma_start3A_238 : memref<32x128xf32, #tpu.memory_space<hbm>>) target(%dma_start3A_236 : memref<32x128xf32, #tpu.memory_space<vmem>>) target_semaphore(%arg10 : memref<!tpu.dma_semaphore, #tpu.memory_space<semaphore_mem>>)
      %slice3A_239 = vector.extract_strided_slice %get3A_60 {offsets = [9], sizes = [1], strides = [1]} : vector<16xi32> to vector<1xi32>
      %squeeze3A_240 = vector.extract %slice3A_239[0] : i32 from vector<1xi32>
      %shift_right_arithmetic3A_241 = arith.constant 7 : i32
      %shift_right_arithmetic3A_242 = arith.shrsi %squeeze3A_240, %shift_right_arithmetic3A_241 : i32
      %mul3A_243 = arith.constant 128 : i32
      %mul3A_244 = arith.muli %shift_right_arithmetic3A_242, %mul3A_243 : i32
      %multiple_of3A_245 = tpu.assume_multiple %mul3A_244, 128 : i32
      %dma_start3A_246 = arith.constant 9 : i32
      %dma_start3A_247 = arith.constant 0 : i32
      %dma_start3A_248 = arith.constant 0 : i32
      %dma_start3A_249 = tpu.memref_slice %arg8[%dma_start3A_246, %dma_start3A_247, %dma_start3A_248] : memref<16x32x128xf32, #tpu.memory_space<vmem>> -> memref<1x32x128xf32, #tpu.memory_space<vmem>>
      %dma_start3A_250 = tpu.memref_squeeze %dma_start3A_249 : memref<1x32x128xf32, #tpu.memory_space<vmem>> -> memref<32x128xf32, #tpu.memory_space<vmem>>
      %dma_start3A_251 = arith.constant 0 : i32
      %dma_start3A_252 = tpu.memref_slice %arg5[%dma_start3A_251, %multiple_of3A_245] : memref<32x1000000xf32, #tpu.memory_space<hbm>> -> memref<32x128xf32, #tpu.memory_space<hbm>>
      %dma_start3A_253 = arith.constant 0 : i32
      %dma_start3A_254 = arith.constant 0 : i32
      %dma_start3A_255 = tpu.memref_slice %arg8[%dma_start3A_246, %dma_start3A_253, %dma_start3A_254] : memref<16x32x128xf32, #tpu.memory_space<vmem>> -> memref<1x32x128xf32, #tpu.memory_space<vmem>>
      %dma_start3A_256 = tpu.memref_squeeze %dma_start3A_255 : memref<1x32x128xf32, #tpu.memory_space<vmem>> -> memref<32x128xf32, #tpu.memory_space<vmem>>
      %dma_start3A_257 = arith.constant 0 : i32
      %dma_start3A_258 = tpu.memref_slice %arg5[%dma_start3A_257, %multiple_of3A_245] : memref<32x1000000xf32, #tpu.memory_space<hbm>> -> memref<32x128xf32, #tpu.memory_space<hbm>>
      tpu.enqueue_dma source(%dma_start3A_258 : memref<32x128xf32, #tpu.memory_space<hbm>>) target(%dma_start3A_256 : memref<32x128xf32, #tpu.memory_space<vmem>>) target_semaphore(%arg10 : memref<!tpu.dma_semaphore, #tpu.memory_space<semaphore_mem>>)
      %slice3A_259 = vector.extract_strided_slice %get3A_60 {offsets = [10], sizes = [1], strides = [1]} : vector<16xi32> to vector<1xi32>
      %squeeze3A_260 = vector.extract %slice3A_259[0] : i32 from vector<1xi32>
      %shift_right_arithmetic3A_261 = arith.constant 7 : i32
      %shift_right_arithmetic3A_262 = arith.shrsi %squeeze3A_260, %shift_right_arithmetic3A_261 : i32
      %mul3A_263 = arith.constant 128 : i32
      %mul3A_264 = arith.muli %shift_right_arithmetic3A_262, %mul3A_263 : i32
      %multiple_of3A_265 = tpu.assume_multiple %mul3A_264, 128 : i32
      %dma_start3A_266 = arith.constant 10 : i32
      %dma_start3A_267 = arith.constant 0 : i32
      %dma_start3A_268 = arith.constant 0 : i32
      %dma_start3A_269 = tpu.memref_slice %arg8[%dma_start3A_266, %dma_start3A_267, %dma_start3A_268] : memref<16x32x128xf32, #tpu.memory_space<vmem>> -> memref<1x32x128xf32, #tpu.memory_space<vmem>>
      %dma_start3A_270 = tpu.memref_squeeze %dma_start3A_269 : memref<1x32x128xf32, #tpu.memory_space<vmem>> -> memref<32x128xf32, #tpu.memory_space<vmem>>
      %dma_start3A_271 = arith.constant 0 : i32
      %dma_start3A_272 = tpu.memref_slice %arg5[%dma_start3A_271, %multiple_of3A_265] : memref<32x1000000xf32, #tpu.memory_space<hbm>> -> memref<32x128xf32, #tpu.memory_space<hbm>>
      %dma_start3A_273 = arith.constant 0 : i32
      %dma_start3A_274 = arith.constant 0 : i32
      %dma_start3A_275 = tpu.memref_slice %arg8[%dma_start3A_266, %dma_start3A_273, %dma_start3A_274] : memref<16x32x128xf32, #tpu.memory_space<vmem>> -> memref<1x32x128xf32, #tpu.memory_space<vmem>>
      %dma_start3A_276 = tpu.memref_squeeze %dma_start3A_275 : memref<1x32x128xf32, #tpu.memory_space<vmem>> -> memref<32x128xf32, #tpu.memory_space<vmem>>
      %dma_start3A_277 = arith.constant 0 : i32
      %dma_start3A_278 = tpu.memref_slice %arg5[%dma_start3A_277, %multiple_of3A_265] : memref<32x1000000xf32, #tpu.memory_space<hbm>> -> memref<32x128xf32, #tpu.memory_space<hbm>>
      tpu.enqueue_dma source(%dma_start3A_278 : memref<32x128xf32, #tpu.memory_space<hbm>>) target(%dma_start3A_276 : memref<32x128xf32, #tpu.memory_space<vmem>>) target_semaphore(%arg10 : memref<!tpu.dma_semaphore, #tpu.memory_space<semaphore_mem>>)
      %slice3A_279 = vector.extract_strided_slice %get3A_60 {offsets = [11], sizes = [1], strides = [1]} : vector<16xi32> to vector<1xi32>
      %squeeze3A_280 = vector.extract %slice3A_279[0] : i32 from vector<1xi32>
      %shift_right_arithmetic3A_281 = arith.constant 7 : i32
      %shift_right_arithmetic3A_282 = arith.shrsi %squeeze3A_280, %shift_right_arithmetic3A_281 : i32
      %mul3A_283 = arith.constant 128 : i32
      %mul3A_284 = arith.muli %shift_right_arithmetic3A_282, %mul3A_283 : i32
      %multiple_of3A_285 = tpu.assume_multiple %mul3A_284, 128 : i32
      %dma_start3A_286 = arith.constant 11 : i32
      %dma_start3A_287 = arith.constant 0 : i32
      %dma_start3A_288 = arith.constant 0 : i32
      %dma_start3A_289 = tpu.memref_slice %arg8[%dma_start3A_286, %dma_start3A_287, %dma_start3A_288] : memref<16x32x128xf32, #tpu.memory_space<vmem>> -> memref<1x32x128xf32, #tpu.memory_space<vmem>>
      %dma_start3A_290 = tpu.memref_squeeze %dma_start3A_289 : memref<1x32x128xf32, #tpu.memory_space<vmem>> -> memref<32x128xf32, #tpu.memory_space<vmem>>
      %dma_start3A_291 = arith.constant 0 : i32
      %dma_start3A_292 = tpu.memref_slice %arg5[%dma_start3A_291, %multiple_of3A_285] : memref<32x1000000xf32, #tpu.memory_space<hbm>> -> memref<32x128xf32, #tpu.memory_space<hbm>>
      %dma_start3A_293 = arith.constant 0 : i32
      %dma_start3A_294 = arith.constant 0 : i32
      %dma_start3A_295 = tpu.memref_slice %arg8[%dma_start3A_286, %dma_start3A_293, %dma_start3A_294] : memref<16x32x128xf32, #tpu.memory_space<vmem>> -> memref<1x32x128xf32, #tpu.memory_space<vmem>>
      %dma_start3A_296 = tpu.memref_squeeze %dma_start3A_295 : memref<1x32x128xf32, #tpu.memory_space<vmem>> -> memref<32x128xf32, #tpu.memory_space<vmem>>
      %dma_start3A_297 = arith.constant 0 : i32
      %dma_start3A_298 = tpu.memref_slice %arg5[%dma_start3A_297, %multiple_of3A_285] : memref<32x1000000xf32, #tpu.memory_space<hbm>> -> memref<32x128xf32, #tpu.memory_space<hbm>>
      tpu.enqueue_dma source(%dma_start3A_298 : memref<32x128xf32, #tpu.memory_space<hbm>>) target(%dma_start3A_296 : memref<32x128xf32, #tpu.memory_space<vmem>>) target_semaphore(%arg10 : memref<!tpu.dma_semaphore, #tpu.memory_space<semaphore_mem>>)
      %slice3A_299 = vector.extract_strided_slice %get3A_60 {offsets = [12], sizes = [1], strides = [1]} : vector<16xi32> to vector<1xi32>
      %squeeze3A_300 = vector.extract %slice3A_299[0] : i32 from vector<1xi32>
      %shift_right_arithmetic3A_301 = arith.constant 7 : i32
      %shift_right_arithmetic3A_302 = arith.shrsi %squeeze3A_300, %shift_right_arithmetic3A_301 : i32
      %mul3A_303 = arith.constant 128 : i32
      %mul3A_304 = arith.muli %shift_right_arithmetic3A_302, %mul3A_303 : i32
      %multiple_of3A_305 = tpu.assume_multiple %mul3A_304, 128 : i32
      %dma_start3A_306 = arith.constant 12 : i32
      %dma_start3A_307 = arith.constant 0 : i32
      %dma_start3A_308 = arith.constant 0 : i32
      %dma_start3A_309 = tpu.memref_slice %arg8[%dma_start3A_306, %dma_start3A_307, %dma_start3A_308] : memref<16x32x128xf32, #tpu.memory_space<vmem>> -> memref<1x32x128xf32, #tpu.memory_space<vmem>>
      %dma_start3A_310 = tpu.memref_squeeze %dma_start3A_309 : memref<1x32x128xf32, #tpu.memory_space<vmem>> -> memref<32x128xf32, #tpu.memory_space<vmem>>
      %dma_start3A_311 = arith.constant 0 : i32
      %dma_start3A_312 = tpu.memref_slice %arg5[%dma_start3A_311, %multiple_of3A_305] : memref<32x1000000xf32, #tpu.memory_space<hbm>> -> memref<32x128xf32, #tpu.memory_space<hbm>>
      %dma_start3A_313 = arith.constant 0 : i32
      %dma_start3A_314 = arith.constant 0 : i32
      %dma_start3A_315 = tpu.memref_slice %arg8[%dma_start3A_306, %dma_start3A_313, %dma_start3A_314] : memref<16x32x128xf32, #tpu.memory_space<vmem>> -> memref<1x32x128xf32, #tpu.memory_space<vmem>>
      %dma_start3A_316 = tpu.memref_squeeze %dma_start3A_315 : memref<1x32x128xf32, #tpu.memory_space<vmem>> -> memref<32x128xf32, #tpu.memory_space<vmem>>
      %dma_start3A_317 = arith.constant 0 : i32
      %dma_start3A_318 = tpu.memref_slice %arg5[%dma_start3A_317, %multiple_of3A_305] : memref<32x1000000xf32, #tpu.memory_space<hbm>> -> memref<32x128xf32, #tpu.memory_space<hbm>>
      tpu.enqueue_dma source(%dma_start3A_318 : memref<32x128xf32, #tpu.memory_space<hbm>>) target(%dma_start3A_316 : memref<32x128xf32, #tpu.memory_space<vmem>>) target_semaphore(%arg10 : memref<!tpu.dma_semaphore, #tpu.memory_space<semaphore_mem>>)
      %slice3A_319 = vector.extract_strided_slice %get3A_60 {offsets = [13], sizes = [1], strides = [1]} : vector<16xi32> to vector<1xi32>
      %squeeze3A_320 = vector.extract %slice3A_319[0] : i32 from vector<1xi32>
      %shift_right_arithmetic3A_321 = arith.constant 7 : i32
      %shift_right_arithmetic3A_322 = arith.shrsi %squeeze3A_320, %shift_right_arithmetic3A_321 : i32
      %mul3A_323 = arith.constant 128 : i32
      %mul3A_324 = arith.muli %shift_right_arithmetic3A_322, %mul3A_323 : i32
      %multiple_of3A_325 = tpu.assume_multiple %mul3A_324, 128 : i32
      %dma_start3A_326 = arith.constant 13 : i32
      %dma_start3A_327 = arith.constant 0 : i32
      %dma_start3A_328 = arith.constant 0 : i32
      %dma_start3A_329 = tpu.memref_slice %arg8[%dma_start3A_326, %dma_start3A_327, %dma_start3A_328] : memref<16x32x128xf32, #tpu.memory_space<vmem>> -> memref<1x32x128xf32, #tpu.memory_space<vmem>>
      %dma_start3A_330 = tpu.memref_squeeze %dma_start3A_329 : memref<1x32x128xf32, #tpu.memory_space<vmem>> -> memref<32x128xf32, #tpu.memory_space<vmem>>
      %dma_start3A_331 = arith.constant 0 : i32
      %dma_start3A_332 = tpu.memref_slice %arg5[%dma_start3A_331, %multiple_of3A_325] : memref<32x1000000xf32, #tpu.memory_space<hbm>> -> memref<32x128xf32, #tpu.memory_space<hbm>>
      %dma_start3A_333 = arith.constant 0 : i32
      %dma_start3A_334 = arith.constant 0 : i32
      %dma_start3A_335 = tpu.memref_slice %arg8[%dma_start3A_326, %dma_start3A_333, %dma_start3A_334] : memref<16x32x128xf32, #tpu.memory_space<vmem>> -> memref<1x32x128xf32, #tpu.memory_space<vmem>>
      %dma_start3A_336 = tpu.memref_squeeze %dma_start3A_335 : memref<1x32x128xf32, #tpu.memory_space<vmem>> -> memref<32x128xf32, #tpu.memory_space<vmem>>
      %dma_start3A_337 = arith.constant 0 : i32
      %dma_start3A_338 = tpu.memref_slice %arg5[%dma_start3A_337, %multiple_of3A_325] : memref<32x1000000xf32, #tpu.memory_space<hbm>> -> memref<32x128xf32, #tpu.memory_space<hbm>>
      tpu.enqueue_dma source(%dma_start3A_338 : memref<32x128xf32, #tpu.memory_space<hbm>>) target(%dma_start3A_336 : memref<32x128xf32, #tpu.memory_space<vmem>>) target_semaphore(%arg10 : memref<!tpu.dma_semaphore, #tpu.memory_space<semaphore_mem>>)
      %slice3A_339 = vector.extract_strided_slice %get3A_60 {offsets = [14], sizes = [1], strides = [1]} : vector<16xi32> to vector<1xi32>
      %squeeze3A_340 = vector.extract %slice3A_339[0] : i32 from vector<1xi32>
      %shift_right_arithmetic3A_341 = arith.constant 7 : i32
      %shift_right_arithmetic3A_342 = arith.shrsi %squeeze3A_340, %shift_right_arithmetic3A_341 : i32
      %mul3A_343 = arith.constant 128 : i32
      %mul3A_344 = arith.muli %shift_right_arithmetic3A_342, %mul3A_343 : i32
      %multiple_of3A_345 = tpu.assume_multiple %mul3A_344, 128 : i32
      %dma_start3A_346 = arith.constant 14 : i32
      %dma_start3A_347 = arith.constant 0 : i32
      %dma_start3A_348 = arith.constant 0 : i32
      %dma_start3A_349 = tpu.memref_slice %arg8[%dma_start3A_346, %dma_start3A_347, %dma_start3A_348] : memref<16x32x128xf32, #tpu.memory_space<vmem>> -> memref<1x32x128xf32, #tpu.memory_space<vmem>>
      %dma_start3A_350 = tpu.memref_squeeze %dma_start3A_349 : memref<1x32x128xf32, #tpu.memory_space<vmem>> -> memref<32x128xf32, #tpu.memory_space<vmem>>
      %dma_start3A_351 = arith.constant 0 : i32
      %dma_start3A_352 = tpu.memref_slice %arg5[%dma_start3A_351, %multiple_of3A_345] : memref<32x1000000xf32, #tpu.memory_space<hbm>> -> memref<32x128xf32, #tpu.memory_space<hbm>>
      %dma_start3A_353 = arith.constant 0 : i32
      %dma_start3A_354 = arith.constant 0 : i32
      %dma_start3A_355 = tpu.memref_slice %arg8[%dma_start3A_346, %dma_start3A_353, %dma_start3A_354] : memref<16x32x128xf32, #tpu.memory_space<vmem>> -> memref<1x32x128xf32, #tpu.memory_space<vmem>>
      %dma_start3A_356 = tpu.memref_squeeze %dma_start3A_355 : memref<1x32x128xf32, #tpu.memory_space<vmem>> -> memref<32x128xf32, #tpu.memory_space<vmem>>
      %dma_start3A_357 = arith.constant 0 : i32
      %dma_start3A_358 = tpu.memref_slice %arg5[%dma_start3A_357, %multiple_of3A_345] : memref<32x1000000xf32, #tpu.memory_space<hbm>> -> memref<32x128xf32, #tpu.memory_space<hbm>>
      tpu.enqueue_dma source(%dma_start3A_358 : memref<32x128xf32, #tpu.memory_space<hbm>>) target(%dma_start3A_356 : memref<32x128xf32, #tpu.memory_space<vmem>>) target_semaphore(%arg10 : memref<!tpu.dma_semaphore, #tpu.memory_space<semaphore_mem>>)
      %slice3A_359 = vector.extract_strided_slice %get3A_60 {offsets = [15], sizes = [1], strides = [1]} : vector<16xi32> to vector<1xi32>
      %squeeze3A_360 = vector.extract %slice3A_359[0] : i32 from vector<1xi32>
      %shift_right_arithmetic3A_361 = arith.constant 7 : i32
      %shift_right_arithmetic3A_362 = arith.shrsi %squeeze3A_360, %shift_right_arithmetic3A_361 : i32
      %mul3A_363 = arith.constant 128 : i32
      %mul3A_364 = arith.muli %shift_right_arithmetic3A_362, %mul3A_363 : i32
      %multiple_of3A_365 = tpu.assume_multiple %mul3A_364, 128 : i32
      %dma_start3A_366 = arith.constant 15 : i32
      %dma_start3A_367 = arith.constant 0 : i32
      %dma_start3A_368 = arith.constant 0 : i32
      %dma_start3A_369 = tpu.memref_slice %arg8[%dma_start3A_366, %dma_start3A_367, %dma_start3A_368] : memref<16x32x128xf32, #tpu.memory_space<vmem>> -> memref<1x32x128xf32, #tpu.memory_space<vmem>>
      %dma_start3A_370 = tpu.memref_squeeze %dma_start3A_369 : memref<1x32x128xf32, #tpu.memory_space<vmem>> -> memref<32x128xf32, #tpu.memory_space<vmem>>
      %dma_start3A_371 = arith.constant 0 : i32
      %dma_start3A_372 = tpu.memref_slice %arg5[%dma_start3A_371, %multiple_of3A_365] : memref<32x1000000xf32, #tpu.memory_space<hbm>> -> memref<32x128xf32, #tpu.memory_space<hbm>>
      %dma_start3A_373 = arith.constant 0 : i32
      %dma_start3A_374 = arith.constant 0 : i32
      %dma_start3A_375 = tpu.memref_slice %arg8[%dma_start3A_366, %dma_start3A_373, %dma_start3A_374] : memref<16x32x128xf32, #tpu.memory_space<vmem>> -> memref<1x32x128xf32, #tpu.memory_space<vmem>>
      %dma_start3A_376 = tpu.memref_squeeze %dma_start3A_375 : memref<1x32x128xf32, #tpu.memory_space<vmem>> -> memref<32x128xf32, #tpu.memory_space<vmem>>
      %dma_start3A_377 = arith.constant 0 : i32
      %dma_start3A_378 = tpu.memref_slice %arg5[%dma_start3A_377, %multiple_of3A_365] : memref<32x1000000xf32, #tpu.memory_space<hbm>> -> memref<32x128xf32, #tpu.memory_space<hbm>>
      tpu.enqueue_dma source(%dma_start3A_378 : memref<32x128xf32, #tpu.memory_space<hbm>>) target(%dma_start3A_376 : memref<32x128xf32, #tpu.memory_space<vmem>>) target_semaphore(%arg10 : memref<!tpu.dma_semaphore, #tpu.memory_space<semaphore_mem>>)
      %dma_wait3A = arith.constant 0 : i32
      %dma_wait3A_379 = arith.constant 0 : i32
      %dma_wait3A_380 = arith.constant 0 : i32
      %dma_wait3A_381 = tpu.memref_slice %arg8[%dma_wait3A, %dma_wait3A_379, %dma_wait3A_380] : memref<16x32x128xf32, #tpu.memory_space<vmem>> -> memref<1x32x128xf32, #tpu.memory_space<vmem>>
      %dma_wait3A_382 = tpu.memref_squeeze %dma_wait3A_381 : memref<1x32x128xf32, #tpu.memory_space<vmem>> -> memref<32x128xf32, #tpu.memory_space<vmem>>
      %dma_wait3A_383 = arith.constant 0 : i32
      %dma_wait3A_384 = arith.constant 0 : i32
      %dma_wait3A_385 = tpu.memref_slice %arg5[%dma_wait3A_383, %dma_wait3A_384] : memref<32x1000000xf32, #tpu.memory_space<hbm>> -> memref<32x128xf32, #tpu.memory_space<hbm>>
      %dma_wait3A_386 = arith.constant 0 : i32
      %dma_wait3A_387 = arith.constant 0 : i32
      %dma_wait3A_388 = tpu.memref_slice %arg8[%dma_wait3A, %dma_wait3A_386, %dma_wait3A_387] : memref<16x32x128xf32, #tpu.memory_space<vmem>> -> memref<1x32x128xf32, #tpu.memory_space<vmem>>
      %dma_wait3A_389 = tpu.memref_squeeze %dma_wait3A_388 : memref<1x32x128xf32, #tpu.memory_space<vmem>> -> memref<32x128xf32, #tpu.memory_space<vmem>>
      %dma_wait3A_390 = arith.constant 0 : i32
      %dma_wait3A_391 = arith.constant 0 : i32
      %dma_wait3A_392 = tpu.memref_slice %arg5[%dma_wait3A_390, %dma_wait3A_391] : memref<32x1000000xf32, #tpu.memory_space<hbm>> -> memref<32x128xf32, #tpu.memory_space<hbm>>
      tpu.wait_dma2 semaphore(%arg10 : memref<!tpu.dma_semaphore, #tpu.memory_space<semaphore_mem>>) src(%dma_wait3A_392 : memref<32x128xf32, #tpu.memory_space<hbm>>) dst(%dma_wait3A_389 : memref<32x128xf32, #tpu.memory_space<vmem>>)
      %dma_wait3A_393 = arith.constant 1 : i32
      %dma_wait3A_394 = arith.constant 0 : i32
      %dma_wait3A_395 = arith.constant 0 : i32
      %dma_wait3A_396 = tpu.memref_slice %arg8[%dma_wait3A_393, %dma_wait3A_394, %dma_wait3A_395] : memref<16x32x128xf32, #tpu.memory_space<vmem>> -> memref<1x32x128xf32, #tpu.memory_space<vmem>>
      %dma_wait3A_397 = tpu.memref_squeeze %dma_wait3A_396 : memref<1x32x128xf32, #tpu.memory_space<vmem>> -> memref<32x128xf32, #tpu.memory_space<vmem>>
      %dma_wait3A_398 = arith.constant 0 : i32
      %dma_wait3A_399 = arith.constant 0 : i32
      %dma_wait3A_400 = tpu.memref_slice %arg5[%dma_wait3A_398, %dma_wait3A_399] : memref<32x1000000xf32, #tpu.memory_space<hbm>> -> memref<32x128xf32, #tpu.memory_space<hbm>>
      %dma_wait3A_401 = arith.constant 0 : i32
      %dma_wait3A_402 = arith.constant 0 : i32
      %dma_wait3A_403 = tpu.memref_slice %arg8[%dma_wait3A_393, %dma_wait3A_401, %dma_wait3A_402] : memref<16x32x128xf32, #tpu.memory_space<vmem>> -> memref<1x32x128xf32, #tpu.memory_space<vmem>>
      %dma_wait3A_404 = tpu.memref_squeeze %dma_wait3A_403 : memref<1x32x128xf32, #tpu.memory_space<vmem>> -> memref<32x128xf32, #tpu.memory_space<vmem>>
      %dma_wait3A_405 = arith.constant 0 : i32
      %dma_wait3A_406 = arith.constant 0 : i32
      %dma_wait3A_407 = tpu.memref_slice %arg5[%dma_wait3A_405, %dma_wait3A_406] : memref<32x1000000xf32, #tpu.memory_space<hbm>> -> memref<32x128xf32, #tpu.memory_space<hbm>>
      tpu.wait_dma2 semaphore(%arg10 : memref<!tpu.dma_semaphore, #tpu.memory_space<semaphore_mem>>) src(%dma_wait3A_407 : memref<32x128xf32, #tpu.memory_space<hbm>>) dst(%dma_wait3A_404 : memref<32x128xf32, #tpu.memory_space<vmem>>)
      %dma_wait3A_408 = arith.constant 2 : i32
      %dma_wait3A_409 = arith.constant 0 : i32
      %dma_wait3A_410 = arith.constant 0 : i32
      %dma_wait3A_411 = tpu.memref_slice %arg8[%dma_wait3A_408, %dma_wait3A_409, %dma_wait3A_410] : memref<16x32x128xf32, #tpu.memory_space<vmem>> -> memref<1x32x128xf32, #tpu.memory_space<vmem>>
      %dma_wait3A_412 = tpu.memref_squeeze %dma_wait3A_411 : memref<1x32x128xf32, #tpu.memory_space<vmem>> -> memref<32x128xf32, #tpu.memory_space<vmem>>
      %dma_wait3A_413 = arith.constant 0 : i32
      %dma_wait3A_414 = arith.constant 0 : i32
      %dma_wait3A_415 = tpu.memref_slice %arg5[%dma_wait3A_413, %dma_wait3A_414] : memref<32x1000000xf32, #tpu.memory_space<hbm>> -> memref<32x128xf32, #tpu.memory_space<hbm>>
      %dma_wait3A_416 = arith.constant 0 : i32
      %dma_wait3A_417 = arith.constant 0 : i32
      %dma_wait3A_418 = tpu.memref_slice %arg8[%dma_wait3A_408, %dma_wait3A_416, %dma_wait3A_417] : memref<16x32x128xf32, #tpu.memory_space<vmem>> -> memref<1x32x128xf32, #tpu.memory_space<vmem>>
      %dma_wait3A_419 = tpu.memref_squeeze %dma_wait3A_418 : memref<1x32x128xf32, #tpu.memory_space<vmem>> -> memref<32x128xf32, #tpu.memory_space<vmem>>
      %dma_wait3A_420 = arith.constant 0 : i32
      %dma_wait3A_421 = arith.constant 0 : i32
      %dma_wait3A_422 = tpu.memref_slice %arg5[%dma_wait3A_420, %dma_wait3A_421] : memref<32x1000000xf32, #tpu.memory_space<hbm>> -> memref<32x128xf32, #tpu.memory_space<hbm>>
      tpu.wait_dma2 semaphore(%arg10 : memref<!tpu.dma_semaphore, #tpu.memory_space<semaphore_mem>>) src(%dma_wait3A_422 : memref<32x128xf32, #tpu.memory_space<hbm>>) dst(%dma_wait3A_419 : memref<32x128xf32, #tpu.memory_space<vmem>>)
      %dma_wait3A_423 = arith.constant 3 : i32
      %dma_wait3A_424 = arith.constant 0 : i32
      %dma_wait3A_425 = arith.constant 0 : i32
      %dma_wait3A_426 = tpu.memref_slice %arg8[%dma_wait3A_423, %dma_wait3A_424, %dma_wait3A_425] : memref<16x32x128xf32, #tpu.memory_space<vmem>> -> memref<1x32x128xf32, #tpu.memory_space<vmem>>
      %dma_wait3A_427 = tpu.memref_squeeze %dma_wait3A_426 : memref<1x32x128xf32, #tpu.memory_space<vmem>> -> memref<32x128xf32, #tpu.memory_space<vmem>>
      %dma_wait3A_428 = arith.constant 0 : i32
      %dma_wait3A_429 = arith.constant 0 : i32
      %dma_wait3A_430 = tpu.memref_slice %arg5[%dma_wait3A_428, %dma_wait3A_429] : memref<32x1000000xf32, #tpu.memory_space<hbm>> -> memref<32x128xf32, #tpu.memory_space<hbm>>
      %dma_wait3A_431 = arith.constant 0 : i32
      %dma_wait3A_432 = arith.constant 0 : i32
      %dma_wait3A_433 = tpu.memref_slice %arg8[%dma_wait3A_423, %dma_wait3A_431, %dma_wait3A_432] : memref<16x32x128xf32, #tpu.memory_space<vmem>> -> memref<1x32x128xf32, #tpu.memory_space<vmem>>
      %dma_wait3A_434 = tpu.memref_squeeze %dma_wait3A_433 : memref<1x32x128xf32, #tpu.memory_space<vmem>> -> memref<32x128xf32, #tpu.memory_space<vmem>>
      %dma_wait3A_435 = arith.constant 0 : i32
      %dma_wait3A_436 = arith.constant 0 : i32
      %dma_wait3A_437 = tpu.memref_slice %arg5[%dma_wait3A_435, %dma_wait3A_436] : memref<32x1000000xf32, #tpu.memory_space<hbm>> -> memref<32x128xf32, #tpu.memory_space<hbm>>
      tpu.wait_dma2 semaphore(%arg10 : memref<!tpu.dma_semaphore, #tpu.memory_space<semaphore_mem>>) src(%dma_wait3A_437 : memref<32x128xf32, #tpu.memory_space<hbm>>) dst(%dma_wait3A_434 : memref<32x128xf32, #tpu.memory_space<vmem>>)
      %dma_wait3A_438 = arith.constant 4 : i32
      %dma_wait3A_439 = arith.constant 0 : i32
      %dma_wait3A_440 = arith.constant 0 : i32
      %dma_wait3A_441 = tpu.memref_slice %arg8[%dma_wait3A_438, %dma_wait3A_439, %dma_wait3A_440] : memref<16x32x128xf32, #tpu.memory_space<vmem>> -> memref<1x32x128xf32, #tpu.memory_space<vmem>>
      %dma_wait3A_442 = tpu.memref_squeeze %dma_wait3A_441 : memref<1x32x128xf32, #tpu.memory_space<vmem>> -> memref<32x128xf32, #tpu.memory_space<vmem>>
      %dma_wait3A_443 = arith.constant 0 : i32
      %dma_wait3A_444 = arith.constant 0 : i32
      %dma_wait3A_445 = tpu.memref_slice %arg5[%dma_wait3A_443, %dma_wait3A_444] : memref<32x1000000xf32, #tpu.memory_space<hbm>> -> memref<32x128xf32, #tpu.memory_space<hbm>>
      %dma_wait3A_446 = arith.constant 0 : i32
      %dma_wait3A_447 = arith.constant 0 : i32
      %dma_wait3A_448 = tpu.memref_slice %arg8[%dma_wait3A_438, %dma_wait3A_446, %dma_wait3A_447] : memref<16x32x128xf32, #tpu.memory_space<vmem>> -> memref<1x32x128xf32, #tpu.memory_space<vmem>>
      %dma_wait3A_449 = tpu.memref_squeeze %dma_wait3A_448 : memref<1x32x128xf32, #tpu.memory_space<vmem>> -> memref<32x128xf32, #tpu.memory_space<vmem>>
      %dma_wait3A_450 = arith.constant 0 : i32
      %dma_wait3A_451 = arith.constant 0 : i32
      %dma_wait3A_452 = tpu.memref_slice %arg5[%dma_wait3A_450, %dma_wait3A_451] : memref<32x1000000xf32, #tpu.memory_space<hbm>> -> memref<32x128xf32, #tpu.memory_space<hbm>>
      tpu.wait_dma2 semaphore(%arg10 : memref<!tpu.dma_semaphore, #tpu.memory_space<semaphore_mem>>) src(%dma_wait3A_452 : memref<32x128xf32, #tpu.memory_space<hbm>>) dst(%dma_wait3A_449 : memref<32x128xf32, #tpu.memory_space<vmem>>)
      %dma_wait3A_453 = arith.constant 5 : i32
      %dma_wait3A_454 = arith.constant 0 : i32
      %dma_wait3A_455 = arith.constant 0 : i32
      %dma_wait3A_456 = tpu.memref_slice %arg8[%dma_wait3A_453, %dma_wait3A_454, %dma_wait3A_455] : memref<16x32x128xf32, #tpu.memory_space<vmem>> -> memref<1x32x128xf32, #tpu.memory_space<vmem>>
      %dma_wait3A_457 = tpu.memref_squeeze %dma_wait3A_456 : memref<1x32x128xf32, #tpu.memory_space<vmem>> -> memref<32x128xf32, #tpu.memory_space<vmem>>
      %dma_wait3A_458 = arith.constant 0 : i32
      %dma_wait3A_459 = arith.constant 0 : i32
      %dma_wait3A_460 = tpu.memref_slice %arg5[%dma_wait3A_458, %dma_wait3A_459] : memref<32x1000000xf32, #tpu.memory_space<hbm>> -> memref<32x128xf32, #tpu.memory_space<hbm>>
      %dma_wait3A_461 = arith.constant 0 : i32
      %dma_wait3A_462 = arith.constant 0 : i32
      %dma_wait3A_463 = tpu.memref_slice %arg8[%dma_wait3A_453, %dma_wait3A_461, %dma_wait3A_462] : memref<16x32x128xf32, #tpu.memory_space<vmem>> -> memref<1x32x128xf32, #tpu.memory_space<vmem>>
      %dma_wait3A_464 = tpu.memref_squeeze %dma_wait3A_463 : memref<1x32x128xf32, #tpu.memory_space<vmem>> -> memref<32x128xf32, #tpu.memory_space<vmem>>
      %dma_wait3A_465 = arith.constant 0 : i32
      %dma_wait3A_466 = arith.constant 0 : i32
      %dma_wait3A_467 = tpu.memref_slice %arg5[%dma_wait3A_465, %dma_wait3A_466] : memref<32x1000000xf32, #tpu.memory_space<hbm>> -> memref<32x128xf32, #tpu.memory_space<hbm>>
      tpu.wait_dma2 semaphore(%arg10 : memref<!tpu.dma_semaphore, #tpu.memory_space<semaphore_mem>>) src(%dma_wait3A_467 : memref<32x128xf32, #tpu.memory_space<hbm>>) dst(%dma_wait3A_464 : memref<32x128xf32, #tpu.memory_space<vmem>>)
      %dma_wait3A_468 = arith.constant 6 : i32
      %dma_wait3A_469 = arith.constant 0 : i32
      %dma_wait3A_470 = arith.constant 0 : i32
      %dma_wait3A_471 = tpu.memref_slice %arg8[%dma_wait3A_468, %dma_wait3A_469, %dma_wait3A_470] : memref<16x32x128xf32, #tpu.memory_space<vmem>> -> memref<1x32x128xf32, #tpu.memory_space<vmem>>
      %dma_wait3A_472 = tpu.memref_squeeze %dma_wait3A_471 : memref<1x32x128xf32, #tpu.memory_space<vmem>> -> memref<32x128xf32, #tpu.memory_space<vmem>>
      %dma_wait3A_473 = arith.constant 0 : i32
      %dma_wait3A_474 = arith.constant 0 : i32
      %dma_wait3A_475 = tpu.memref_slice %arg5[%dma_wait3A_473, %dma_wait3A_474] : memref<32x1000000xf32, #tpu.memory_space<hbm>> -> memref<32x128xf32, #tpu.memory_space<hbm>>
      %dma_wait3A_476 = arith.constant 0 : i32
      %dma_wait3A_477 = arith.constant 0 : i32
      %dma_wait3A_478 = tpu.memref_slice %arg8[%dma_wait3A_468, %dma_wait3A_476, %dma_wait3A_477] : memref<16x32x128xf32, #tpu.memory_space<vmem>> -> memref<1x32x128xf32, #tpu.memory_space<vmem>>
      %dma_wait3A_479 = tpu.memref_squeeze %dma_wait3A_478 : memref<1x32x128xf32, #tpu.memory_space<vmem>> -> memref<32x128xf32, #tpu.memory_space<vmem>>
      %dma_wait3A_480 = arith.constant 0 : i32
      %dma_wait3A_481 = arith.constant 0 : i32
      %dma_wait3A_482 = tpu.memref_slice %arg5[%dma_wait3A_480, %dma_wait3A_481] : memref<32x1000000xf32, #tpu.memory_space<hbm>> -> memref<32x128xf32, #tpu.memory_space<hbm>>
      tpu.wait_dma2 semaphore(%arg10 : memref<!tpu.dma_semaphore, #tpu.memory_space<semaphore_mem>>) src(%dma_wait3A_482 : memref<32x128xf32, #tpu.memory_space<hbm>>) dst(%dma_wait3A_479 : memref<32x128xf32, #tpu.memory_space<vmem>>)
      %dma_wait3A_483 = arith.constant 7 : i32
      %dma_wait3A_484 = arith.constant 0 : i32
      %dma_wait3A_485 = arith.constant 0 : i32
      %dma_wait3A_486 = tpu.memref_slice %arg8[%dma_wait3A_483, %dma_wait3A_484, %dma_wait3A_485] : memref<16x32x128xf32, #tpu.memory_space<vmem>> -> memref<1x32x128xf32, #tpu.memory_space<vmem>>
      %dma_wait3A_487 = tpu.memref_squeeze %dma_wait3A_486 : memref<1x32x128xf32, #tpu.memory_space<vmem>> -> memref<32x128xf32, #tpu.memory_space<vmem>>
      %dma_wait3A_488 = arith.constant 0 : i32
      %dma_wait3A_489 = arith.constant 0 : i32
      %dma_wait3A_490 = tpu.memref_slice %arg5[%dma_wait3A_488, %dma_wait3A_489] : memref<32x1000000xf32, #tpu.memory_space<hbm>> -> memref<32x128xf32, #tpu.memory_space<hbm>>
      %dma_wait3A_491 = arith.constant 0 : i32
      %dma_wait3A_492 = arith.constant 0 : i32
      %dma_wait3A_493 = tpu.memref_slice %arg8[%dma_wait3A_483, %dma_wait3A_491, %dma_wait3A_492] : memref<16x32x128xf32, #tpu.memory_space<vmem>> -> memref<1x32x128xf32, #tpu.memory_space<vmem>>
      %dma_wait3A_494 = tpu.memref_squeeze %dma_wait3A_493 : memref<1x32x128xf32, #tpu.memory_space<vmem>> -> memref<32x128xf32, #tpu.memory_space<vmem>>
      %dma_wait3A_495 = arith.constant 0 : i32
      %dma_wait3A_496 = arith.constant 0 : i32
      %dma_wait3A_497 = tpu.memref_slice %arg5[%dma_wait3A_495, %dma_wait3A_496] : memref<32x1000000xf32, #tpu.memory_space<hbm>> -> memref<32x128xf32, #tpu.memory_space<hbm>>
      tpu.wait_dma2 semaphore(%arg10 : memref<!tpu.dma_semaphore, #tpu.memory_space<semaphore_mem>>) src(%dma_wait3A_497 : memref<32x128xf32, #tpu.memory_space<hbm>>) dst(%dma_wait3A_494 : memref<32x128xf32, #tpu.memory_space<vmem>>)
      %dma_wait3A_498 = arith.constant 8 : i32
      %dma_wait3A_499 = arith.constant 0 : i32
      %dma_wait3A_500 = arith.constant 0 : i32
      %dma_wait3A_501 = tpu.memref_slice %arg8[%dma_wait3A_498, %dma_wait3A_499, %dma_wait3A_500] : memref<16x32x128xf32, #tpu.memory_space<vmem>> -> memref<1x32x128xf32, #tpu.memory_space<vmem>>
      %dma_wait3A_502 = tpu.memref_squeeze %dma_wait3A_501 : memref<1x32x128xf32, #tpu.memory_space<vmem>> -> memref<32x128xf32, #tpu.memory_space<vmem>>
      %dma_wait3A_503 = arith.constant 0 : i32
      %dma_wait3A_504 = arith.constant 0 : i32
      %dma_wait3A_505 = tpu.memref_slice %arg5[%dma_wait3A_503, %dma_wait3A_504] : memref<32x1000000xf32, #tpu.memory_space<hbm>> -> memref<32x128xf32, #tpu.memory_space<hbm>>
      %dma_wait3A_506 = arith.constant 0 : i32
      %dma_wait3A_507 = arith.constant 0 : i32
      %dma_wait3A_508 = tpu.memref_slice %arg8[%dma_wait3A_498, %dma_wait3A_506, %dma_wait3A_507] : memref<16x32x128xf32, #tpu.memory_space<vmem>> -> memref<1x32x128xf32, #tpu.memory_space<vmem>>
      %dma_wait3A_509 = tpu.memref_squeeze %dma_wait3A_508 : memref<1x32x128xf32, #tpu.memory_space<vmem>> -> memref<32x128xf32, #tpu.memory_space<vmem>>
      %dma_wait3A_510 = arith.constant 0 : i32
      %dma_wait3A_511 = arith.constant 0 : i32
      %dma_wait3A_512 = tpu.memref_slice %arg5[%dma_wait3A_510, %dma_wait3A_511] : memref<32x1000000xf32, #tpu.memory_space<hbm>> -> memref<32x128xf32, #tpu.memory_space<hbm>>
      tpu.wait_dma2 semaphore(%arg10 : memref<!tpu.dma_semaphore, #tpu.memory_space<semaphore_mem>>) src(%dma_wait3A_512 : memref<32x128xf32, #tpu.memory_space<hbm>>) dst(%dma_wait3A_509 : memref<32x128xf32, #tpu.memory_space<vmem>>)
      %dma_wait3A_513 = arith.constant 9 : i32
      %dma_wait3A_514 = arith.constant 0 : i32
      %dma_wait3A_515 = arith.constant 0 : i32
      %dma_wait3A_516 = tpu.memref_slice %arg8[%dma_wait3A_513, %dma_wait3A_514, %dma_wait3A_515] : memref<16x32x128xf32, #tpu.memory_space<vmem>> -> memref<1x32x128xf32, #tpu.memory_space<vmem>>
      %dma_wait3A_517 = tpu.memref_squeeze %dma_wait3A_516 : memref<1x32x128xf32, #tpu.memory_space<vmem>> -> memref<32x128xf32, #tpu.memory_space<vmem>>
      %dma_wait3A_518 = arith.constant 0 : i32
      %dma_wait3A_519 = arith.constant 0 : i32
      %dma_wait3A_520 = tpu.memref_slice %arg5[%dma_wait3A_518, %dma_wait3A_519] : memref<32x1000000xf32, #tpu.memory_space<hbm>> -> memref<32x128xf32, #tpu.memory_space<hbm>>
      %dma_wait3A_521 = arith.constant 0 : i32
      %dma_wait3A_522 = arith.constant 0 : i32
      %dma_wait3A_523 = tpu.memref_slice %arg8[%dma_wait3A_513, %dma_wait3A_521, %dma_wait3A_522] : memref<16x32x128xf32, #tpu.memory_space<vmem>> -> memref<1x32x128xf32, #tpu.memory_space<vmem>>
      %dma_wait3A_524 = tpu.memref_squeeze %dma_wait3A_523 : memref<1x32x128xf32, #tpu.memory_space<vmem>> -> memref<32x128xf32, #tpu.memory_space<vmem>>
      %dma_wait3A_525 = arith.constant 0 : i32
      %dma_wait3A_526 = arith.constant 0 : i32
      %dma_wait3A_527 = tpu.memref_slice %arg5[%dma_wait3A_525, %dma_wait3A_526] : memref<32x1000000xf32, #tpu.memory_space<hbm>> -> memref<32x128xf32, #tpu.memory_space<hbm>>
      tpu.wait_dma2 semaphore(%arg10 : memref<!tpu.dma_semaphore, #tpu.memory_space<semaphore_mem>>) src(%dma_wait3A_527 : memref<32x128xf32, #tpu.memory_space<hbm>>) dst(%dma_wait3A_524 : memref<32x128xf32, #tpu.memory_space<vmem>>)
      %dma_wait3A_528 = arith.constant 10 : i32
      %dma_wait3A_529 = arith.constant 0 : i32
      %dma_wait3A_530 = arith.constant 0 : i32
      %dma_wait3A_531 = tpu.memref_slice %arg8[%dma_wait3A_528, %dma_wait3A_529, %dma_wait3A_530] : memref<16x32x128xf32, #tpu.memory_space<vmem>> -> memref<1x32x128xf32, #tpu.memory_space<vmem>>
      %dma_wait3A_532 = tpu.memref_squeeze %dma_wait3A_531 : memref<1x32x128xf32, #tpu.memory_space<vmem>> -> memref<32x128xf32, #tpu.memory_space<vmem>>
      %dma_wait3A_533 = arith.constant 0 : i32
      %dma_wait3A_534 = arith.constant 0 : i32
      %dma_wait3A_535 = tpu.memref_slice %arg5[%dma_wait3A_533, %dma_wait3A_534] : memref<32x1000000xf32, #tpu.memory_space<hbm>> -> memref<32x128xf32, #tpu.memory_space<hbm>>
      %dma_wait3A_536 = arith.constant 0 : i32
      %dma_wait3A_537 = arith.constant 0 : i32
      %dma_wait3A_538 = tpu.memref_slice %arg8[%dma_wait3A_528, %dma_wait3A_536, %dma_wait3A_537] : memref<16x32x128xf32, #tpu.memory_space<vmem>> -> memref<1x32x128xf32, #tpu.memory_space<vmem>>
      %dma_wait3A_539 = tpu.memref_squeeze %dma_wait3A_538 : memref<1x32x128xf32, #tpu.memory_space<vmem>> -> memref<32x128xf32, #tpu.memory_space<vmem>>
      %dma_wait3A_540 = arith.constant 0 : i32
      %dma_wait3A_541 = arith.constant 0 : i32
      %dma_wait3A_542 = tpu.memref_slice %arg5[%dma_wait3A_540, %dma_wait3A_541] : memref<32x1000000xf32, #tpu.memory_space<hbm>> -> memref<32x128xf32, #tpu.memory_space<hbm>>
      tpu.wait_dma2 semaphore(%arg10 : memref<!tpu.dma_semaphore, #tpu.memory_space<semaphore_mem>>) src(%dma_wait3A_542 : memref<32x128xf32, #tpu.memory_space<hbm>>) dst(%dma_wait3A_539 : memref<32x128xf32, #tpu.memory_space<vmem>>)
      %dma_wait3A_543 = arith.constant 11 : i32
      %dma_wait3A_544 = arith.constant 0 : i32
      %dma_wait3A_545 = arith.constant 0 : i32
      %dma_wait3A_546 = tpu.memref_slice %arg8[%dma_wait3A_543, %dma_wait3A_544, %dma_wait3A_545] : memref<16x32x128xf32, #tpu.memory_space<vmem>> -> memref<1x32x128xf32, #tpu.memory_space<vmem>>
      %dma_wait3A_547 = tpu.memref_squeeze %dma_wait3A_546 : memref<1x32x128xf32, #tpu.memory_space<vmem>> -> memref<32x128xf32, #tpu.memory_space<vmem>>
      %dma_wait3A_548 = arith.constant 0 : i32
      %dma_wait3A_549 = arith.constant 0 : i32
      %dma_wait3A_550 = tpu.memref_slice %arg5[%dma_wait3A_548, %dma_wait3A_549] : memref<32x1000000xf32, #tpu.memory_space<hbm>> -> memref<32x128xf32, #tpu.memory_space<hbm>>
      %dma_wait3A_551 = arith.constant 0 : i32
      %dma_wait3A_552 = arith.constant 0 : i32
      %dma_wait3A_553 = tpu.memref_slice %arg8[%dma_wait3A_543, %dma_wait3A_551, %dma_wait3A_552] : memref<16x32x128xf32, #tpu.memory_space<vmem>> -> memref<1x32x128xf32, #tpu.memory_space<vmem>>
      %dma_wait3A_554 = tpu.memref_squeeze %dma_wait3A_553 : memref<1x32x128xf32, #tpu.memory_space<vmem>> -> memref<32x128xf32, #tpu.memory_space<vmem>>
      %dma_wait3A_555 = arith.constant 0 : i32
      %dma_wait3A_556 = arith.constant 0 : i32
      %dma_wait3A_557 = tpu.memref_slice %arg5[%dma_wait3A_555, %dma_wait3A_556] : memref<32x1000000xf32, #tpu.memory_space<hbm>> -> memref<32x128xf32, #tpu.memory_space<hbm>>
      tpu.wait_dma2 semaphore(%arg10 : memref<!tpu.dma_semaphore, #tpu.memory_space<semaphore_mem>>) src(%dma_wait3A_557 : memref<32x128xf32, #tpu.memory_space<hbm>>) dst(%dma_wait3A_554 : memref<32x128xf32, #tpu.memory_space<vmem>>)
      %dma_wait3A_558 = arith.constant 12 : i32
      %dma_wait3A_559 = arith.constant 0 : i32
      %dma_wait3A_560 = arith.constant 0 : i32
      %dma_wait3A_561 = tpu.memref_slice %arg8[%dma_wait3A_558, %dma_wait3A_559, %dma_wait3A_560] : memref<16x32x128xf32, #tpu.memory_space<vmem>> -> memref<1x32x128xf32, #tpu.memory_space<vmem>>
      %dma_wait3A_562 = tpu.memref_squeeze %dma_wait3A_561 : memref<1x32x128xf32, #tpu.memory_space<vmem>> -> memref<32x128xf32, #tpu.memory_space<vmem>>
      %dma_wait3A_563 = arith.constant 0 : i32
      %dma_wait3A_564 = arith.constant 0 : i32
      %dma_wait3A_565 = tpu.memref_slice %arg5[%dma_wait3A_563, %dma_wait3A_564] : memref<32x1000000xf32, #tpu.memory_space<hbm>> -> memref<32x128xf32, #tpu.memory_space<hbm>>
      %dma_wait3A_566 = arith.constant 0 : i32
      %dma_wait3A_567 = arith.constant 0 : i32
      %dma_wait3A_568 = tpu.memref_slice %arg8[%dma_wait3A_558, %dma_wait3A_566, %dma_wait3A_567] : memref<16x32x128xf32, #tpu.memory_space<vmem>> -> memref<1x32x128xf32, #tpu.memory_space<vmem>>
      %dma_wait3A_569 = tpu.memref_squeeze %dma_wait3A_568 : memref<1x32x128xf32, #tpu.memory_space<vmem>> -> memref<32x128xf32, #tpu.memory_space<vmem>>
      %dma_wait3A_570 = arith.constant 0 : i32
      %dma_wait3A_571 = arith.constant 0 : i32
      %dma_wait3A_572 = tpu.memref_slice %arg5[%dma_wait3A_570, %dma_wait3A_571] : memref<32x1000000xf32, #tpu.memory_space<hbm>> -> memref<32x128xf32, #tpu.memory_space<hbm>>
      tpu.wait_dma2 semaphore(%arg10 : memref<!tpu.dma_semaphore, #tpu.memory_space<semaphore_mem>>) src(%dma_wait3A_572 : memref<32x128xf32, #tpu.memory_space<hbm>>) dst(%dma_wait3A_569 : memref<32x128xf32, #tpu.memory_space<vmem>>)
      %dma_wait3A_573 = arith.constant 13 : i32
      %dma_wait3A_574 = arith.constant 0 : i32
      %dma_wait3A_575 = arith.constant 0 : i32
      %dma_wait3A_576 = tpu.memref_slice %arg8[%dma_wait3A_573, %dma_wait3A_574, %dma_wait3A_575] : memref<16x32x128xf32, #tpu.memory_space<vmem>> -> memref<1x32x128xf32, #tpu.memory_space<vmem>>
      %dma_wait3A_577 = tpu.memref_squeeze %dma_wait3A_576 : memref<1x32x128xf32, #tpu.memory_space<vmem>> -> memref<32x128xf32, #tpu.memory_space<vmem>>
      %dma_wait3A_578 = arith.constant 0 : i32
      %dma_wait3A_579 = arith.constant 0 : i32
      %dma_wait3A_580 = tpu.memref_slice %arg5[%dma_wait3A_578, %dma_wait3A_579] : memref<32x1000000xf32, #tpu.memory_space<hbm>> -> memref<32x128xf32, #tpu.memory_space<hbm>>
      %dma_wait3A_581 = arith.constant 0 : i32
      %dma_wait3A_582 = arith.constant 0 : i32
      %dma_wait3A_583 = tpu.memref_slice %arg8[%dma_wait3A_573, %dma_wait3A_581, %dma_wait3A_582] : memref<16x32x128xf32, #tpu.memory_space<vmem>> -> memref<1x32x128xf32, #tpu.memory_space<vmem>>
      %dma_wait3A_584 = tpu.memref_squeeze %dma_wait3A_583 : memref<1x32x128xf32, #tpu.memory_space<vmem>> -> memref<32x128xf32, #tpu.memory_space<vmem>>
      %dma_wait3A_585 = arith.constant 0 : i32
      %dma_wait3A_586 = arith.constant 0 : i32
      %dma_wait3A_587 = tpu.memref_slice %arg5[%dma_wait3A_585, %dma_wait3A_586] : memref<32x1000000xf32, #tpu.memory_space<hbm>> -> memref<32x128xf32, #tpu.memory_space<hbm>>
      tpu.wait_dma2 semaphore(%arg10 : memref<!tpu.dma_semaphore, #tpu.memory_space<semaphore_mem>>) src(%dma_wait3A_587 : memref<32x128xf32, #tpu.memory_space<hbm>>) dst(%dma_wait3A_584 : memref<32x128xf32, #tpu.memory_space<vmem>>)
      %dma_wait3A_588 = arith.constant 14 : i32
      %dma_wait3A_589 = arith.constant 0 : i32
      %dma_wait3A_590 = arith.constant 0 : i32
      %dma_wait3A_591 = tpu.memref_slice %arg8[%dma_wait3A_588, %dma_wait3A_589, %dma_wait3A_590] : memref<16x32x128xf32, #tpu.memory_space<vmem>> -> memref<1x32x128xf32, #tpu.memory_space<vmem>>
      %dma_wait3A_592 = tpu.memref_squeeze %dma_wait3A_591 : memref<1x32x128xf32, #tpu.memory_space<vmem>> -> memref<32x128xf32, #tpu.memory_space<vmem>>
      %dma_wait3A_593 = arith.constant 0 : i32
      %dma_wait3A_594 = arith.constant 0 : i32
      %dma_wait3A_595 = tpu.memref_slice %arg5[%dma_wait3A_593, %dma_wait3A_594] : memref<32x1000000xf32, #tpu.memory_space<hbm>> -> memref<32x128xf32, #tpu.memory_space<hbm>>
      %dma_wait3A_596 = arith.constant 0 : i32
      %dma_wait3A_597 = arith.constant 0 : i32
      %dma_wait3A_598 = tpu.memref_slice %arg8[%dma_wait3A_588, %dma_wait3A_596, %dma_wait3A_597] : memref<16x32x128xf32, #tpu.memory_space<vmem>> -> memref<1x32x128xf32, #tpu.memory_space<vmem>>
      %dma_wait3A_599 = tpu.memref_squeeze %dma_wait3A_598 : memref<1x32x128xf32, #tpu.memory_space<vmem>> -> memref<32x128xf32, #tpu.memory_space<vmem>>
      %dma_wait3A_600 = arith.constant 0 : i32
      %dma_wait3A_601 = arith.constant 0 : i32
      %dma_wait3A_602 = tpu.memref_slice %arg5[%dma_wait3A_600, %dma_wait3A_601] : memref<32x1000000xf32, #tpu.memory_space<hbm>> -> memref<32x128xf32, #tpu.memory_space<hbm>>
      tpu.wait_dma2 semaphore(%arg10 : memref<!tpu.dma_semaphore, #tpu.memory_space<semaphore_mem>>) src(%dma_wait3A_602 : memref<32x128xf32, #tpu.memory_space<hbm>>) dst(%dma_wait3A_599 : memref<32x128xf32, #tpu.memory_space<vmem>>)
      %dma_wait3A_603 = arith.constant 15 : i32
      %dma_wait3A_604 = arith.constant 0 : i32
      %dma_wait3A_605 = arith.constant 0 : i32
      %dma_wait3A_606 = tpu.memref_slice %arg8[%dma_wait3A_603, %dma_wait3A_604, %dma_wait3A_605] : memref<16x32x128xf32, #tpu.memory_space<vmem>> -> memref<1x32x128xf32, #tpu.memory_space<vmem>>
      %dma_wait3A_607 = tpu.memref_squeeze %dma_wait3A_606 : memref<1x32x128xf32, #tpu.memory_space<vmem>> -> memref<32x128xf32, #tpu.memory_space<vmem>>
      %dma_wait3A_608 = arith.constant 0 : i32
      %dma_wait3A_609 = arith.constant 0 : i32
      %dma_wait3A_610 = tpu.memref_slice %arg5[%dma_wait3A_608, %dma_wait3A_609] : memref<32x1000000xf32, #tpu.memory_space<hbm>> -> memref<32x128xf32, #tpu.memory_space<hbm>>
      %dma_wait3A_611 = arith.constant 0 : i32
      %dma_wait3A_612 = arith.constant 0 : i32
      %dma_wait3A_613 = tpu.memref_slice %arg8[%dma_wait3A_603, %dma_wait3A_611, %dma_wait3A_612] : memref<16x32x128xf32, #tpu.memory_space<vmem>> -> memref<1x32x128xf32, #tpu.memory_space<vmem>>
      %dma_wait3A_614 = tpu.memref_squeeze %dma_wait3A_613 : memref<1x32x128xf32, #tpu.memory_space<vmem>> -> memref<32x128xf32, #tpu.memory_space<vmem>>
      %dma_wait3A_615 = arith.constant 0 : i32
      %dma_wait3A_616 = arith.constant 0 : i32
      %dma_wait3A_617 = tpu.memref_slice %arg5[%dma_wait3A_615, %dma_wait3A_616] : memref<32x1000000xf32, #tpu.memory_space<hbm>> -> memref<32x128xf32, #tpu.memory_space<hbm>>
      tpu.wait_dma2 semaphore(%arg10 : memref<!tpu.dma_semaphore, #tpu.memory_space<semaphore_mem>>) src(%dma_wait3A_617 : memref<32x128xf32, #tpu.memory_space<hbm>>) dst(%dma_wait3A_614 : memref<32x128xf32, #tpu.memory_space<vmem>>)
      %add3A_618 = arith.constant 0 : i32
      %add3A_619 = arith.addi %mul3A_58, %add3A_618 : i32
      %slice3A_620 = vector.extract_strided_slice %and3A_63 {offsets = [0], sizes = [1], strides = [1]} : vector<16xi32> to vector<1xi32>
      %squeeze3A_621 = vector.extract %slice3A_620[0] : i32 from vector<1xi32>
      %broadcast_in_dim3A = vector.broadcast %squeeze3A_621 : i32 to vector<16xi32>
      %broadcast_in_dim3A_622 = arith.constant 0 : i32
      %broadcast_in_dim3A_623 = vector.broadcast %broadcast_in_dim3A_622 : i32 to vector<16xi32>
      %broadcast_in_dim3A_624 = vector.broadcast %add3A_619 : i32 to vector<16xi32>
      %add3A_625 = arith.constant 0 : i32
      %add3A_626 = vector.broadcast %add3A_625 : i32 to vector<16xi32>
      %add3A_627 = arith.addi %iota3A, %add3A_626 : vector<16xi32>
      %gather3A = tpu.vector_load_idx %arg8[%broadcast_in_dim3A_623, %add3A_627, %broadcast_in_dim3A] : memref<16x32x128xf32, #tpu.memory_space<vmem>>[vector<16xi32>, vector<16xi32>, vector<16xi32>], vector<16xf32>,
      %gather3A_628 = tpu.vector_load_idx %arg9[%add3A_627, %broadcast_in_dim3A_624] : memref<32x512xf32, #tpu.memory_space<vmem>>[vector<16xi32>, vector<16xi32>], vector<16xf32>,
      %mul3A_629 = arith.mulf %gather3A, %gather3A_628 : vector<16xf32>
      tpu.vector_store_idx %arg9[%add3A_627, %broadcast_in_dim3A_624], %mul3A_629 : memref<32x512xf32, #tpu.memory_space<vmem>>[vector<16xi32>, vector<16xi32>], vector<16xf32>,
      %add3A_630 = arith.constant 16 : i32
      %add3A_631 = vector.broadcast %add3A_630 : i32 to vector<16xi32>
      %add3A_632 = arith.addi %iota3A, %add3A_631 : vector<16xi32>
      %gather3A_633 = tpu.vector_load_idx %arg8[%broadcast_in_dim3A_623, %add3A_632, %broadcast_in_dim3A] : memref<16x32x128xf32, #tpu.memory_space<vmem>>[vector<16xi32>, vector<16xi32>, vector<16xi32>], vector<16xf32>,
      %gather3A_634 = tpu.vector_load_idx %arg9[%add3A_632, %broadcast_in_dim3A_624] : memref<32x512xf32, #tpu.memory_space<vmem>>[vector<16xi32>, vector<16xi32>], vector<16xf32>,
      %mul3A_635 = arith.mulf %gather3A_633, %gather3A_634 : vector<16xf32>
      tpu.vector_store_idx %arg9[%add3A_632, %broadcast_in_dim3A_624], %mul3A_635 : memref<32x512xf32, #tpu.memory_space<vmem>>[vector<16xi32>, vector<16xi32>], vector<16xf32>,
      %add3A_636 = arith.constant 1 : i32
      %add3A_637 = arith.addi %mul3A_58, %add3A_636 : i32
      %slice3A_638 = vector.extract_strided_slice %and3A_63 {offsets = [1], sizes = [1], strides = [1]} : vector<16xi32> to vector<1xi32>
      %squeeze3A_639 = vector.extract %slice3A_638[0] : i32 from vector<1xi32>
      %broadcast_in_dim3A_640 = vector.broadcast %squeeze3A_639 : i32 to vector<16xi32>
      %broadcast_in_dim3A_641 = arith.constant 1 : i32
      %broadcast_in_dim3A_642 = vector.broadcast %broadcast_in_dim3A_641 : i32 to vector<16xi32>
      %broadcast_in_dim3A_643 = vector.broadcast %add3A_637 : i32 to vector<16xi32>
      %add3A_644 = arith.constant 0 : i32
      %add3A_645 = vector.broadcast %add3A_644 : i32 to vector<16xi32>
      %add3A_646 = arith.addi %iota3A, %add3A_645 : vector<16xi32>
      %gather3A_647 = tpu.vector_load_idx %arg8[%broadcast_in_dim3A_642, %add3A_646, %broadcast_in_dim3A_640] : memref<16x32x128xf32, #tpu.memory_space<vmem>>[vector<16xi32>, vector<16xi32>, vector<16xi32>], vector<16xf32>,
      %gather3A_648 = tpu.vector_load_idx %arg9[%add3A_646, %broadcast_in_dim3A_643] : memref<32x512xf32, #tpu.memory_space<vmem>>[vector<16xi32>, vector<16xi32>], vector<16xf32>,
      %mul3A_649 = arith.mulf %gather3A_647, %gather3A_648 : vector<16xf32>
      tpu.vector_store_idx %arg9[%add3A_646, %broadcast_in_dim3A_643], %mul3A_649 : memref<32x512xf32, #tpu.memory_space<vmem>>[vector<16xi32>, vector<16xi32>], vector<16xf32>,
      %add3A_650 = arith.constant 16 : i32
      %add3A_651 = vector.broadcast %add3A_650 : i32 to vector<16xi32>
      %add3A_652 = arith.addi %iota3A, %add3A_651 : vector<16xi32>
      %gather3A_653 = tpu.vector_load_idx %arg8[%broadcast_in_dim3A_642, %add3A_652, %broadcast_in_dim3A_640] : memref<16x32x128xf32, #tpu.memory_space<vmem>>[vector<16xi32>, vector<16xi32>, vector<16xi32>], vector<16xf32>,
      %gather3A_654 = tpu.vector_load_idx %arg9[%add3A_652, %broadcast_in_dim3A_643] : memref<32x512xf32, #tpu.memory_space<vmem>>[vector<16xi32>, vector<16xi32>], vector<16xf32>,
      %mul3A_655 = arith.mulf %gather3A_653, %gather3A_654 : vector<16xf32>
      tpu.vector_store_idx %arg9[%add3A_652, %broadcast_in_dim3A_643], %mul3A_655 : memref<32x512xf32, #tpu.memory_space<vmem>>[vector<16xi32>, vector<16xi32>], vector<16xf32>,
      %add3A_656 = arith.constant 2 : i32
      %add3A_657 = arith.addi %mul3A_58, %add3A_656 : i32
      %slice3A_658 = vector.extract_strided_slice %and3A_63 {offsets = [2], sizes = [1], strides = [1]} : vector<16xi32> to vector<1xi32>
      %squeeze3A_659 = vector.extract %slice3A_658[0] : i32 from vector<1xi32>
      %broadcast_in_dim3A_660 = vector.broadcast %squeeze3A_659 : i32 to vector<16xi32>
      %broadcast_in_dim3A_661 = arith.constant 2 : i32
      %broadcast_in_dim3A_662 = vector.broadcast %broadcast_in_dim3A_661 : i32 to vector<16xi32>
      %broadcast_in_dim3A_663 = vector.broadcast %add3A_657 : i32 to vector<16xi32>
      %add3A_664 = arith.constant 0 : i32
      %add3A_665 = vector.broadcast %add3A_664 : i32 to vector<16xi32>
      %add3A_666 = arith.addi %iota3A, %add3A_665 : vector<16xi32>
      %gather3A_667 = tpu.vector_load_idx %arg8[%broadcast_in_dim3A_662, %add3A_666, %broadcast_in_dim3A_660] : memref<16x32x128xf32, #tpu.memory_space<vmem>>[vector<16xi32>, vector<16xi32>, vector<16xi32>], vector<16xf32>,
      %gather3A_668 = tpu.vector_load_idx %arg9[%add3A_666, %broadcast_in_dim3A_663] : memref<32x512xf32, #tpu.memory_space<vmem>>[vector<16xi32>, vector<16xi32>], vector<16xf32>,
      %mul3A_669 = arith.mulf %gather3A_667, %gather3A_668 : vector<16xf32>
      tpu.vector_store_idx %arg9[%add3A_666, %broadcast_in_dim3A_663], %mul3A_669 : memref<32x512xf32, #tpu.memory_space<vmem>>[vector<16xi32>, vector<16xi32>], vector<16xf32>,
      %add3A_670 = arith.constant 16 : i32
      %add3A_671 = vector.broadcast %add3A_670 : i32 to vector<16xi32>
      %add3A_672 = arith.addi %iota3A, %add3A_671 : vector<16xi32>
      %gather3A_673 = tpu.vector_load_idx %arg8[%broadcast_in_dim3A_662, %add3A_672, %broadcast_in_dim3A_660] : memref<16x32x128xf32, #tpu.memory_space<vmem>>[vector<16xi32>, vector<16xi32>, vector<16xi32>], vector<16xf32>,
      %gather3A_674 = tpu.vector_load_idx %arg9[%add3A_672, %broadcast_in_dim3A_663] : memref<32x512xf32, #tpu.memory_space<vmem>>[vector<16xi32>, vector<16xi32>], vector<16xf32>,
      %mul3A_675 = arith.mulf %gather3A_673, %gather3A_674 : vector<16xf32>
      tpu.vector_store_idx %arg9[%add3A_672, %broadcast_in_dim3A_663], %mul3A_675 : memref<32x512xf32, #tpu.memory_space<vmem>>[vector<16xi32>, vector<16xi32>], vector<16xf32>,
      %add3A_676 = arith.constant 3 : i32
      %add3A_677 = arith.addi %mul3A_58, %add3A_676 : i32
      %slice3A_678 = vector.extract_strided_slice %and3A_63 {offsets = [3], sizes = [1], strides = [1]} : vector<16xi32> to vector<1xi32>
      %squeeze3A_679 = vector.extract %slice3A_678[0] : i32 from vector<1xi32>
      %broadcast_in_dim3A_680 = vector.broadcast %squeeze3A_679 : i32 to vector<16xi32>
      %broadcast_in_dim3A_681 = arith.constant 3 : i32
      %broadcast_in_dim3A_682 = vector.broadcast %broadcast_in_dim3A_681 : i32 to vector<16xi32>
      %broadcast_in_dim3A_683 = vector.broadcast %add3A_677 : i32 to vector<16xi32>
      %add3A_684 = arith.constant 0 : i32
      %add3A_685 = vector.broadcast %add3A_684 : i32 to vector<16xi32>
      %add3A_686 = arith.addi %iota3A, %add3A_685 : vector<16xi32>
      %gather3A_687 = tpu.vector_load_idx %arg8[%broadcast_in_dim3A_682, %add3A_686, %broadcast_in_dim3A_680] : memref<16x32x128xf32, #tpu.memory_space<vmem>>[vector<16xi32>, vector<16xi32>, vector<16xi32>], vector<16xf32>,
      %gather3A_688 = tpu.vector_load_idx %arg9[%add3A_686, %broadcast_in_dim3A_683] : memref<32x512xf32, #tpu.memory_space<vmem>>[vector<16xi32>, vector<16xi32>], vector<16xf32>,
      %mul3A_689 = arith.mulf %gather3A_687, %gather3A_688 : vector<16xf32>
      tpu.vector_store_idx %arg9[%add3A_686, %broadcast_in_dim3A_683], %mul3A_689 : memref<32x512xf32, #tpu.memory_space<vmem>>[vector<16xi32>, vector<16xi32>], vector<16xf32>,
      %add3A_690 = arith.constant 16 : i32
      %add3A_691 = vector.broadcast %add3A_690 : i32 to vector<16xi32>
      %add3A_692 = arith.addi %iota3A, %add3A_691 : vector<16xi32>
      %gather3A_693 = tpu.vector_load_idx %arg8[%broadcast_in_dim3A_682, %add3A_692, %broadcast_in_dim3A_680] : memref<16x32x128xf32, #tpu.memory_space<vmem>>[vector<16xi32>, vector<16xi32>, vector<16xi32>], vector<16xf32>,
      %gather3A_694 = tpu.vector_load_idx %arg9[%add3A_692, %broadcast_in_dim3A_683] : memref<32x512xf32, #tpu.memory_space<vmem>>[vector<16xi32>, vector<16xi32>], vector<16xf32>,
      %mul3A_695 = arith.mulf %gather3A_693, %gather3A_694 : vector<16xf32>
      tpu.vector_store_idx %arg9[%add3A_692, %broadcast_in_dim3A_683], %mul3A_695 : memref<32x512xf32, #tpu.memory_space<vmem>>[vector<16xi32>, vector<16xi32>], vector<16xf32>,
      %add3A_696 = arith.constant 4 : i32
      %add3A_697 = arith.addi %mul3A_58, %add3A_696 : i32
      %slice3A_698 = vector.extract_strided_slice %and3A_63 {offsets = [4], sizes = [1], strides = [1]} : vector<16xi32> to vector<1xi32>
      %squeeze3A_699 = vector.extract %slice3A_698[0] : i32 from vector<1xi32>
      %broadcast_in_dim3A_700 = vector.broadcast %squeeze3A_699 : i32 to vector<16xi32>
      %broadcast_in_dim3A_701 = arith.constant 4 : i32
      %broadcast_in_dim3A_702 = vector.broadcast %broadcast_in_dim3A_701 : i32 to vector<16xi32>
      %broadcast_in_dim3A_703 = vector.broadcast %add3A_697 : i32 to vector<16xi32>
      %add3A_704 = arith.constant 0 : i32
      %add3A_705 = vector.broadcast %add3A_704 : i32 to vector<16xi32>
      %add3A_706 = arith.addi %iota3A, %add3A_705 : vector<16xi32>
      %gather3A_707 = tpu.vector_load_idx %arg8[%broadcast_in_dim3A_702, %add3A_706, %broadcast_in_dim3A_700] : memref<16x32x128xf32, #tpu.memory_space<vmem>>[vector<16xi32>, vector<16xi32>, vector<16xi32>], vector<16xf32>,
      %gather3A_708 = tpu.vector_load_idx %arg9[%add3A_706, %broadcast_in_dim3A_703] : memref<32x512xf32, #tpu.memory_space<vmem>>[vector<16xi32>, vector<16xi32>], vector<16xf32>,
      %mul3A_709 = arith.mulf %gather3A_707, %gather3A_708 : vector<16xf32>
      tpu.vector_store_idx %arg9[%add3A_706, %broadcast_in_dim3A_703], %mul3A_709 : memref<32x512xf32, #tpu.memory_space<vmem>>[vector<16xi32>, vector<16xi32>], vector<16xf32>,
      %add3A_710 = arith.constant 16 : i32
      %add3A_711 = vector.broadcast %add3A_710 : i32 to vector<16xi32>
      %add3A_712 = arith.addi %iota3A, %add3A_711 : vector<16xi32>
      %gather3A_713 = tpu.vector_load_idx %arg8[%broadcast_in_dim3A_702, %add3A_712, %broadcast_in_dim3A_700] : memref<16x32x128xf32, #tpu.memory_space<vmem>>[vector<16xi32>, vector<16xi32>, vector<16xi32>], vector<16xf32>,
      %gather3A_714 = tpu.vector_load_idx %arg9[%add3A_712, %broadcast_in_dim3A_703] : memref<32x512xf32, #tpu.memory_space<vmem>>[vector<16xi32>, vector<16xi32>], vector<16xf32>,
      %mul3A_715 = arith.mulf %gather3A_713, %gather3A_714 : vector<16xf32>
      tpu.vector_store_idx %arg9[%add3A_712, %broadcast_in_dim3A_703], %mul3A_715 : memref<32x512xf32, #tpu.memory_space<vmem>>[vector<16xi32>, vector<16xi32>], vector<16xf32>,
      %add3A_716 = arith.constant 5 : i32
      %add3A_717 = arith.addi %mul3A_58, %add3A_716 : i32
      %slice3A_718 = vector.extract_strided_slice %and3A_63 {offsets = [5], sizes = [1], strides = [1]} : vector<16xi32> to vector<1xi32>
      %squeeze3A_719 = vector.extract %slice3A_718[0] : i32 from vector<1xi32>
      %broadcast_in_dim3A_720 = vector.broadcast %squeeze3A_719 : i32 to vector<16xi32>
      %broadcast_in_dim3A_721 = arith.constant 5 : i32
      %broadcast_in_dim3A_722 = vector.broadcast %broadcast_in_dim3A_721 : i32 to vector<16xi32>
      %broadcast_in_dim3A_723 = vector.broadcast %add3A_717 : i32 to vector<16xi32>
      %add3A_724 = arith.constant 0 : i32
      %add3A_725 = vector.broadcast %add3A_724 : i32 to vector<16xi32>
      %add3A_726 = arith.addi %iota3A, %add3A_725 : vector<16xi32>
      %gather3A_727 = tpu.vector_load_idx %arg8[%broadcast_in_dim3A_722, %add3A_726, %broadcast_in_dim3A_720] : memref<16x32x128xf32, #tpu.memory_space<vmem>>[vector<16xi32>, vector<16xi32>, vector<16xi32>], vector<16xf32>,
      %gather3A_728 = tpu.vector_load_idx %arg9[%add3A_726, %broadcast_in_dim3A_723] : memref<32x512xf32, #tpu.memory_space<vmem>>[vector<16xi32>, vector<16xi32>], vector<16xf32>,
      %mul3A_729 = arith.mulf %gather3A_727, %gather3A_728 : vector<16xf32>
      tpu.vector_store_idx %arg9[%add3A_726, %broadcast_in_dim3A_723], %mul3A_729 : memref<32x512xf32, #tpu.memory_space<vmem>>[vector<16xi32>, vector<16xi32>], vector<16xf32>,
      %add3A_730 = arith.constant 16 : i32
      %add3A_731 = vector.broadcast %add3A_730 : i32 to vector<16xi32>
      %add3A_732 = arith.addi %iota3A, %add3A_731 : vector<16xi32>
      %gather3A_733 = tpu.vector_load_idx %arg8[%broadcast_in_dim3A_722, %add3A_732, %broadcast_in_dim3A_720] : memref<16x32x128xf32, #tpu.memory_space<vmem>>[vector<16xi32>, vector<16xi32>, vector<16xi32>], vector<16xf32>,
      %gather3A_734 = tpu.vector_load_idx %arg9[%add3A_732, %broadcast_in_dim3A_723] : memref<32x512xf32, #tpu.memory_space<vmem>>[vector<16xi32>, vector<16xi32>], vector<16xf32>,
      %mul3A_735 = arith.mulf %gather3A_733, %gather3A_734 : vector<16xf32>
      tpu.vector_store_idx %arg9[%add3A_732, %broadcast_in_dim3A_723], %mul3A_735 : memref<32x512xf32, #tpu.memory_space<vmem>>[vector<16xi32>, vector<16xi32>], vector<16xf32>,
      %add3A_736 = arith.constant 6 : i32
      %add3A_737 = arith.addi %mul3A_58, %add3A_736 : i32
      %slice3A_738 = vector.extract_strided_slice %and3A_63 {offsets = [6], sizes = [1], strides = [1]} : vector<16xi32> to vector<1xi32>
      %squeeze3A_739 = vector.extract %slice3A_738[0] : i32 from vector<1xi32>
      %broadcast_in_dim3A_740 = vector.broadcast %squeeze3A_739 : i32 to vector<16xi32>
      %broadcast_in_dim3A_741 = arith.constant 6 : i32
      %broadcast_in_dim3A_742 = vector.broadcast %broadcast_in_dim3A_741 : i32 to vector<16xi32>
      %broadcast_in_dim3A_743 = vector.broadcast %add3A_737 : i32 to vector<16xi32>
      %add3A_744 = arith.constant 0 : i32
      %add3A_745 = vector.broadcast %add3A_744 : i32 to vector<16xi32>
      %add3A_746 = arith.addi %iota3A, %add3A_745 : vector<16xi32>
      %gather3A_747 = tpu.vector_load_idx %arg8[%broadcast_in_dim3A_742, %add3A_746, %broadcast_in_dim3A_740] : memref<16x32x128xf32, #tpu.memory_space<vmem>>[vector<16xi32>, vector<16xi32>, vector<16xi32>], vector<16xf32>,
      %gather3A_748 = tpu.vector_load_idx %arg9[%add3A_746, %broadcast_in_dim3A_743] : memref<32x512xf32, #tpu.memory_space<vmem>>[vector<16xi32>, vector<16xi32>], vector<16xf32>,
      %mul3A_749 = arith.mulf %gather3A_747, %gather3A_748 : vector<16xf32>
      tpu.vector_store_idx %arg9[%add3A_746, %broadcast_in_dim3A_743], %mul3A_749 : memref<32x512xf32, #tpu.memory_space<vmem>>[vector<16xi32>, vector<16xi32>], vector<16xf32>,
      %add3A_750 = arith.constant 16 : i32
      %add3A_751 = vector.broadcast %add3A_750 : i32 to vector<16xi32>
      %add3A_752 = arith.addi %iota3A, %add3A_751 : vector<16xi32>
      %gather3A_753 = tpu.vector_load_idx %arg8[%broadcast_in_dim3A_742, %add3A_752, %broadcast_in_dim3A_740] : memref<16x32x128xf32, #tpu.memory_space<vmem>>[vector<16xi32>, vector<16xi32>, vector<16xi32>], vector<16xf32>,
      %gather3A_754 = tpu.vector_load_idx %arg9[%add3A_752, %broadcast_in_dim3A_743] : memref<32x512xf32, #tpu.memory_space<vmem>>[vector<16xi32>, vector<16xi32>], vector<16xf32>,
      %mul3A_755 = arith.mulf %gather3A_753, %gather3A_754 : vector<16xf32>
      tpu.vector_store_idx %arg9[%add3A_752, %broadcast_in_dim3A_743], %mul3A_755 : memref<32x512xf32, #tpu.memory_space<vmem>>[vector<16xi32>, vector<16xi32>], vector<16xf32>,
      %add3A_756 = arith.constant 7 : i32
      %add3A_757 = arith.addi %mul3A_58, %add3A_756 : i32
      %slice3A_758 = vector.extract_strided_slice %and3A_63 {offsets = [7], sizes = [1], strides = [1]} : vector<16xi32> to vector<1xi32>
      %squeeze3A_759 = vector.extract %slice3A_758[0] : i32 from vector<1xi32>
      %broadcast_in_dim3A_760 = vector.broadcast %squeeze3A_759 : i32 to vector<16xi32>
      %broadcast_in_dim3A_761 = arith.constant 7 : i32
      %broadcast_in_dim3A_762 = vector.broadcast %broadcast_in_dim3A_761 : i32 to vector<16xi32>
      %broadcast_in_dim3A_763 = vector.broadcast %add3A_757 : i32 to vector<16xi32>
      %add3A_764 = arith.constant 0 : i32
      %add3A_765 = vector.broadcast %add3A_764 : i32 to vector<16xi32>
      %add3A_766 = arith.addi %iota3A, %add3A_765 : vector<16xi32>
      %gather3A_767 = tpu.vector_load_idx %arg8[%broadcast_in_dim3A_762, %add3A_766, %broadcast_in_dim3A_760] : memref<16x32x128xf32, #tpu.memory_space<vmem>>[vector<16xi32>, vector<16xi32>, vector<16xi32>], vector<16xf32>,
      %gather3A_768 = tpu.vector_load_idx %arg9[%add3A_766, %broadcast_in_dim3A_763] : memref<32x512xf32, #tpu.memory_space<vmem>>[vector<16xi32>, vector<16xi32>], vector<16xf32>,
      %mul3A_769 = arith.mulf %gather3A_767, %gather3A_768 : vector<16xf32>
      tpu.vector_store_idx %arg9[%add3A_766, %broadcast_in_dim3A_763], %mul3A_769 : memref<32x512xf32, #tpu.memory_space<vmem>>[vector<16xi32>, vector<16xi32>], vector<16xf32>,
      %add3A_770 = arith.constant 16 : i32
      %add3A_771 = vector.broadcast %add3A_770 : i32 to vector<16xi32>
      %add3A_772 = arith.addi %iota3A, %add3A_771 : vector<16xi32>
      %gather3A_773 = tpu.vector_load_idx %arg8[%broadcast_in_dim3A_762, %add3A_772, %broadcast_in_dim3A_760] : memref<16x32x128xf32, #tpu.memory_space<vmem>>[vector<16xi32>, vector<16xi32>, vector<16xi32>], vector<16xf32>,
      %gather3A_774 = tpu.vector_load_idx %arg9[%add3A_772, %broadcast_in_dim3A_763] : memref<32x512xf32, #tpu.memory_space<vmem>>[vector<16xi32>, vector<16xi32>], vector<16xf32>,
      %mul3A_775 = arith.mulf %gather3A_773, %gather3A_774 : vector<16xf32>
      tpu.vector_store_idx %arg9[%add3A_772, %broadcast_in_dim3A_763], %mul3A_775 : memref<32x512xf32, #tpu.memory_space<vmem>>[vector<16xi32>, vector<16xi32>], vector<16xf32>,
      %add3A_776 = arith.constant 8 : i32
      %add3A_777 = arith.addi %mul3A_58, %add3A_776 : i32
      %slice3A_778 = vector.extract_strided_slice %and3A_63 {offsets = [8], sizes = [1], strides = [1]} : vector<16xi32> to vector<1xi32>
      %squeeze3A_779 = vector.extract %slice3A_778[0] : i32 from vector<1xi32>
      %broadcast_in_dim3A_780 = vector.broadcast %squeeze3A_779 : i32 to vector<16xi32>
      %broadcast_in_dim3A_781 = arith.constant 8 : i32
      %broadcast_in_dim3A_782 = vector.broadcast %broadcast_in_dim3A_781 : i32 to vector<16xi32>
      %broadcast_in_dim3A_783 = vector.broadcast %add3A_777 : i32 to vector<16xi32>
      %add3A_784 = arith.constant 0 : i32
      %add3A_785 = vector.broadcast %add3A_784 : i32 to vector<16xi32>
      %add3A_786 = arith.addi %iota3A, %add3A_785 : vector<16xi32>
      %gather3A_787 = tpu.vector_load_idx %arg8[%broadcast_in_dim3A_782, %add3A_786, %broadcast_in_dim3A_780] : memref<16x32x128xf32, #tpu.memory_space<vmem>>[vector<16xi32>, vector<16xi32>, vector<16xi32>], vector<16xf32>,
      %gather3A_788 = tpu.vector_load_idx %arg9[%add3A_786, %broadcast_in_dim3A_783] : memref<32x512xf32, #tpu.memory_space<vmem>>[vector<16xi32>, vector<16xi32>], vector<16xf32>,
      %mul3A_789 = arith.mulf %gather3A_787, %gather3A_788 : vector<16xf32>
      tpu.vector_store_idx %arg9[%add3A_786, %broadcast_in_dim3A_783], %mul3A_789 : memref<32x512xf32, #tpu.memory_space<vmem>>[vector<16xi32>, vector<16xi32>], vector<16xf32>,
      %add3A_790 = arith.constant 16 : i32
      %add3A_791 = vector.broadcast %add3A_790 : i32 to vector<16xi32>
      %add3A_792 = arith.addi %iota3A, %add3A_791 : vector<16xi32>
      %gather3A_793 = tpu.vector_load_idx %arg8[%broadcast_in_dim3A_782, %add3A_792, %broadcast_in_dim3A_780] : memref<16x32x128xf32, #tpu.memory_space<vmem>>[vector<16xi32>, vector<16xi32>, vector<16xi32>], vector<16xf32>,
      %gather3A_794 = tpu.vector_load_idx %arg9[%add3A_792, %broadcast_in_dim3A_783] : memref<32x512xf32, #tpu.memory_space<vmem>>[vector<16xi32>, vector<16xi32>], vector<16xf32>,
      %mul3A_795 = arith.mulf %gather3A_793, %gather3A_794 : vector<16xf32>
      tpu.vector_store_idx %arg9[%add3A_792, %broadcast_in_dim3A_783], %mul3A_795 : memref<32x512xf32, #tpu.memory_space<vmem>>[vector<16xi32>, vector<16xi32>], vector<16xf32>,
      %add3A_796 = arith.constant 9 : i32
      %add3A_797 = arith.addi %mul3A_58, %add3A_796 : i32
      %slice3A_798 = vector.extract_strided_slice %and3A_63 {offsets = [9], sizes = [1], strides = [1]} : vector<16xi32> to vector<1xi32>
      %squeeze3A_799 = vector.extract %slice3A_798[0] : i32 from vector<1xi32>
      %broadcast_in_dim3A_800 = vector.broadcast %squeeze3A_799 : i32 to vector<16xi32>
      %broadcast_in_dim3A_801 = arith.constant 9 : i32
      %broadcast_in_dim3A_802 = vector.broadcast %broadcast_in_dim3A_801 : i32 to vector<16xi32>
      %broadcast_in_dim3A_803 = vector.broadcast %add3A_797 : i32 to vector<16xi32>
      %add3A_804 = arith.constant 0 : i32
      %add3A_805 = vector.broadcast %add3A_804 : i32 to vector<16xi32>
      %add3A_806 = arith.addi %iota3A, %add3A_805 : vector<16xi32>
      %gather3A_807 = tpu.vector_load_idx %arg8[%broadcast_in_dim3A_802, %add3A_806, %broadcast_in_dim3A_800] : memref<16x32x128xf32, #tpu.memory_space<vmem>>[vector<16xi32>, vector<16xi32>, vector<16xi32>], vector<16xf32>,
      %gather3A_808 = tpu.vector_load_idx %arg9[%add3A_806, %broadcast_in_dim3A_803] : memref<32x512xf32, #tpu.memory_space<vmem>>[vector<16xi32>, vector<16xi32>], vector<16xf32>,
      %mul3A_809 = arith.mulf %gather3A_807, %gather3A_808 : vector<16xf32>
      tpu.vector_store_idx %arg9[%add3A_806, %broadcast_in_dim3A_803], %mul3A_809 : memref<32x512xf32, #tpu.memory_space<vmem>>[vector<16xi32>, vector<16xi32>], vector<16xf32>,
      %add3A_810 = arith.constant 16 : i32
      %add3A_811 = vector.broadcast %add3A_810 : i32 to vector<16xi32>
      %add3A_812 = arith.addi %iota3A, %add3A_811 : vector<16xi32>
      %gather3A_813 = tpu.vector_load_idx %arg8[%broadcast_in_dim3A_802, %add3A_812, %broadcast_in_dim3A_800] : memref<16x32x128xf32, #tpu.memory_space<vmem>>[vector<16xi32>, vector<16xi32>, vector<16xi32>], vector<16xf32>,
      %gather3A_814 = tpu.vector_load_idx %arg9[%add3A_812, %broadcast_in_dim3A_803] : memref<32x512xf32, #tpu.memory_space<vmem>>[vector<16xi32>, vector<16xi32>], vector<16xf32>,
      %mul3A_815 = arith.mulf %gather3A_813, %gather3A_814 : vector<16xf32>
      tpu.vector_store_idx %arg9[%add3A_812, %broadcast_in_dim3A_803], %mul3A_815 : memref<32x512xf32, #tpu.memory_space<vmem>>[vector<16xi32>, vector<16xi32>], vector<16xf32>,
      %add3A_816 = arith.constant 10 : i32
      %add3A_817 = arith.addi %mul3A_58, %add3A_816 : i32
      %slice3A_818 = vector.extract_strided_slice %and3A_63 {offsets = [10], sizes = [1], strides = [1]} : vector<16xi32> to vector<1xi32>
      %squeeze3A_819 = vector.extract %slice3A_818[0] : i32 from vector<1xi32>
      %broadcast_in_dim3A_820 = vector.broadcast %squeeze3A_819 : i32 to vector<16xi32>
      %broadcast_in_dim3A_821 = arith.constant 10 : i32
      %broadcast_in_dim3A_822 = vector.broadcast %broadcast_in_dim3A_821 : i32 to vector<16xi32>
      %broadcast_in_dim3A_823 = vector.broadcast %add3A_817 : i32 to vector<16xi32>
      %add3A_824 = arith.constant 0 : i32
      %add3A_825 = vector.broadcast %add3A_824 : i32 to vector<16xi32>
      %add3A_826 = arith.addi %iota3A, %add3A_825 : vector<16xi32>
      %gather3A_827 = tpu.vector_load_idx %arg8[%broadcast_in_dim3A_822, %add3A_826, %broadcast_in_dim3A_820] : memref<16x32x128xf32, #tpu.memory_space<vmem>>[vector<16xi32>, vector<16xi32>, vector<16xi32>], vector<16xf32>,
      %gather3A_828 = tpu.vector_load_idx %arg9[%add3A_826, %broadcast_in_dim3A_823] : memref<32x512xf32, #tpu.memory_space<vmem>>[vector<16xi32>, vector<16xi32>], vector<16xf32>,
      %mul3A_829 = arith.mulf %gather3A_827, %gather3A_828 : vector<16xf32>
      tpu.vector_store_idx %arg9[%add3A_826, %broadcast_in_dim3A_823], %mul3A_829 : memref<32x512xf32, #tpu.memory_space<vmem>>[vector<16xi32>, vector<16xi32>], vector<16xf32>,
      %add3A_830 = arith.constant 16 : i32
      %add3A_831 = vector.broadcast %add3A_830 : i32 to vector<16xi32>
      %add3A_832 = arith.addi %iota3A, %add3A_831 : vector<16xi32>
      %gather3A_833 = tpu.vector_load_idx %arg8[%broadcast_in_dim3A_822, %add3A_832, %broadcast_in_dim3A_820] : memref<16x32x128xf32, #tpu.memory_space<vmem>>[vector<16xi32>, vector<16xi32>, vector<16xi32>], vector<16xf32>,
      %gather3A_834 = tpu.vector_load_idx %arg9[%add3A_832, %broadcast_in_dim3A_823] : memref<32x512xf32, #tpu.memory_space<vmem>>[vector<16xi32>, vector<16xi32>], vector<16xf32>,
      %mul3A_835 = arith.mulf %gather3A_833, %gather3A_834 : vector<16xf32>
      tpu.vector_store_idx %arg9[%add3A_832, %broadcast_in_dim3A_823], %mul3A_835 : memref<32x512xf32, #tpu.memory_space<vmem>>[vector<16xi32>, vector<16xi32>], vector<16xf32>,
      %add3A_836 = arith.constant 11 : i32
      %add3A_837 = arith.addi %mul3A_58, %add3A_836 : i32
      %slice3A_838 = vector.extract_strided_slice %and3A_63 {offsets = [11], sizes = [1], strides = [1]} : vector<16xi32> to vector<1xi32>
      %squeeze3A_839 = vector.extract %slice3A_838[0] : i32 from vector<1xi32>
      %broadcast_in_dim3A_840 = vector.broadcast %squeeze3A_839 : i32 to vector<16xi32>
      %broadcast_in_dim3A_841 = arith.constant 11 : i32
      %broadcast_in_dim3A_842 = vector.broadcast %broadcast_in_dim3A_841 : i32 to vector<16xi32>
      %broadcast_in_dim3A_843 = vector.broadcast %add3A_837 : i32 to vector<16xi32>
      %add3A_844 = arith.constant 0 : i32
      %add3A_845 = vector.broadcast %add3A_844 : i32 to vector<16xi32>
      %add3A_846 = arith.addi %iota3A, %add3A_845 : vector<16xi32>
      %gather3A_847 = tpu.vector_load_idx %arg8[%broadcast_in_dim3A_842, %add3A_846, %broadcast_in_dim3A_840] : memref<16x32x128xf32, #tpu.memory_space<vmem>>[vector<16xi32>, vector<16xi32>, vector<16xi32>], vector<16xf32>,
      %gather3A_848 = tpu.vector_load_idx %arg9[%add3A_846, %broadcast_in_dim3A_843] : memref<32x512xf32, #tpu.memory_space<vmem>>[vector<16xi32>, vector<16xi32>], vector<16xf32>,
      %mul3A_849 = arith.mulf %gather3A_847, %gather3A_848 : vector<16xf32>
      tpu.vector_store_idx %arg9[%add3A_846, %broadcast_in_dim3A_843], %mul3A_849 : memref<32x512xf32, #tpu.memory_space<vmem>>[vector<16xi32>, vector<16xi32>], vector<16xf32>,
      %add3A_850 = arith.constant 16 : i32
      %add3A_851 = vector.broadcast %add3A_850 : i32 to vector<16xi32>
      %add3A_852 = arith.addi %iota3A, %add3A_851 : vector<16xi32>
      %gather3A_853 = tpu.vector_load_idx %arg8[%broadcast_in_dim3A_842, %add3A_852, %broadcast_in_dim3A_840] : memref<16x32x128xf32, #tpu.memory_space<vmem>>[vector<16xi32>, vector<16xi32>, vector<16xi32>], vector<16xf32>,
      %gather3A_854 = tpu.vector_load_idx %arg9[%add3A_852, %broadcast_in_dim3A_843] : memref<32x512xf32, #tpu.memory_space<vmem>>[vector<16xi32>, vector<16xi32>], vector<16xf32>,
      %mul3A_855 = arith.mulf %gather3A_853, %gather3A_854 : vector<16xf32>
      tpu.vector_store_idx %arg9[%add3A_852, %broadcast_in_dim3A_843], %mul3A_855 : memref<32x512xf32, #tpu.memory_space<vmem>>[vector<16xi32>, vector<16xi32>], vector<16xf32>,
      %add3A_856 = arith.constant 12 : i32
      %add3A_857 = arith.addi %mul3A_58, %add3A_856 : i32
      %slice3A_858 = vector.extract_strided_slice %and3A_63 {offsets = [12], sizes = [1], strides = [1]} : vector<16xi32> to vector<1xi32>
      %squeeze3A_859 = vector.extract %slice3A_858[0] : i32 from vector<1xi32>
      %broadcast_in_dim3A_860 = vector.broadcast %squeeze3A_859 : i32 to vector<16xi32>
      %broadcast_in_dim3A_861 = arith.constant 12 : i32
      %broadcast_in_dim3A_862 = vector.broadcast %broadcast_in_dim3A_861 : i32 to vector<16xi32>
      %broadcast_in_dim3A_863 = vector.broadcast %add3A_857 : i32 to vector<16xi32>
      %add3A_864 = arith.constant 0 : i32
      %add3A_865 = vector.broadcast %add3A_864 : i32 to vector<16xi32>
      %add3A_866 = arith.addi %iota3A, %add3A_865 : vector<16xi32>
      %gather3A_867 = tpu.vector_load_idx %arg8[%broadcast_in_dim3A_862, %add3A_866, %broadcast_in_dim3A_860] : memref<16x32x128xf32, #tpu.memory_space<vmem>>[vector<16xi32>, vector<16xi32>, vector<16xi32>], vector<16xf32>,
      %gather3A_868 = tpu.vector_load_idx %arg9[%add3A_866, %broadcast_in_dim3A_863] : memref<32x512xf32, #tpu.memory_space<vmem>>[vector<16xi32>, vector<16xi32>], vector<16xf32>,
      %mul3A_869 = arith.mulf %gather3A_867, %gather3A_868 : vector<16xf32>
      tpu.vector_store_idx %arg9[%add3A_866, %broadcast_in_dim3A_863], %mul3A_869 : memref<32x512xf32, #tpu.memory_space<vmem>>[vector<16xi32>, vector<16xi32>], vector<16xf32>,
      %add3A_870 = arith.constant 16 : i32
      %add3A_871 = vector.broadcast %add3A_870 : i32 to vector<16xi32>
      %add3A_872 = arith.addi %iota3A, %add3A_871 : vector<16xi32>
      %gather3A_873 = tpu.vector_load_idx %arg8[%broadcast_in_dim3A_862, %add3A_872, %broadcast_in_dim3A_860] : memref<16x32x128xf32, #tpu.memory_space<vmem>>[vector<16xi32>, vector<16xi32>, vector<16xi32>], vector<16xf32>,
      %gather3A_874 = tpu.vector_load_idx %arg9[%add3A_872, %broadcast_in_dim3A_863] : memref<32x512xf32, #tpu.memory_space<vmem>>[vector<16xi32>, vector<16xi32>], vector<16xf32>,
      %mul3A_875 = arith.mulf %gather3A_873, %gather3A_874 : vector<16xf32>
      tpu.vector_store_idx %arg9[%add3A_872, %broadcast_in_dim3A_863], %mul3A_875 : memref<32x512xf32, #tpu.memory_space<vmem>>[vector<16xi32>, vector<16xi32>], vector<16xf32>,
      %add3A_876 = arith.constant 13 : i32
      %add3A_877 = arith.addi %mul3A_58, %add3A_876 : i32
      %slice3A_878 = vector.extract_strided_slice %and3A_63 {offsets = [13], sizes = [1], strides = [1]} : vector<16xi32> to vector<1xi32>
      %squeeze3A_879 = vector.extract %slice3A_878[0] : i32 from vector<1xi32>
      %broadcast_in_dim3A_880 = vector.broadcast %squeeze3A_879 : i32 to vector<16xi32>
      %broadcast_in_dim3A_881 = arith.constant 13 : i32
      %broadcast_in_dim3A_882 = vector.broadcast %broadcast_in_dim3A_881 : i32 to vector<16xi32>
      %broadcast_in_dim3A_883 = vector.broadcast %add3A_877 : i32 to vector<16xi32>
      %add3A_884 = arith.constant 0 : i32
      %add3A_885 = vector.broadcast %add3A_884 : i32 to vector<16xi32>
      %add3A_886 = arith.addi %iota3A, %add3A_885 : vector<16xi32>
      %gather3A_887 = tpu.vector_load_idx %arg8[%broadcast_in_dim3A_882, %add3A_886, %broadcast_in_dim3A_880] : memref<16x32x128xf32, #tpu.memory_space<vmem>>[vector<16xi32>, vector<16xi32>, vector<16xi32>], vector<16xf32>,
      %gather3A_888 = tpu.vector_load_idx %arg9[%add3A_886, %broadcast_in_dim3A_883] : memref<32x512xf32, #tpu.memory_space<vmem>>[vector<16xi32>, vector<16xi32>], vector<16xf32>,
      %mul3A_889 = arith.mulf %gather3A_887, %gather3A_888 : vector<16xf32>
      tpu.vector_store_idx %arg9[%add3A_886, %broadcast_in_dim3A_883], %mul3A_889 : memref<32x512xf32, #tpu.memory_space<vmem>>[vector<16xi32>, vector<16xi32>], vector<16xf32>,
      %add3A_890 = arith.constant 16 : i32
      %add3A_891 = vector.broadcast %add3A_890 : i32 to vector<16xi32>
      %add3A_892 = arith.addi %iota3A, %add3A_891 : vector<16xi32>
      %gather3A_893 = tpu.vector_load_idx %arg8[%broadcast_in_dim3A_882, %add3A_892, %broadcast_in_dim3A_880] : memref<16x32x128xf32, #tpu.memory_space<vmem>>[vector<16xi32>, vector<16xi32>, vector<16xi32>], vector<16xf32>,
      %gather3A_894 = tpu.vector_load_idx %arg9[%add3A_892, %broadcast_in_dim3A_883] : memref<32x512xf32, #tpu.memory_space<vmem>>[vector<16xi32>, vector<16xi32>], vector<16xf32>,
      %mul3A_895 = arith.mulf %gather3A_893, %gather3A_894 : vector<16xf32>
      tpu.vector_store_idx %arg9[%add3A_892, %broadcast_in_dim3A_883], %mul3A_895 : memref<32x512xf32, #tpu.memory_space<vmem>>[vector<16xi32>, vector<16xi32>], vector<16xf32>,
      %add3A_896 = arith.constant 14 : i32
      %add3A_897 = arith.addi %mul3A_58, %add3A_896 : i32
      %slice3A_898 = vector.extract_strided_slice %and3A_63 {offsets = [14], sizes = [1], strides = [1]} : vector<16xi32> to vector<1xi32>
      %squeeze3A_899 = vector.extract %slice3A_898[0] : i32 from vector<1xi32>
      %broadcast_in_dim3A_900 = vector.broadcast %squeeze3A_899 : i32 to vector<16xi32>
      %broadcast_in_dim3A_901 = arith.constant 14 : i32
      %broadcast_in_dim3A_902 = vector.broadcast %broadcast_in_dim3A_901 : i32 to vector<16xi32>
      %broadcast_in_dim3A_903 = vector.broadcast %add3A_897 : i32 to vector<16xi32>
      %add3A_904 = arith.constant 0 : i32
      %add3A_905 = vector.broadcast %add3A_904 : i32 to vector<16xi32>
      %add3A_906 = arith.addi %iota3A, %add3A_905 : vector<16xi32>
      %gather3A_907 = tpu.vector_load_idx %arg8[%broadcast_in_dim3A_902, %add3A_906, %broadcast_in_dim3A_900] : memref<16x32x128xf32, #tpu.memory_space<vmem>>[vector<16xi32>, vector<16xi32>, vector<16xi32>], vector<16xf32>,
      %gather3A_908 = tpu.vector_load_idx %arg9[%add3A_906, %broadcast_in_dim3A_903] : memref<32x512xf32, #tpu.memory_space<vmem>>[vector<16xi32>, vector<16xi32>], vector<16xf32>,
      %mul3A_909 = arith.mulf %gather3A_907, %gather3A_908 : vector<16xf32>
      tpu.vector_store_idx %arg9[%add3A_906, %broadcast_in_dim3A_903], %mul3A_909 : memref<32x512xf32, #tpu.memory_space<vmem>>[vector<16xi32>, vector<16xi32>], vector<16xf32>,
      %add3A_910 = arith.constant 16 : i32
      %add3A_911 = vector.broadcast %add3A_910 : i32 to vector<16xi32>
      %add3A_912 = arith.addi %iota3A, %add3A_911 : vector<16xi32>
      %gather3A_913 = tpu.vector_load_idx %arg8[%broadcast_in_dim3A_902, %add3A_912, %broadcast_in_dim3A_900] : memref<16x32x128xf32, #tpu.memory_space<vmem>>[vector<16xi32>, vector<16xi32>, vector<16xi32>], vector<16xf32>,
      %gather3A_914 = tpu.vector_load_idx %arg9[%add3A_912, %broadcast_in_dim3A_903] : memref<32x512xf32, #tpu.memory_space<vmem>>[vector<16xi32>, vector<16xi32>], vector<16xf32>,
      %mul3A_915 = arith.mulf %gather3A_913, %gather3A_914 : vector<16xf32>
      tpu.vector_store_idx %arg9[%add3A_912, %broadcast_in_dim3A_903], %mul3A_915 : memref<32x512xf32, #tpu.memory_space<vmem>>[vector<16xi32>, vector<16xi32>], vector<16xf32>,
      %add3A_916 = arith.constant 15 : i32
      %add3A_917 = arith.addi %mul3A_58, %add3A_916 : i32
      %slice3A_918 = vector.extract_strided_slice %and3A_63 {offsets = [15], sizes = [1], strides = [1]} : vector<16xi32> to vector<1xi32>
      %squeeze3A_919 = vector.extract %slice3A_918[0] : i32 from vector<1xi32>
      %broadcast_in_dim3A_920 = vector.broadcast %squeeze3A_919 : i32 to vector<16xi32>
      %broadcast_in_dim3A_921 = arith.constant 15 : i32
      %broadcast_in_dim3A_922 = vector.broadcast %broadcast_in_dim3A_921 : i32 to vector<16xi32>
      %broadcast_in_dim3A_923 = vector.broadcast %add3A_917 : i32 to vector<16xi32>
      %add3A_924 = arith.constant 0 : i32
      %add3A_925 = vector.broadcast %add3A_924 : i32 to vector<16xi32>
      %add3A_926 = arith.addi %iota3A, %add3A_925 : vector<16xi32>
      %gather3A_927 = tpu.vector_load_idx %arg8[%broadcast_in_dim3A_922, %add3A_926, %broadcast_in_dim3A_920] : memref<16x32x128xf32, #tpu.memory_space<vmem>>[vector<16xi32>, vector<16xi32>, vector<16xi32>], vector<16xf32>,
      %gather3A_928 = tpu.vector_load_idx %arg9[%add3A_926, %broadcast_in_dim3A_923] : memref<32x512xf32, #tpu.memory_space<vmem>>[vector<16xi32>, vector<16xi32>], vector<16xf32>,
      %mul3A_929 = arith.mulf %gather3A_927, %gather3A_928 : vector<16xf32>
      tpu.vector_store_idx %arg9[%add3A_926, %broadcast_in_dim3A_923], %mul3A_929 : memref<32x512xf32, #tpu.memory_space<vmem>>[vector<16xi32>, vector<16xi32>], vector<16xf32>,
      %add3A_930 = arith.constant 16 : i32
      %add3A_931 = vector.broadcast %add3A_930 : i32 to vector<16xi32>
      %add3A_932 = arith.addi %iota3A, %add3A_931 : vector<16xi32>
      %gather3A_933 = tpu.vector_load_idx %arg8[%broadcast_in_dim3A_922, %add3A_932, %broadcast_in_dim3A_920] : memref<16x32x128xf32, #tpu.memory_space<vmem>>[vector<16xi32>, vector<16xi32>, vector<16xi32>], vector<16xf32>,
      %gather3A_934 = tpu.vector_load_idx %arg9[%add3A_932, %broadcast_in_dim3A_923] : memref<32x512xf32, #tpu.memory_space<vmem>>[vector<16xi32>, vector<16xi32>], vector<16xf32>,
      %mul3A_935 = arith.mulf %gather3A_933, %gather3A_934 : vector<16xf32>
      tpu.vector_store_idx %arg9[%add3A_932, %broadcast_in_dim3A_923], %mul3A_935 : memref<32x512xf32, #tpu.memory_space<vmem>>[vector<16xi32>, vector<16xi32>], vector<16xf32>,
    }
    %scan3A_49 = arith.constant 32 : i32
    %mul3A_50 = arith.constant 512 : i32
    %mul3A_51 = arith.muli %add3A, %mul3A_50 : i32
    "tpu.region"() ({
      %run_scoped3A = tpu.sem_alloc : memref<!tpu.dma_semaphore, #tpu.memory_space<semaphore_mem>>
      %dma_start3A = arith.constant 0 : i32
      %dma_start3A_52 = tpu.memref_slice %arg6[%dma_start3A, %mul3A_51] : memref<32x16384xf32, #tpu.memory_space<hbm>> -> memref<32x512xf32, #tpu.memory_space<hbm>>
      %dma_start3A_53 = arith.constant 0 : i32
      %dma_start3A_54 = tpu.memref_slice %arg6[%dma_start3A_53, %mul3A_51] : memref<32x16384xf32, #tpu.memory_space<hbm>> -> memref<32x512xf32, #tpu.memory_space<hbm>>
      tpu.enqueue_dma source(%arg9 : memref<32x512xf32, #tpu.memory_space<vmem>>) target(%dma_start3A_54 : memref<32x512xf32, #tpu.memory_space<hbm>>) target_semaphore(%run_scoped3A : memref<!tpu.dma_semaphore, #tpu.memory_space<semaphore_mem>>)
      %dma_wait3A = arith.constant 0 : i32
      %dma_wait3A_55 = tpu.memref_slice %arg6[%dma_wait3A, %mul3A_51] : memref<32x16384xf32, #tpu.memory_space<hbm>> -> memref<32x512xf32, #tpu.memory_space<hbm>>
      %dma_wait3A_56 = arith.constant 0 : i32
      %dma_wait3A_57 = tpu.memref_slice %arg6[%dma_wait3A_56, %mul3A_51] : memref<32x16384xf32, #tpu.memory_space<hbm>> -> memref<32x512xf32, #tpu.memory_space<hbm>>
      tpu.wait_dma2 semaphore(%run_scoped3A : memref<!tpu.dma_semaphore, #tpu.memory_space<semaphore_mem>>) src(%arg9 : memref<32x512xf32, #tpu.memory_space<vmem>>) dst(%dma_wait3A_57 : memref<32x512xf32, #tpu.memory_space<hbm>>)
      tpu.yield
    }) : () -> ()
    return
  }
}

</mosaic_0001>

<sc_bundles>
// kernel: kernel.3.cloned.1.call-start
scs
__scs_entry_jumppad:
0x0: {  	(pc) =	sbr.rel $0x88, $3  }
0x1: {  	(tag) =	ssettag $0x0;
	lr =	simm.s32 $0x1  }
0x2: {  	[smem:$0x3F9D] =	sst lr;
	_ =	strace $0xD0000000  }
0x3: {  	_ = 	snop  }
0x4: {  	_ = 	snop  }
0x5: {  	_ = 	snop  }
0x6: {  	_ = 	snop  }
0x7: {  	_ = 	snop  }
__scs_overlays_trampoline_lowered:
0x8: {  	[smem:$0x3FAC] =	sst s0  }
0x9: {  	[smem:$0x3FAD] =	sst s1  }
0xa: {  	[smem:$0x3FAE] =	sst s2  }
0xb: {  	[smem:$0x3FAF] =	sst s3  }
0xc: {  	[smem:$0x3FB0] =	sst s4  }
0xd: {  	[smem:$0x3FB1] =	sst s5  }
0xe: {  	[smem:$0x3FB2] =	sst s6  }
0xf: {  	[smem:$0x3FB3] =	sst s7  }
0x10: {  	[smem:$0x3FB4] =	sst s8  }
0x11: {  	[smem:$0x3FB5] =	sst s9;
	s0 =	simm.s32 @!p0 $0x0  }
0x12: {  	s1 =	sld [smem:$0x3F9B];
	s0 =	simm.s32 @p0 $0x1  }
0x13: {  	[smem:$0x3FB6] =	sst s0;
	s0 =	simm.s32 @!p1 $0x0  }
0x14: {  	s2 =	sld [smem:$0x3F9A];
	s0 =	simm.s32 @p1 $0x1  }
0x15: {  	[smem:$0x3FB7] =	sst s0;
	s0 =	simm.s32 @!p2 $0x0  }
0x16: {  	s3 =	sld [smem:$0x3FDB];
	s0 =	simm.s32 @p2 $0x1  }
0x17: {  	s4 =	simm.s32 $0x1BF5;
	[smem:$0x3FB9] =	sst s0  }
0x18: {  	s0 =	sld [smem:$0x3F9C];
	_ =	swait.ge [sflag:s4], $0x0  }
0x19: {  	s7 =	sld [smem:$0x3F9D]  }
0x1a: {  	s8 =	sadd.s32 $0xFFFFE003, lr  }
0x1b: {  	s9 =	sadd.s32 $0xFFFFFEF7, lr;
	s5 =	simm.s32 $0xFFFFFFFF;
	p2 =	slt.u32 s8, $0xFFFFF086  }
0x1c: {  	p1 =	slt.u32 s9, $0xF7A;
	s5 =	simm.s32 @!p2 $0x0  }
0x1d: {  	s5 =	simm.s32 @p1 $0x1;
	p0 =	seq.s32 s7, s2  }
0x1e: {  	s7 =	smul.u32 @!p0 $0xF7A, s2;
	p2 =	seq.s32 @!p0 s5, $0x0  }
0x1f: {  	s9 =	smul.u32 $0xF7A, s1;
	s8 =	simm.s32 @!p0 $0x1BF5;
	p2 =	por !p2, p0  }
0x20: {  	[sflag:s8] =	ssyncset.s32 @!p0 $0xFFFFF086;
	s6 =	sadd.s32 @!p0 s3, s7;
	s7 =	simm.s32 @!p0 $0x108  }
0x21: {  	s3 =	sadd.s32 s3, s9;
	s6 =	sadd.s32 @!p0 $0x88, s6;
	s7 =	simm.s32 @p2 $0x1082  }
0x22: {  	[simem:s7], [sflag:s8] =	dma.local @!p0 [hbm:s6], $0xF7A  }
0x23: {  	s9 =	sor.u32 $0xD0000000, s2;
	s6 =	simm.s32 $0x108;
	_ =	swait.ge @!p0 [sflag:s8], $0x0  }
0x24: {  	s3 =	sadd.s32 $0x88, s3;
	s6 =	simm.s32 @!p1 $0x1082;
	[sflag:s4] =	ssyncset.s32 $0xFFFFF086  }
0x25: {  	[simem:s6], [sflag:s4] =	dma.local [hbm:s3], $0xF7A  }
0x26: {  	[smem:$0x3F9D] =	sst s1;
	(tag) =	ssettag s2;
	_ =	strace s9  }
0x27: {  	s1 =	sld [smem:$0x3FAD]  }
0x28: {  	s2 =	sld [smem:$0x3FAE]  }
0x29: {  	s4 =	sld [smem:$0x3FB0]  }
0x2a: {  	p0 =	seq.s32 s5, $0x0;
	s5 =	sld [smem:$0x3FB1]  }
0x2b: {  	s6 =	sld [smem:$0x3FB2]  }
0x2c: {  	s7 =	sld [smem:$0x3FB3]  }
0x2d: {  	s3 =	simm.s32 $0x108;
	s8 =	sld [smem:$0x3FB4]  }
0x2e: {  	s3 =	simm.s32 @!p0 $0x1082;
	s9 =	sld [smem:$0x3FB5]  }
0x2f: {  	lr =	sadd.s32 s0, s3;
	s0 =	sld [smem:$0x3FAC]  }
0x30: {  	s3 =	sld [smem:$0x3FAF]  }
0x31: {  	[smem:$0x3FB8] =	sst s10  }
0x32: {  	s10 =	sld [smem:$0x3FB6];
	_ =	sdelay $0x3  }
0x33: {  	p0 =	seq.s32 s10, $0x1;
	s10 =	sld [smem:$0x3FB8];
	_ =	sdelay $0x3  }
0x34: {  	[smem:$0x3FB8] =	sst s10  }
0x35: {  	s10 =	sld [smem:$0x3FB7];
	_ =	sdelay $0x3  }
0x36: {  	p1 =	seq.s32 s10, $0x1;
	s10 =	sld [smem:$0x3FB8];
	_ =	sdelay $0x3  }
0x37: {  	[smem:$0x3FB8] =	sst s10  }
0x38: {  	s10 =	sld [smem:$0x3FB9]  }
0x39: {  	_ = 	snop;
	(pc) =	sbr.ind lr, $3  }
0x3a: {  	_ = 	snop  }
0x3b: {  	_ = 	snop  }
0x3c: {  	p2 =	seq.s32 s10, $0x1;
	s10 =	sld [smem:$0x3FB8]  }
0x3d: {  	_ =	shalt  }
0x3e: {  	_ =	shalt  }
0x3f: {  	_ =	shalt  }
0x40: {  	_ =	shalt  }
0x41: {  	_ =	shalt  }
0x42: {  	_ =	shalt  }
0x43: {  	_ =	shalt  }
0x44: {  	_ =	shalt  }
0x45: {  	_ =	shalt  }
0x46: {  	_ =	shalt  }
0x47: {  	_ =	shalt  }
0x48: {  	_ =	shalt  }
0x49: {  	_ =	shalt  }
0x4a: {  	_ =	shalt  }
0x4b: {  	_ =	shalt  }
0x4c: {  	_ =	shalt  }
0x4d: {  	_ =	shalt  }
0x4e: {  	_ =	shalt  }
0x4f: {  	_ =	shalt  }
0x50: {  	_ =	shalt  }
0x51: {  	_ =	shalt  }
0x52: {  	_ =	shalt  }
0x53: {  	_ =	shalt  }
0x54: {  	_ =	shalt  }
0x55: {  	_ =	shalt  }
0x56: {  	_ =	shalt  }
0x57: {  	_ =	shalt  }
0x58: {  	_ =	shalt  }
0x59: {  	_ =	shalt  }
0x5a: {  	_ =	shalt  }
0x5b: {  	_ =	shalt  }
0x5c: {  	_ =	shalt  }
0x5d: {  	_ =	shalt  }
0x5e: {  	_ =	shalt  }
0x5f: {  	_ =	shalt  }
0x60: {  	_ =	shalt  }
0x61: {  	_ =	shalt  }
0x62: {  	_ =	shalt  }
0x63: {  	_ =	shalt  }
0x64: {  	_ =	shalt  }
0x65: {  	_ =	shalt  }
0x66: {  	_ =	shalt  }
0x67: {  	_ =	shalt  }
0x68: {  	_ =	shalt  }
0x69: {  	_ =	shalt  }
0x6a: {  	_ =	shalt  }
0x6b: {  	_ =	shalt  }
0x6c: {  	_ =	shalt  }
0x6d: {  	_ =	shalt  }
0x6e: {  	_ =	shalt  }
0x6f: {  	_ =	shalt  }
0x70: {  	_ =	shalt  }
0x71: {  	_ =	shalt  }
0x72: {  	_ =	shalt  }
0x73: {  	_ =	shalt  }
0x74: {  	_ =	shalt  }
0x75: {  	_ =	shalt  }
0x76: {  	_ =	shalt  }
0x77: {  	_ =	shalt  }
0x78: {  	_ =	shalt  }
0x79: {  	_ =	shalt  }
0x7a: {  	_ =	shalt  }
0x7b: {  	_ =	shalt  }
0x7c: {  	_ =	shalt  }
0x7d: {  	_ =	shalt  }
0x7e: {  	_ =	shalt  }
0x7f: {  	_ =	shalt  }
0x80: {  	_ =	shalt  }
0x81: {  	_ =	shalt  }
0x82: {  	_ =	shalt  }
0x83: {  	_ =	shalt  }
0x84: {  	_ =	shalt  }
0x85: {  	_ =	shalt  }
0x86: {  	_ =	shalt  }
0x87: {  	_ =	shalt  }
.Lfunc_end0:
.L_simem_size_0:
called_computation_lowered:
.L_overlay_start_0:
0x88: {  	s2 =	sld [smem:$0x3FD9]  }
0x89: {  	s3 =	sld [smem:$0x3FFE];
	_ =	sdelay $0x1  }
0x8a: {  	s1 =	srdreg.scid  }
0x8b: {  	s0 =	sand.u32 $0x1, s1  }
0x8c: {  	s18 =	sshll.u32 s0, $0xA;
	s2 =	sadd.s32 s3, s2  }
0x8d: {  	s2 =	sadd.s32 s2, s18  }
0x8e: {  	[smem:$0x3FC4] =	sst s2  }
0x8f: {  	_ = 	snop  }
0x90: {  	s2 =	sld [smem:$0x3FC9]  }
0x91: {  	s19 =	sld [smem:$0x3FC8]  }
0x92: {  	s4 =	sld [smem:$0x3FC7]  }
0x93: {  	s5 =	sld [smem:$0x3FC6]  }
0x94: {  	s6 =	sld [smem:$0x3FD0];
	(tm) =	ssettm $0x1  }
0x95: {  	s7 =	sld [smem:$0x3FFB];
	_ =	sdelay $0x3  }
0x96: {  	_ =	strace s7  }
0x97: {  	s7 =	sld [smem:$0x3FFC];
	_ =	sdelay $0x3  }
0x98: {  	_ =	strace s7  }
0x99: {  	s7 =	sld [smem:$0x3FFD];
	_ =	sdelay $0x3  }
0x9a: {  	_ =	strace s7  }
0x9b: {  	_ =	strace $0x8FFFFFFF  }
0x9c: {  	s20 =	sld [smem:$0x3FDB];
	_ =	sdelay $0x1  }
0x9d: {  	s8 =	simm.s32 $_scs_section_size  }
0x9e: {  	s9 =	simm.s32 $_size__tile_overlayer_lowered;
	s10 =	simm.s32 $_tile_overlayer_lowered  }
0x9f: {  	s23 =	simm.s32 $0x1BFF;
	s22 =	sshll.u32 s10, $0x1;
	s7 =	sadd.s32 s8, s20  }
0xa0: {  	s11 =	simm.s32 $0x0;
	s21 =	sshll.u32 s9, $0x1;
	s9 =	sadd.s32 s22, s7  }
0xa1: {  	[timem:s11], [sflag:s23] =	dma.local [hbm:s9], s21  }
0xa2: {  	_ =	swait.ge [sflag:s23], s21  }
0xa3: {  	s8 =	ssub.s32 $0x0, s21;
	[sflag:s23] =	ssyncset.done $0x0  }
0xa4: {  	[sflag:s23] =	ssyncadd.s32 s8;
	_ =	sdelay $0x1  }
0xa5: {  	s24 =	simm.s32 $0x1B8B  }
0xa6: {  	_ =	swait.ge [sflag:s24], $0x1  }
0xa7: {  	[sflag:s24] =	ssyncset.done $0x0  }
0xa8: {  	s25 =	simm.s32 $0x1B8E;
	[sflag:s24] =	ssyncadd.s32 $0xFFFFFFFF  }
0xa9: {  	s26 =	simm.s32 $execute0_lowered;
	[smem:$0x3FD2] =	sst s25  }
0xaa: {  	s8 =	sshll.u32 s26, $0x1;
	_ =	strace $0x80000046;
	[dreg:$0x1] =	wrdreg $0xFFFFFFFF  }
0xab: {  	s28 =	simm.s32 $_size_execute0_lowered;
	s7 =	sadd.s32 s7, s8;
	[dreg:$0x0] =	wrdreg $0x0  }
0xac: {  	s8 =	sshll.u32 s28, $0x1;
	[dreg:$0x2] =	wrdreg s7  }
0xad: {  	[dreg:$0x3] =	wrdreg s8  }
0xae: {  	[dreg:$0x4] =	wrdreg $0xC0  }
0xaf: {  	_ =	task [dreg:s11], $0x5FFFF  }
0xb0: {  	[dreg:$0x1] =	wrdreg $0xFFFFFFFF  }
0xb1: {  	[dreg:$0x0] =	wrdreg $0x60  }
0xb2: {  	[dreg:$0x2] =	wrdreg s2  }
0xb3: {  	[dreg:$0x3] =	wrdreg s19  }
0xb4: {  	[dreg:$0x4] =	wrdreg s4  }
0xb5: {  	[dreg:$0x5] =	wrdreg s5  }
0xb6: {  	[dreg:$0x6] =	wrdreg s6  }
0xb7: {  	[dreg:$0x7] =	wrdreg $0x9  }
0xb8: {  	_ =	task.clear_ibuf [dreg:s11], $0x8FFFF;
	_ =	strace $0x90000046  }
0xb9: {  	s29 =	simm.s32 $0x9;
	_ =	strace $0x80000048  }
0xba: {  	_ =	swait.ge [sflag:s29], $0x1  }
0xbb: {  	[sflag:s29] =	ssyncadd.s32 $0xFFFFFFFF  }
0xbc: {  	_ =	strace $0x90000048  }
0xbd: {  	_ =	sfence  }
0xbe: {  	s30 =	sld [smem:$0x0];
	_ =	sdelay $0x2  }
0xbf: {  	s31 =	sshll.u32 s1, $0xD;
	s1 =	sshrl.u32 s1, $0x2  }
0xc0: {  	s3 =	sand.u32 $0x4000, s31;
	s1 =	sadd.s32 s1, s30  }
0xc1: {  	s0 =	sor.u32 s3, s0;
	s1 =	sshll.u32 s1, $0x11  }
0xc2: {  	s0 =	sor.u32 s1, s0  }
0xc3: {  	s0 =	sadd.s32 $0x8F2B, s0  }
0xc4: {  	[sflag:s0] =	ssyncadd.remote.s32 $0x1  }
0xc5: {  	_ =	sfence.sel $0xFFFF  }
0xc6: {  	[dreg:$0x0] =	wrdreg $0xFFFFFFFF;
	(pc) =	sbr.abs _section_cstart, $3  }
0xc7: {  	[dreg:$0x1] =	wrdreg $0xFFFFFFFF  }
0xc8: {  	_ =	task.clear_ibuf [dreg:s11], $0x2FFFF;
	_ =	strace $0x9FFFFFFF  }
0xc9: {  	(tm) =	ssettm $0x7FFFFFFF  }
tec
execute0_lowered:
.L_overlay_start_1:
0x0: {  	(tag) =	ssettag $0x1  }
0x1: {  	v0 =	vlaneseq.u32;
	v1 =	vimm.s32 $0x1380;
	vm0 =	vcmask $0x300  }
0x2: {  	v2 =	vimm.s32 $0x3380;
	vm1 =	vcmask $0x704;
	vm15 =	vcmask $0xB08  }
0x3: {  	vm4 =	vcmask $0xF0C;
	vm5 =	vcmask $0x1310;
	vm6 =	vcmask $0x1714  }
0x4: {  	vm7 =	vcmask $0x1B18;
	vm8 =	vcmask $0x1F1C;
	vm9 =	vcmask $0x2320  }
0x5: {  	vm10 =	vcmask $0x2724;
	vm11 =	vcmask $0x2B28;
	vm12 =	vcmask $0x2F2C  }
0x6: {  	vm13 =	vcmask $0x3330;
	v1 =	vsel vm0, $0x0, v1;
	v2 =	vsel vm0, $0x2000, v2  }
0x7: {  	v0 =	vmul.u32 $0x80, v0;
	v1 =	vsel vm1, $0x80, v1;
	v2 =	vsel vm1, $0x2080, v2  }
0x8: {  	vm14 =	vcmask $0x3734;
	v1 =	vsel vm15, $0x100, v1;
	v2 =	vsel vm15, $0x2100, v2  }
0x9: {  	s3 =	rddreg [dreg:$0x0];
	vm15 =	vcmask $0x3B38;
	v4 =	vor.u32 $0x1000, v0;
	v5 =	vor.u32 $0x1800, v0  }
0xa: {  	s4 =	rddreg [dreg:$0x1];
	v6 =	vor.u32 $0x2000, v0;
	v7 =	vor.u32 $0x2800, v0;
	v8 =	vor.u32 $0x3000, v0  }
0xb: {  	s0 =	srdreg.scid;
	s2 =	rddreg [dreg:$0x3];
	v9 =	vor.u32 $0x3800, v0;
	v10 =	vor.u32 $0x4000, v0;
	v11 =	vor.u32 $0x4800, v0  }
0xc: {  	s6 =	stileid.u32;
	s10 =	rddreg [dreg:$0x4];
	s5 =	simm.s32 $0x1;
	v12 =	vor.u32 $0x5000, v0;
	v13 =	vor.u32 $0x5800, v0;
	v14 =	vor.u32 $0x6000, v0  }
0xd: {  	s7 =	simm.s32 $0x0;
	s12 =	simm.s32 $0x2;
	s13 =	simm.s32 $0x400;
	v15 =	vor.u32 $0x6800, v0;
	v16 =	vor.u32 $0x7000, v0;
	v17 =	vor.u32 $0x7800, v0  }
0xe: {  	s14 =	simm.s32 $0x1400;
	s15 =	simm.s32 $0x2400;
	s16 =	simm.s32 $0x3400;
	v18 =	vor.u32 $0x8000, v0;
	v19 =	vor.u32 $0x8800, v0;
	v20 =	vor.u32 $0x9000, v0  }
0xf: {  	s17 =	simm.s32 $0x4400;
	s18 =	simm.s32 $0x5400;
	s19 =	simm.s32 $0x6400;
	v21 =	vor.u32 $0x9800, v0;
	v22 =	vor.u32 $0xA000, v0;
	v23 =	vor.u32 $0xA800, v0  }
0x10: {  	s20 =	simm.s32 $0x7400;
	s21 =	simm.s32 $0x8400;
	s22 =	simm.s32 $0x9400;
	v24 =	vor.u32 $0xB000, v0;
	v1 =	vsel vm4, $0x180, v1;
	v2 =	vsel vm4, $0x2180, v2  }
0x11: {  	s23 =	simm.s32 $0xA400;
	s24 =	simm.s32 $0xB400;
	s28 =	simm.s32 $0xE400;
	v25 =	vor.u32 $0xB800, v0;
	v1 =	vsel vm5, $0x200, v1;
	v2 =	vsel vm5, $0x2200, v2  }
0x12: {  	s29 =	simm.s32 $0xF400;
	s0 =	sand.u32 $0x1, s0;
	s1 =	sshll.u32 s6, $0x1;
	v26 =	vor.u32 $0xC000, v0;
	v1 =	vsel vm6, $0x280, v1;
	v2 =	vsel vm6, $0x2280, v2  }
0x13: {  	s30 =	simm.s32 $0x10400;
	[smem:$0x7FF] =	sst s7;
	s9 =	sor.u32 s0, s1;
	v27 =	vor.u32 $0xC800, v0;
	v1 =	vsel vm7, $0x300, v1;
	v2 =	vsel vm7, $0x2300, v2  }
0x14: {  	s1 =	rddreg [dreg:$0x2];
	p1 =	seq.s32 s0, $0x1;
	p0 =	seq.s32 s9, $0x0;
	v28 =	vor.u32 $0xD000, v0;
	v1 =	vsel vm8, $0x380, v1;
	v2 =	vsel vm8, $0x2380, v2  }
0x15: {  	_ =	strace $0x80000047;
	s25 =	ssub.s32 $0x2, s0;
	v29 =	vor.u32 $0xD800, v0;
	p0 =	por !p0, !p1;
	v1 =	vsel vm9, $0x1000, v1;
	v2 =	vsel vm9, $0x3000, v2  }
0x16: {  	s7 =	sshll.u32 s0, $0x9;
	s0 =	simm.s32 $0x0;
	v30 =	vor.u32 $0xE000, v0;
	p0 =	por !p0, !p0;
	v1 =	vsel vm10, $0x1080, v1;
	v2 =	vsel vm10, $0x3080, v2  }
0x17: {  	s26 =	sshrl.u32 s25, $0x1;
	s31 =	sshll.u32 s9, $0x9;
	v31 =	vor.u32 $0xE800, v0;
	s5 =	simm.s32 @!p0 $0x0;
	v1 =	vsel vm11, $0x1100, v1;
	v2 =	vsel vm11, $0x3100, v2  }
0x18: {  	v32 =	vor.u32 $0xF000, v0;
	s11 =	ssub.s32 s25, s26;
	s9 =	sadd.s32 s10, s31;
	s5 =	ssub.s32 s6, s5;
	v1 =	vsel vm12, $0x1180, v1;
	v2 =	vsel vm12, $0x3180, v2  }
0x19: {  	v33 =	vor.u32 $0xF800, v0;
	s25 =	simm.s32 $0xC400;
	s26 =	simm.s32 $0xD400;
	s5 =	sshll.u32 s5, $0x7;
	v1 =	vsel vm13, $0x1200, v1;
	v2 =	vsel vm13, $0x3200, v2  }
0x1a: {  	s10 =	smax.u32 s11, $0x1;
	s11 =	simm.s32 $0x7A1400;
	s8 =	sand.u32 $0x1FFFFF80, s5;
	v1 =	vsel vm14, $0x1280, v1;
	v3 =	vsel vm14, $0x3280, v2  }
0x1b: {  	s5 =	simm.s32 $0x1;
	s6 =	sadd.s32 s3, s8;
	s8 =	sadd.s32 s4, s8;
	v2 =	vor.u32 $0x800, v0;
	v1 =	vsel vm15, $0x1300, v1;
	v3 =	vsel vm15, $0x3300, v3  }
.LBB2_1:
0x1c: {  	s3 =	simm.s32 $0x0  }
0x1d: {  	[tilespmem:s3], [sflag:$0x2] =	stream.linear.gather [hbm4b:s6+s3], $0x400, $0x38;
	[tilespmem:$0x14400] =	vst v63  }
0x1e: {  	_ =	swait.ge [sflag:s12], $0x400  }
0x1f: {  	[sflag:s12] =	ssyncset.done $0x0  }
0x20: {  	s4 =	simm.s32 $0x0;
	[sflag:s12] =	ssyncadd.s32 $0xFFFFFC00  }
.LBB2_2:
0x21: {  	s31 =	sand.u32 $0x180, s4  }
0x22: {  	s3 =	sand.u32 $0x70, s4;
	s31 =	sadd.s32 s31, s7  }
0x23: {  	s3 =	sadd.s32 s3, s31  }
0x24: {  	v34 =	vld [tilespmem:s3+$0x0];
	_ =	sdelay $0x4  }
0x25: {  	(v2sf) =	vpush v34, $0x0;
	_ =	sdelay $0x1  }
0x26: {  	(v2sf) =	vpush v34, $0x1;
	_ =	sdelay $0x5  }
0x27: {  	(v2sf) =	vpush v34, $0x2;
	_ =	sdelay $0x1  }
0x28: {  	(v2sf) =	vpush v34, $0x3;
	_ =	sdelay $0x4  }
0x29: {  	s31 =	spop (v2sf);
	(v2sf) =	vpush v34, $0x4;
	_ =	sdelay $0x1  }
0x2a: {  	s3 =	sand.u32 $0xFFFFF80, s31;
	s31 =	spop (v2sf);
	(v2sf) =	vpush v34, $0x5;
	_ =	sdelay $0x2  }
0x2b: {  	s3 =	sadd.s32 s1, s3  }
0x2c: {  	[tilespmem:s13], [sflag:$0x1] =	stream.strided.gather [hbm4b:s3+s13], $0x1000, s11, s13, $0x38;
	[tilespmem:$0x14400] =	vst v63  }
0x2d: {  	(v2sf) =	vpush v34, $0x6;
	s3 =	sand.u32 $0xFFFFF80, s31  }
0x2e: {  	s31 =	spop (v2sf);
	s3 =	sadd.s32 s1, s3  }
0x2f: {  	[tilespmem:s14], [sflag:$0x1] =	stream.strided.gather [hbm4b:s3+s13], $0x1000, s11, s13, $0x38;
	[tilespmem:$0x14400] =	vst v63  }
0x30: {  	s3 =	sand.u32 $0xFFFFF80, s31;
	s31 =	spop (v2sf);
	(v2sf) =	vpush v34, $0x7;
	_ =	sdelay $0x1  }
0x31: {  	s3 =	sadd.s32 s1, s3  }
0x32: {  	[tilespmem:s15], [sflag:$0x1] =	stream.strided.gather [hbm4b:s3+s13], $0x1000, s11, s13, $0x38;
	[tilespmem:$0x14400] =	vst v63  }
0x33: {  	s3 =	sand.u32 $0xFFFFF80, s31  }
0x34: {  	s3 =	sadd.s32 s1, s3;
	s31 =	spop (v2sf);
	(v2sf) =	vpush v34, $0x8  }
0x35: {  	[tilespmem:s16], [sflag:$0x1] =	stream.strided.gather [hbm4b:s3+s13], $0x1000, s11, s13, $0x38;
	[tilespmem:$0x14400] =	vst v63  }
0x36: {  	s3 =	sand.u32 $0xFFFFF80, s31;
	s31 =	spop (v2sf);
	(v2sf) =	vpush v34, $0x9;
	_ =	sdelay $0x1  }
0x37: {  	s3 =	sadd.s32 s1, s3  }
0x38: {  	(v2sf) =	vpush v34, $0xA;
	[tilespmem:s17], [sflag:$0x1] =	stream.strided.gather [hbm4b:s3+s13], $0x1000, s11, s13, $0x38;
	[tilespmem:$0x14400] =	vst v63  }
0x39: {  	s3 =	sand.u32 $0xFFFFF80, s31  }
0x3a: {  	s31 =	spop (v2sf);
	s3 =	sadd.s32 s1, s3  }
0x3b: {  	(v2sf) =	vpush v34, $0xB;
	[tilespmem:s18], [sflag:$0x1] =	stream.strided.gather [hbm4b:s3+s13], $0x1000, s11, s13, $0x38;
	[tilespmem:$0x14400] =	vst v63  }
0x3c: {  	s3 =	sand.u32 $0xFFFFF80, s31  }
0x3d: {  	s31 =	spop (v2sf);
	s3 =	sadd.s32 s1, s3  }
0x3e: {  	(v2sf) =	vpush v34, $0xC;
	[tilespmem:s19], [sflag:$0x1] =	stream.strided.gather [hbm4b:s3+s13], $0x1000, s11, s13, $0x38;
	[tilespmem:$0x14400] =	vst v63  }
0x3f: {  	s3 =	sand.u32 $0xFFFFF80, s31  }
0x40: {  	s3 =	sadd.s32 s1, s3  }
0x41: {  	[tilespmem:s20], [sflag:$0x1] =	stream.strided.gather [hbm4b:s3+s13], $0x1000, s11, s13, $0x38;
	[tilespmem:$0x14400] =	vst v63  }
0x42: {  	s31 =	spop (v2sf)  }
0x43: {  	(v2sf) =	vpush v34, $0xD;
	s3 =	sand.u32 $0xFFFFF80, s31  }
0x44: {  	s31 =	spop (v2sf);
	(v2sf) =	vpush v34, $0xE;
	s3 =	sadd.s32 s1, s3  }
0x45: {  	[tilespmem:s21], [sflag:$0x1] =	stream.strided.gather [hbm4b:s3+s13], $0x1000, s11, s13, $0x38;
	[tilespmem:$0x14400] =	vst v63  }
0x46: {  	s3 =	sand.u32 $0xFFFFF80, s31  }
0x47: {  	s31 =	spop (v2sf);
	(v2sf) =	vpush v34, $0xF;
	s3 =	sadd.s32 s1, s3  }
0x48: {  	[tilespmem:s22], [sflag:$0x1] =	stream.strided.gather [hbm4b:s3+s13], $0x1000, s11, s13, $0x38;
	[tilespmem:$0x14400] =	vst v63  }
0x49: {  	s3 =	sand.u32 $0xFFFFF80, s31  }
0x4a: {  	s31 =	spop (v2sf);
	s3 =	sadd.s32 s1, s3  }
0x4b: {  	[tilespmem:s23], [sflag:$0x1] =	stream.strided.gather [hbm4b:s3+s13], $0x1000, s11, s13, $0x38;
	[tilespmem:$0x14400] =	vst v63  }
0x4c: {  	s3 =	sand.u32 $0xFFFFF80, s31  }
0x4d: {  	s31 =	spop (v2sf);
	s3 =	sadd.s32 s1, s3  }
0x4e: {  	[tilespmem:s24], [sflag:$0x1] =	stream.strided.gather [hbm4b:s3+s13], $0x1000, s11, s13, $0x38;
	[tilespmem:$0x14400] =	vst v63  }
0x4f: {  	s3 =	sand.u32 $0xFFFFF80, s31  }
0x50: {  	s3 =	sadd.s32 s1, s3  }
0x51: {  	[tilespmem:s25], [sflag:$0x1] =	stream.strided.gather [hbm4b:s3+s13], $0x1000, s11, s13, $0x38;
	[tilespmem:$0x14400] =	vst v63  }
0x52: {  	s31 =	spop (v2sf)  }
0x53: {  	s3 =	sand.u32 $0xFFFFF80, s31;
	s31 =	spop (v2sf)  }
0x54: {  	s3 =	sadd.s32 s1, s3;
	s31 =	sand.u32 $0xFFFFF80, s31  }
0x55: {  	[tilespmem:s26], [sflag:$0x1] =	stream.strided.gather [hbm4b:s3+s13], $0x1000, s11, s13, $0x38;
	[tilespmem:$0x14400] =	vst v63  }
0x56: {  	s3 =	sadd.s32 s1, s31;
	s31 =	spop (v2sf)  }
0x57: {  	[tilespmem:s28], [sflag:$0x1] =	stream.strided.gather [hbm4b:s3+s13], $0x1000, s11, s13, $0x38;
	[tilespmem:$0x14400] =	vst v63  }
0x58: {  	s3 =	sand.u32 $0xFFFFF80, s31  }
0x59: {  	s3 =	sadd.s32 s1, s3  }
0x5a: {  	[tilespmem:s29], [sflag:$0x1] =	stream.strided.gather [hbm4b:s3+s13], $0x1000, s11, s13, $0x38;
	[tilespmem:$0x14400] =	vst v63  }
0x5b: {  	_ =	swait.ge [sflag:s5], $0x1000  }
0x5c: {  	[sflag:s5] =	ssyncset.done $0x0  }
0x5d: {  	[sflag:s5] =	ssyncadd.s32 $0xFFFFF000  }
0x5e: {  	_ =	swait.ge [sflag:s5], $0x1000  }
0x5f: {  	[sflag:s5] =	ssyncset.done $0x0  }
0x60: {  	[sflag:s5] =	ssyncadd.s32 $0xFFFFF000  }
0x61: {  	_ =	swait.ge [sflag:s5], $0x1000  }
0x62: {  	[sflag:s5] =	ssyncset.done $0x0  }
0x63: {  	[sflag:s5] =	ssyncadd.s32 $0xFFFFF000  }
0x64: {  	_ =	swait.ge [sflag:s5], $0x1000  }
0x65: {  	[sflag:s5] =	ssyncset.done $0x0  }
0x66: {  	[sflag:s5] =	ssyncadd.s32 $0xFFFFF000  }
0x67: {  	_ =	swait.ge [sflag:s5], $0x1000  }
0x68: {  	[sflag:s5] =	ssyncset.done $0x0  }
0x69: {  	[sflag:s5] =	ssyncadd.s32 $0xFFFFF000  }
0x6a: {  	_ =	swait.ge [sflag:s5], $0x1000  }
0x6b: {  	[sflag:s5] =	ssyncset.done $0x0  }
0x6c: {  	[sflag:s5] =	ssyncadd.s32 $0xFFFFF000  }
0x6d: {  	_ =	swait.ge [sflag:s5], $0x1000  }
0x6e: {  	[sflag:s5] =	ssyncset.done $0x0  }
0x6f: {  	[sflag:s5] =	ssyncadd.s32 $0xFFFFF000  }
0x70: {  	_ =	swait.ge [sflag:s5], $0x1000  }
0x71: {  	[sflag:s5] =	ssyncset.done $0x0  }
0x72: {  	[sflag:s5] =	ssyncadd.s32 $0xFFFFF000  }
0x73: {  	_ =	swait.ge [sflag:s5], $0x1000  }
0x74: {  	[sflag:s5] =	ssyncset.done $0x0  }
0x75: {  	[sflag:s5] =	ssyncadd.s32 $0xFFFFF000  }
0x76: {  	_ =	swait.ge [sflag:s5], $0x1000  }
0x77: {  	[sflag:s5] =	ssyncset.done $0x0  }
0x78: {  	[sflag:s5] =	ssyncadd.s32 $0xFFFFF000  }
0x79: {  	_ =	swait.ge [sflag:s5], $0x1000  }
0x7a: {  	[sflag:s5] =	ssyncset.done $0x0  }
0x7b: {  	[sflag:s5] =	ssyncadd.s32 $0xFFFFF000  }
0x7c: {  	_ =	swait.ge [sflag:s5], $0x1000  }
0x7d: {  	[sflag:s5] =	ssyncset.done $0x0  }
0x7e: {  	[sflag:s5] =	ssyncadd.s32 $0xFFFFF000  }
0x7f: {  	_ =	swait.ge [sflag:s5], $0x1000  }
0x80: {  	[sflag:s5] =	ssyncset.done $0x0  }
0x81: {  	[sflag:s5] =	ssyncadd.s32 $0xFFFFF000  }
0x82: {  	_ =	swait.ge [sflag:s5], $0x1000  }
0x83: {  	v34 =	vand.u32 $0x7F, v34;
	[sflag:s5] =	ssyncset.done $0x0  }
0x84: {  	v35 =	vbroadcast v34, $0x0;
	[sflag:s5] =	ssyncadd.s32 $0xFFFFF000  }
0x85: {  	_ =	swait.ge [sflag:s5], $0x1000  }
0x86: {  	v36 =	vor.u32 v0, v35;
	[sflag:s5] =	ssyncset.done $0x0  }
0x87: {  	v37 =	vmov s4;
	[sflag:s5] =	ssyncadd.s32 $0xFFFFF000  }
0x88: {  	v38 =	vshll.u32 v37, $0x3;
	_ =	swait.ge [sflag:s5], $0x1000  }
0x89: {  	v37 =	vand.u32 $0x70, v37;
	v38 =	vand.u32 $0xC00, v38;
	[sflag:s5] =	ssyncset.done $0x0  }
0x8a: {  	v37 =	vor.u32 v37, v38;
	[sflag:s5] =	ssyncadd.s32 $0xFFFFF000  }
0x8b: {  	v38 =	vor.u32 v1, v37;
	v36 =	vld.idx.msk [tilespmem:v36+s13+$0x0], $0xffff  }
0x8c: {  	v35 =	vor.u32 v2, v35;
	_ =	sdelay $0x3  }
0x8d: {  	v58 =	vbroadcast v34, $0x1;
	[tilespmem:v38+s30+$0x0] =	vst.idx.msk $0xffff, v36  }
0x8e: {  	v37 =	vor.u32 v3, v37;
	v35 =	vld.idx.msk [tilespmem:v35+s13+$0x0], $0xffff  }
0x8f: {  	v59 =	vor.u32 v4, v58;
	s31 =	sadd.s32 $0x1, s4  }
0x90: {  	v39 =	vmov s31  }
0x91: {  	v40 =	vshll.u32 v39, $0x3  }
0x92: {  	v39 =	vand.u32 $0x71, v39;
	v40 =	vand.u32 $0xC00, v40  }
0x93: {  	v60 =	vor.u32 v39, v40;
	[tilespmem:v37+s30+$0x0] =	vst.idx.msk $0xffff, v35  }
0x94: {  	v61 =	vor.u32 v1, v60;
	v37 =	vld.idx.msk [tilespmem:v59+s13+$0x0], $0xffff  }
0x95: {  	v36 =	vor.u32 v5, v58;
	_ =	sdelay $0x3  }
0x96: {  	v62 =	vbroadcast v34, $0x2;
	[tilespmem:v61+s30+$0x0] =	vst.idx.msk $0xffff, v37  }
0x97: {  	v35 =	vor.u32 v3, v60;
	v36 =	vld.idx.msk [tilespmem:v36+s13+$0x0], $0xffff  }
0x98: {  	v63 =	vor.u32 v6, v62;
	s31 =	sadd.s32 $0x2, s4  }
0x99: {  	v44 =	vmov s31  }
0x9a: {  	v45 =	vshll.u32 v44, $0x3  }
0x9b: {  	v39 =	vand.u32 $0x72, v44;
	v40 =	vand.u32 $0xC00, v45  }
0x9c: {  	v46 =	vor.u32 v39, v40;
	[tilespmem:v35+s30+$0x0] =	vst.idx.msk $0xffff, v36  }
0x9d: {  	v47 =	vor.u32 v1, v46;
	v36 =	vld.idx.msk [tilespmem:v63+s13+$0x0], $0xffff  }
0x9e: {  	v37 =	vor.u32 v7, v62;
	_ =	sdelay $0x3  }
0x9f: {  	v48 =	vbroadcast v34, $0x3;
	[tilespmem:v47+s30+$0x0] =	vst.idx.msk $0xffff, v36  }
0xa0: {  	v35 =	vor.u32 v3, v46;
	v37 =	vld.idx.msk [tilespmem:v37+s13+$0x0], $0xffff  }
0xa1: {  	v49 =	vor.u32 v8, v48;
	s31 =	sadd.s32 $0x3, s4  }
0xa2: {  	v50 =	vmov s31  }
0xa3: {  	v51 =	vshll.u32 v50, $0x3  }
0xa4: {  	v39 =	vand.u32 $0x73, v50;
	v40 =	vand.u32 $0xC00, v51  }
0xa5: {  	v52 =	vor.u32 v39, v40;
	[tilespmem:v35+s30+$0x0] =	vst.idx.msk $0xffff, v37  }
0xa6: {  	v53 =	vor.u32 v1, v52;
	v37 =	vld.idx.msk [tilespmem:v49+s13+$0x0], $0xffff  }
0xa7: {  	v36 =	vor.u32 v9, v48;
	_ =	sdelay $0x3  }
0xa8: {  	v54 =	vbroadcast v34, $0x4;
	[tilespmem:v53+s30+$0x0] =	vst.idx.msk $0xffff, v37  }
0xa9: {  	v35 =	vor.u32 v3, v52;
	v36 =	vld.idx.msk [tilespmem:v36+s13+$0x0], $0xffff  }
0xaa: {  	v55 =	vor.u32 v10, v54;
	s31 =	sadd.s32 $0x4, s4  }
0xab: {  	v56 =	vmov s31  }
0xac: {  	v57 =	vshll.u32 v56, $0x3  }
0xad: {  	v39 =	vand.u32 $0x74, v56;
	v40 =	vand.u32 $0xC00, v57  }
0xae: {  	v58 =	vor.u32 v39, v40;
	[tilespmem:v35+s30+$0x0] =	vst.idx.msk $0xffff, v36  }
0xaf: {  	v59 =	vor.u32 v1, v58;
	v36 =	vld.idx.msk [tilespmem:v55+s13+$0x0], $0xffff  }
0xb0: {  	v37 =	vor.u32 v11, v54;
	_ =	sdelay $0x3  }
0xb1: {  	v60 =	vbroadcast v34, $0x5;
	[tilespmem:v59+s30+$0x0] =	vst.idx.msk $0xffff, v36  }
0xb2: {  	v35 =	vor.u32 v3, v58;
	v37 =	vld.idx.msk [tilespmem:v37+s13+$0x0], $0xffff  }
0xb3: {  	s31 =	sadd.s32 $0x5, s4;
	v61 =	vor.u32 v12, v60  }
0xb4: {  	v62 =	vmov s31  }
0xb5: {  	v63 =	vshll.u32 v62, $0x3  }
0xb6: {  	v39 =	vand.u32 $0x75, v62;
	v40 =	vand.u32 $0xC00, v63  }
0xb7: {  	v43 =	vor.u32 v39, v40;
	[tilespmem:v35+s30+$0x0] =	vst.idx.msk $0xffff, v37  }
0xb8: {  	v44 =	vor.u32 v1, v43;
	v37 =	vld.idx.msk [tilespmem:v61+s13+$0x0], $0xffff  }
0xb9: {  	v36 =	vor.u32 v13, v60;
	_ =	sdelay $0x3  }
0xba: {  	v45 =	vbroadcast v34, $0x6;
	[tilespmem:v44+s30+$0x0] =	vst.idx.msk $0xffff, v37  }
0xbb: {  	v35 =	vor.u32 v3, v43;
	v36 =	vld.idx.msk [tilespmem:v36+s13+$0x0], $0xffff  }
0xbc: {  	s31 =	sadd.s32 $0x6, s4;
	v46 =	vor.u32 v14, v45  }
0xbd: {  	v47 =	vmov s31  }
0xbe: {  	v48 =	vshll.u32 v47, $0x3  }
0xbf: {  	v39 =	vand.u32 $0x76, v47;
	v40 =	vand.u32 $0xC00, v48  }
0xc0: {  	v49 =	vor.u32 v39, v40;
	[tilespmem:v35+s30+$0x0] =	vst.idx.msk $0xffff, v36  }
0xc1: {  	v50 =	vor.u32 v1, v49;
	v36 =	vld.idx.msk [tilespmem:v46+s13+$0x0], $0xffff  }
0xc2: {  	v37 =	vor.u32 v15, v45;
	_ =	sdelay $0x3  }
0xc3: {  	v51 =	vbroadcast v34, $0x7;
	[tilespmem:v50+s30+$0x0] =	vst.idx.msk $0xffff, v36  }
0xc4: {  	v35 =	vor.u32 v3, v49;
	v37 =	vld.idx.msk [tilespmem:v37+s13+$0x0], $0xffff  }
0xc5: {  	s31 =	sadd.s32 $0x7, s4;
	v52 =	vor.u32 v16, v51  }
0xc6: {  	v53 =	vmov s31  }
0xc7: {  	v54 =	vshll.u32 v53, $0x3  }
0xc8: {  	v39 =	vand.u32 $0x77, v53;
	v40 =	vand.u32 $0xC00, v54  }
0xc9: {  	v55 =	vor.u32 v39, v40;
	[tilespmem:v35+s30+$0x0] =	vst.idx.msk $0xffff, v37  }
0xca: {  	v56 =	vor.u32 v1, v55;
	v37 =	vld.idx.msk [tilespmem:v52+s13+$0x0], $0xffff  }
0xcb: {  	v36 =	vor.u32 v17, v51;
	_ =	sdelay $0x3  }
0xcc: {  	v57 =	vbroadcast v34, $0x8;
	[tilespmem:v56+s30+$0x0] =	vst.idx.msk $0xffff, v37  }
0xcd: {  	v35 =	vor.u32 v3, v55;
	v36 =	vld.idx.msk [tilespmem:v36+s13+$0x0], $0xffff  }
0xce: {  	s31 =	sadd.s32 $0x8, s4;
	v58 =	vor.u32 v18, v57  }
0xcf: {  	v59 =	vmov s31  }
0xd0: {  	v60 =	vshll.u32 v59, $0x3  }
0xd1: {  	v39 =	vand.u32 $0x78, v59;
	v40 =	vand.u32 $0xC00, v60  }
0xd2: {  	v61 =	vor.u32 v39, v40;
	[tilespmem:v35+s30+$0x0] =	vst.idx.msk $0xffff, v36  }
0xd3: {  	v62 =	vor.u32 v1, v61;
	v36 =	vld.idx.msk [tilespmem:v58+s13+$0x0], $0xffff  }
0xd4: {  	v37 =	vor.u32 v19, v57;
	_ =	sdelay $0x3  }
0xd5: {  	v63 =	vbroadcast v34, $0x9;
	[tilespmem:v62+s30+$0x0] =	vst.idx.msk $0xffff, v36  }
0xd6: {  	v35 =	vor.u32 v3, v61;
	v37 =	vld.idx.msk [tilespmem:v37+s13+$0x0], $0xffff  }
0xd7: {  	s31 =	sadd.s32 $0x9, s4;
	v44 =	vor.u32 v20, v63  }
0xd8: {  	v45 =	vmov s31  }
0xd9: {  	v46 =	vshll.u32 v45, $0x3  }
0xda: {  	v39 =	vand.u32 $0x79, v45;
	v40 =	vand.u32 $0xC00, v46  }
0xdb: {  	v47 =	vor.u32 v39, v40;
	[tilespmem:v35+s30+$0x0] =	vst.idx.msk $0xffff, v37  }
0xdc: {  	v48 =	vor.u32 v1, v47;
	v37 =	vld.idx.msk [tilespmem:v44+s13+$0x0], $0xffff  }
0xdd: {  	v36 =	vor.u32 v21, v63;
	_ =	sdelay $0x3  }
0xde: {  	v49 =	vbroadcast v34, $0xA;
	[tilespmem:v48+s30+$0x0] =	vst.idx.msk $0xffff, v37  }
0xdf: {  	v35 =	vor.u32 v3, v47;
	v36 =	vld.idx.msk [tilespmem:v36+s13+$0x0], $0xffff  }
0xe0: {  	s31 =	sadd.s32 $0xA, s4;
	v50 =	vor.u32 v22, v49  }
0xe1: {  	v51 =	vmov s31  }
0xe2: {  	v52 =	vshll.u32 v51, $0x3  }
0xe3: {  	v39 =	vand.u32 $0x7A, v51;
	v40 =	vand.u32 $0xC00, v52  }
0xe4: {  	v53 =	vor.u32 v39, v40;
	[tilespmem:v35+s30+$0x0] =	vst.idx.msk $0xffff, v36  }
0xe5: {  	v54 =	vor.u32 v1, v53;
	v36 =	vld.idx.msk [tilespmem:v50+s13+$0x0], $0xffff  }
0xe6: {  	v37 =	vor.u32 v23, v49;
	_ =	sdelay $0x3  }
0xe7: {  	v55 =	vbroadcast v34, $0xB;
	[tilespmem:v54+s30+$0x0] =	vst.idx.msk $0xffff, v36  }
0xe8: {  	v35 =	vor.u32 v3, v53;
	v37 =	vld.idx.msk [tilespmem:v37+s13+$0x0], $0xffff  }
0xe9: {  	s31 =	sadd.s32 $0xB, s4;
	v56 =	vor.u32 v24, v55  }
0xea: {  	v57 =	vmov s31  }
0xeb: {  	v58 =	vshll.u32 v57, $0x3  }
0xec: {  	v39 =	vand.u32 $0x7B, v57;
	v40 =	vand.u32 $0xC00, v58  }
0xed: {  	v59 =	vor.u32 v39, v40;
	[tilespmem:v35+s30+$0x0] =	vst.idx.msk $0xffff, v37  }
0xee: {  	v60 =	vor.u32 v1, v59;
	v37 =	vld.idx.msk [tilespmem:v56+s13+$0x0], $0xffff  }
0xef: {  	v36 =	vor.u32 v25, v55;
	_ =	sdelay $0x3  }
0xf0: {  	v61 =	vbroadcast v34, $0xC;
	[tilespmem:v60+s30+$0x0] =	vst.idx.msk $0xffff, v37  }
0xf1: {  	v35 =	vor.u32 v3, v59;
	v36 =	vld.idx.msk [tilespmem:v36+s13+$0x0], $0xffff  }
0xf2: {  	s31 =	sadd.s32 $0xC, s4;
	v62 =	vor.u32 v26, v61  }
0xf3: {  	v63 =	vmov s31  }
0xf4: {  	v44 =	vshll.u32 v63, $0x3  }
0xf5: {  	v39 =	vand.u32 $0x7C, v63;
	v40 =	vand.u32 $0xC00, v44  }
0xf6: {  	v45 =	vor.u32 v39, v40;
	[tilespmem:v35+s30+$0x0] =	vst.idx.msk $0xffff, v36  }
0xf7: {  	v46 =	vor.u32 v1, v45;
	v36 =	vld.idx.msk [tilespmem:v62+s13+$0x0], $0xffff  }
0xf8: {  	v37 =	vor.u32 v27, v61;
	_ =	sdelay $0x3  }
0xf9: {  	v47 =	vbroadcast v34, $0xD;
	[tilespmem:v46+s30+$0x0] =	vst.idx.msk $0xffff, v36  }
0xfa: {  	v35 =	vor.u32 v3, v45;
	v37 =	vld.idx.msk [tilespmem:v37+s13+$0x0], $0xffff  }
0xfb: {  	s31 =	sadd.s32 $0xD, s4;
	v48 =	vor.u32 v28, v47  }
0xfc: {  	v49 =	vmov s31  }
0xfd: {  	v50 =	vshll.u32 v49, $0x3  }
0xfe: {  	v39 =	vand.u32 $0x7D, v49;
	v40 =	vand.u32 $0xC00, v50  }
0xff: {  	v51 =	vor.u32 v39, v40;
	[tilespmem:v35+s30+$0x0] =	vst.idx.msk $0xffff, v37  }
0x100: {  	v52 =	vor.u32 v1, v51;
	v37 =	vld.idx.msk [tilespmem:v48+s13+$0x0], $0xffff  }
0x101: {  	v36 =	vor.u32 v29, v47;
	_ =	sdelay $0x3  }
0x102: {  	v53 =	vbroadcast v34, $0xE;
	[tilespmem:v52+s30+$0x0] =	vst.idx.msk $0xffff, v37  }
0x103: {  	v35 =	vor.u32 v3, v51;
	v36 =	vld.idx.msk [tilespmem:v36+s13+$0x0], $0xffff  }
0x104: {  	s31 =	sadd.s32 $0xE, s4;
	v54 =	vor.u32 v30, v53  }
0x105: {  	v55 =	vmov s31  }
0x106: {  	v56 =	vshll.u32 v55, $0x3  }
0x107: {  	v39 =	vand.u32 $0x7E, v55;
	v40 =	vand.u32 $0xC00, v56  }
0x108: {  	v57 =	vor.u32 v39, v40;
	[tilespmem:v35+s30+$0x0] =	vst.idx.msk $0xffff, v36  }
0x109: {  	v58 =	vor.u32 v1, v57;
	v36 =	vld.idx.msk [tilespmem:v54+s13+$0x0], $0xffff  }
0x10a: {  	v37 =	vor.u32 v31, v53;
	_ =	sdelay $0x3  }
0x10b: {  	v34 =	vbroadcast v34, $0xF;
	[tilespmem:v58+s30+$0x0] =	vst.idx.msk $0xffff, v36  }
0x10c: {  	v35 =	vor.u32 v3, v57;
	v36 =	vld.idx.msk [tilespmem:v37+s13+$0x0], $0xffff  }
0x10d: {  	s31 =	sadd.s32 $0xF, s4;
	v59 =	vor.u32 v32, v34  }
0x10e: {  	v60 =	vmov s31  }
0x10f: {  	v61 =	vshll.u32 v60, $0x3  }
0x110: {  	v38 =	vand.u32 $0x7F, v60;
	v39 =	vand.u32 $0xC00, v61  }
0x111: {  	v62 =	vor.u32 v38, v39;
	[tilespmem:v35+s30+$0x0] =	vst.idx.msk $0xffff, v36  }
0x112: {  	v63 =	vor.u32 v1, v62;
	v36 =	vld.idx.msk [tilespmem:v59+s13+$0x0], $0xffff  }
0x113: {  	v34 =	vor.u32 v33, v34;
	_ =	sdelay $0x3  }
0x114: {  	[tilespmem:v63+s30+$0x0] =	vst.idx.msk $0xffff, v36  }
0x115: {  	p0 =	sne.s32 s4, $0x1F0;
	v35 =	vor.u32 v3, v62;
	v34 =	vld.idx.msk [tilespmem:v34+s13+$0x0], $0xffff  }
.Ltmp0:
0x116: {  	_ = 	snop;
	(pc) =	sbr.rel @p0 .LBB2_2-.Ltmp0, $2  }
0x117: {  	_ =	sdelay $0x2  }
0x118: {  	s4 =	sadd.s32 $0x10, s4;
	[tilespmem:v35+s30+$0x0] =	vst.idx.msk $0xffff, v34  }
0x119: {  	s4 =	simm.s32 $0x0  }
0x11a: {  	[tilespmem:s4], [sflag:$0x2] =	stream.linear.gather [hbm4b:s8+s4], $0x400, $0x38;
	[tilespmem:$0x14400] =	vst v63  }
0x11b: {  	_ =	swait.ge [sflag:s12], $0x400  }
0x11c: {  	[sflag:s12] =	ssyncset.done $0x0  }
0x11d: {  	[sflag:s12] =	ssyncadd.s32 $0xFFFFFC00  }
.LBB2_4:
0x11e: {  	s3 =	sand.u32 $0x180, s4  }
0x11f: {  	s31 =	sand.u32 $0x70, s4;
	s3 =	sadd.s32 s3, s7  }
0x120: {  	s3 =	sadd.s32 s31, s3  }
0x121: {  	v34 =	vld [tilespmem:s3+$0x0];
	_ =	sdelay $0x4  }
0x122: {  	(v2sf) =	vpush v34, $0x0;
	_ =	sdelay $0x1  }
0x123: {  	(v2sf) =	vpush v34, $0x1;
	_ =	sdelay $0x5  }
0x124: {  	(v2sf) =	vpush v34, $0x2;
	_ =	sdelay $0x1  }
0x125: {  	(v2sf) =	vpush v34, $0x3;
	_ =	sdelay $0x4  }
0x126: {  	s31 =	spop (v2sf);
	(v2sf) =	vpush v34, $0x4;
	_ =	sdelay $0x1  }
0x127: {  	s3 =	sand.u32 $0xFFFFF80, s31;
	s31 =	spop (v2sf);
	(v2sf) =	vpush v34, $0x5;
	_ =	sdelay $0x2  }
0x128: {  	s3 =	sadd.s32 s2, s3  }
0x129: {  	[tilespmem:s13], [sflag:$0x1] =	stream.strided.gather [hbm4b:s3+s13], $0x1000, s11, s13, $0x38;
	[tilespmem:$0x14400] =	vst v63  }
0x12a: {  	(v2sf) =	vpush v34, $0x6;
	s3 =	sand.u32 $0xFFFFF80, s31  }
0x12b: {  	s31 =	spop (v2sf);
	s3 =	sadd.s32 s2, s3  }
0x12c: {  	[tilespmem:s14], [sflag:$0x1] =	stream.strided.gather [hbm4b:s3+s13], $0x1000, s11, s13, $0x38;
	[tilespmem:$0x14400] =	vst v63  }
0x12d: {  	s3 =	sand.u32 $0xFFFFF80, s31;
	s31 =	spop (v2sf);
	(v2sf) =	vpush v34, $0x7;
	_ =	sdelay $0x1  }
0x12e: {  	s3 =	sadd.s32 s2, s3  }
0x12f: {  	[tilespmem:s15], [sflag:$0x1] =	stream.strided.gather [hbm4b:s3+s13], $0x1000, s11, s13, $0x38;
	[tilespmem:$0x14400] =	vst v63  }
0x130: {  	s3 =	sand.u32 $0xFFFFF80, s31  }
0x131: {  	s3 =	sadd.s32 s2, s3;
	s31 =	spop (v2sf);
	(v2sf) =	vpush v34, $0x8  }
0x132: {  	[tilespmem:s16], [sflag:$0x1] =	stream.strided.gather [hbm4b:s3+s13], $0x1000, s11, s13, $0x38;
	[tilespmem:$0x14400] =	vst v63  }
0x133: {  	s3 =	sand.u32 $0xFFFFF80, s31;
	s31 =	spop (v2sf);
	(v2sf) =	vpush v34, $0x9;
	_ =	sdelay $0x1  }
0x134: {  	s3 =	sadd.s32 s2, s3  }
0x135: {  	(v2sf) =	vpush v34, $0xA;
	[tilespmem:s17], [sflag:$0x1] =	stream.strided.gather [hbm4b:s3+s13], $0x1000, s11, s13, $0x38;
	[tilespmem:$0x14400] =	vst v63  }
0x136: {  	s3 =	sand.u32 $0xFFFFF80, s31  }
0x137: {  	s31 =	spop (v2sf);
	s3 =	sadd.s32 s2, s3  }
0x138: {  	(v2sf) =	vpush v34, $0xB;
	[tilespmem:s18], [sflag:$0x1] =	stream.strided.gather [hbm4b:s3+s13], $0x1000, s11, s13, $0x38;
	[tilespmem:$0x14400] =	vst v63  }
0x139: {  	s3 =	sand.u32 $0xFFFFF80, s31  }
0x13a: {  	s31 =	spop (v2sf);
	s3 =	sadd.s32 s2, s3  }
0x13b: {  	(v2sf) =	vpush v34, $0xC;
	[tilespmem:s19], [sflag:$0x1] =	stream.strided.gather [hbm4b:s3+s13], $0x1000, s11, s13, $0x38;
	[tilespmem:$0x14400] =	vst v63  }
0x13c: {  	s3 =	sand.u32 $0xFFFFF80, s31  }
0x13d: {  	s3 =	sadd.s32 s2, s3  }
0x13e: {  	[tilespmem:s20], [sflag:$0x1] =	stream.strided.gather [hbm4b:s3+s13], $0x1000, s11, s13, $0x38;
	[tilespmem:$0x14400] =	vst v63  }
0x13f: {  	s31 =	spop (v2sf)  }
0x140: {  	(v2sf) =	vpush v34, $0xD;
	s3 =	sand.u32 $0xFFFFF80, s31  }
0x141: {  	s31 =	spop (v2sf);
	(v2sf) =	vpush v34, $0xE;
	s3 =	sadd.s32 s2, s3  }
0x142: {  	[tilespmem:s21], [sflag:$0x1] =	stream.strided.gather [hbm4b:s3+s13], $0x1000, s11, s13, $0x38;
	[tilespmem:$0x14400] =	vst v63  }
0x143: {  	s3 =	sand.u32 $0xFFFFF80, s31  }
0x144: {  	s31 =	spop (v2sf);
	(v2sf) =	vpush v34, $0xF;
	s3 =	sadd.s32 s2, s3  }
0x145: {  	[tilespmem:s22], [sflag:$0x1] =	stream.strided.gather [hbm4b:s3+s13], $0x1000, s11, s13, $0x38;
	[tilespmem:$0x14400] =	vst v63  }
0x146: {  	s3 =	sand.u32 $0xFFFFF80, s31  }
0x147: {  	s31 =	spop (v2sf);
	s3 =	sadd.s32 s2, s3  }
0x148: {  	[tilespmem:s23], [sflag:$0x1] =	stream.strided.gather [hbm4b:s3+s13], $0x1000, s11, s13, $0x38;
	[tilespmem:$0x14400] =	vst v63  }
0x149: {  	s3 =	sand.u32 $0xFFFFF80, s31  }
0x14a: {  	s31 =	spop (v2sf);
	s3 =	sadd.s32 s2, s3  }
0x14b: {  	[tilespmem:s24], [sflag:$0x1] =	stream.strided.gather [hbm4b:s3+s13], $0x1000, s11, s13, $0x38;
	[tilespmem:$0x14400] =	vst v63  }
0x14c: {  	s3 =	sand.u32 $0xFFFFF80, s31  }
0x14d: {  	s3 =	sadd.s32 s2, s3  }
0x14e: {  	[tilespmem:s25], [sflag:$0x1] =	stream.strided.gather [hbm4b:s3+s13], $0x1000, s11, s13, $0x38;
	[tilespmem:$0x14400] =	vst v63  }
0x14f: {  	s31 =	spop (v2sf)  }
0x150: {  	s3 =	sand.u32 $0xFFFFF80, s31;
	s31 =	spop (v2sf)  }
0x151: {  	s3 =	sadd.s32 s2, s3;
	s31 =	sand.u32 $0xFFFFF80, s31  }
0x152: {  	[tilespmem:s26], [sflag:$0x1] =	stream.strided.gather [hbm4b:s3+s13], $0x1000, s11, s13, $0x38;
	[tilespmem:$0x14400] =	vst v63  }
0x153: {  	s3 =	sadd.s32 s2, s31;
	s31 =	spop (v2sf)  }
0x154: {  	[tilespmem:s28], [sflag:$0x1] =	stream.strided.gather [hbm4b:s3+s13], $0x1000, s11, s13, $0x38;
	[tilespmem:$0x14400] =	vst v63  }
0x155: {  	s3 =	sand.u32 $0xFFFFF80, s31  }
0x156: {  	s3 =	sadd.s32 s2, s3  }
0x157: {  	[tilespmem:s29], [sflag:$0x1] =	stream.strided.gather [hbm4b:s3+s13], $0x1000, s11, s13, $0x38;
	[tilespmem:$0x14400] =	vst v63  }
0x158: {  	_ =	swait.ge [sflag:s5], $0x1000  }
0x159: {  	[sflag:s5] =	ssyncset.done $0x0  }
0x15a: {  	[sflag:s5] =	ssyncadd.s32 $0xFFFFF000  }
0x15b: {  	_ =	swait.ge [sflag:s5], $0x1000  }
0x15c: {  	[sflag:s5] =	ssyncset.done $0x0  }
0x15d: {  	[sflag:s5] =	ssyncadd.s32 $0xFFFFF000  }
0x15e: {  	_ =	swait.ge [sflag:s5], $0x1000  }
0x15f: {  	[sflag:s5] =	ssyncset.done $0x0  }
0x160: {  	[sflag:s5] =	ssyncadd.s32 $0xFFFFF000  }
0x161: {  	_ =	swait.ge [sflag:s5], $0x1000  }
0x162: {  	[sflag:s5] =	ssyncset.done $0x0  }
0x163: {  	[sflag:s5] =	ssyncadd.s32 $0xFFFFF000  }
0x164: {  	_ =	swait.ge [sflag:s5], $0x1000  }
0x165: {  	[sflag:s5] =	ssyncset.done $0x0  }
0x166: {  	[sflag:s5] =	ssyncadd.s32 $0xFFFFF000  }
0x167: {  	_ =	swait.ge [sflag:s5], $0x1000  }
0x168: {  	[sflag:s5] =	ssyncset.done $0x0  }
0x169: {  	[sflag:s5] =	ssyncadd.s32 $0xFFFFF000  }
0x16a: {  	_ =	swait.ge [sflag:s5], $0x1000  }
0x16b: {  	[sflag:s5] =	ssyncset.done $0x0  }
0x16c: {  	[sflag:s5] =	ssyncadd.s32 $0xFFFFF000  }
0x16d: {  	_ =	swait.ge [sflag:s5], $0x1000  }
0x16e: {  	[sflag:s5] =	ssyncset.done $0x0  }
0x16f: {  	[sflag:s5] =	ssyncadd.s32 $0xFFFFF000  }
0x170: {  	_ =	swait.ge [sflag:s5], $0x1000  }
0x171: {  	[sflag:s5] =	ssyncset.done $0x0  }
0x172: {  	[sflag:s5] =	ssyncadd.s32 $0xFFFFF000  }
0x173: {  	_ =	swait.ge [sflag:s5], $0x1000  }
0x174: {  	[sflag:s5] =	ssyncset.done $0x0  }
0x175: {  	[sflag:s5] =	ssyncadd.s32 $0xFFFFF000  }
0x176: {  	_ =	swait.ge [sflag:s5], $0x1000  }
0x177: {  	[sflag:s5] =	ssyncset.done $0x0  }
0x178: {  	[sflag:s5] =	ssyncadd.s32 $0xFFFFF000  }
0x179: {  	_ =	swait.ge [sflag:s5], $0x1000  }
0x17a: {  	[sflag:s5] =	ssyncset.done $0x0  }
0x17b: {  	[sflag:s5] =	ssyncadd.s32 $0xFFFFF000  }
0x17c: {  	_ =	swait.ge [sflag:s5], $0x1000  }
0x17d: {  	[sflag:s5] =	ssyncset.done $0x0  }
0x17e: {  	[sflag:s5] =	ssyncadd.s32 $0xFFFFF000  }
0x17f: {  	_ =	swait.ge [sflag:s5], $0x1000  }
0x180: {  	v35 =	vmov s4;
	v34 =	vand.u32 $0x7F, v34;
	[sflag:s5] =	ssyncset.done $0x0  }
0x181: {  	v37 =	vshll.u32 v35, $0x3;
	v36 =	vbroadcast v34, $0x0;
	[sflag:s5] =	ssyncadd.s32 $0xFFFFF000  }
0x182: {  	v35 =	vand.u32 $0x70, v35;
	v37 =	vand.u32 $0xC00, v37;
	_ =	swait.ge [sflag:s5], $0x1000  }
0x183: {  	v35 =	vor.u32 v35, v37;
	v38 =	vor.u32 v0, v36;
	[sflag:s5] =	ssyncset.done $0x0  }
0x184: {  	v37 =	vor.u32 v1, v35;
	[sflag:s5] =	ssyncadd.s32 $0xFFFFF000  }
0x185: {  	_ =	swait.ge [sflag:s5], $0x1000  }
0x186: {  	[sflag:s5] =	ssyncset.done $0x0  }
0x187: {  	[sflag:s5] =	ssyncadd.s32 $0xFFFFF000  }
0x188: {  	v38 =	vld.idx.msk [tilespmem:v38+s13+$0x0], $0xffff  }
0x189: {  	v39 =	vld.idx.msk [tilespmem:v37+s30+$0x0], $0xffff;
	_ =	sdelay $0x2  }
0x18a: {  	v36 =	vor.u32 v2, v36  }
0x18b: {  	v35 =	vor.u32 v3, v35  }
0x18c: {  	v38 =	vmul.f32 v39, v38;
	_ =	sdelay $0x1  }
0x18d: {  	[tilespmem:v37+s30+$0x0] =	vst.idx.msk $0xffff, v38  }
0x18e: {  	s31 =	sadd.s32 $0x1, s4;
	v36 =	vld.idx.msk [tilespmem:v36+s13+$0x0], $0xffff  }
0x18f: {  	v49 =	vmov s31;
	v37 =	vld.idx.msk [tilespmem:v35+s30+$0x0], $0xffff  }
0x190: {  	v50 =	vbroadcast v34, $0x1;
	v40 =	vshll.u32 v49, $0x3  }
0x191: {  	v40 =	vand.u32 $0xC00, v40;
	v38 =	vand.u32 $0x71, v49  }
0x192: {  	v41 =	vor.u32 v4, v50;
	v38 =	vor.u32 v38, v40  }
0x193: {  	v40 =	vor.u32 v1, v38  }
0x194: {  	v36 =	vmul.f32 v37, v36;
	_ =	sdelay $0x1  }
0x195: {  	[tilespmem:v35+s30+$0x0] =	vst.idx.msk $0xffff, v36  }
0x196: {  	v35 =	vld.idx.msk [tilespmem:v41+s13+$0x0], $0xffff  }
0x197: {  	v36 =	vld.idx.msk [tilespmem:v40+s30+$0x0], $0xffff;
	_ =	sdelay $0x2  }
0x198: {  	v51 =	vor.u32 v5, v50  }
0x199: {  	v38 =	vor.u32 v3, v38  }
0x19a: {  	v35 =	vmul.f32 v36, v35;
	_ =	sdelay $0x1  }
0x19b: {  	[tilespmem:v40+s30+$0x0] =	vst.idx.msk $0xffff, v35  }
0x19c: {  	s31 =	sadd.s32 $0x2, s4;
	v35 =	vld.idx.msk [tilespmem:v51+s13+$0x0], $0xffff  }
0x19d: {  	v53 =	vmov s31;
	v52 =	vld.idx.msk [tilespmem:v38+s30+$0x0], $0xffff  }
0x19e: {  	v54 =	vbroadcast v34, $0x2;
	v55 =	vshll.u32 v53, $0x3  }
0x19f: {  	v37 =	vand.u32 $0x72, v53;
	v40 =	vand.u32 $0xC00, v55  }
0x1a0: {  	v56 =	vor.u32 v6, v54;
	v37 =	vor.u32 v37, v40  }
0x1a1: {  	v40 =	vor.u32 v1, v37  }
0x1a2: {  	v35 =	vmul.f32 v52, v35;
	_ =	sdelay $0x1  }
0x1a3: {  	[tilespmem:v38+s30+$0x0] =	vst.idx.msk $0xffff, v35  }
0x1a4: {  	v35 =	vld.idx.msk [tilespmem:v56+s13+$0x0], $0xffff  }
0x1a5: {  	v57 =	vld.idx.msk [tilespmem:v40+s30+$0x0], $0xffff;
	_ =	sdelay $0x2  }
0x1a6: {  	v58 =	vor.u32 v7, v54  }
0x1a7: {  	v37 =	vor.u32 v3, v37  }
0x1a8: {  	v35 =	vmul.f32 v57, v35;
	_ =	sdelay $0x1  }
0x1a9: {  	[tilespmem:v40+s30+$0x0] =	vst.idx.msk $0xffff, v35  }
0x1aa: {  	s31 =	sadd.s32 $0x3, s4;
	v35 =	vld.idx.msk [tilespmem:v58+s13+$0x0], $0xffff  }
0x1ab: {  	v60 =	vmov s31;
	v59 =	vld.idx.msk [tilespmem:v37+s30+$0x0], $0xffff  }
0x1ac: {  	v61 =	vbroadcast v34, $0x3;
	v62 =	vshll.u32 v60, $0x3  }
0x1ad: {  	v38 =	vand.u32 $0x73, v60;
	v40 =	vand.u32 $0xC00, v62  }
0x1ae: {  	v63 =	vor.u32 v8, v61;
	v38 =	vor.u32 v38, v40  }
0x1af: {  	v40 =	vor.u32 v1, v38  }
0x1b0: {  	v35 =	vmul.f32 v59, v35;
	_ =	sdelay $0x1  }
0x1b1: {  	[tilespmem:v37+s30+$0x0] =	vst.idx.msk $0xffff, v35  }
0x1b2: {  	v35 =	vld.idx.msk [tilespmem:v63+s13+$0x0], $0xffff  }
0x1b3: {  	v43 =	vld.idx.msk [tilespmem:v40+s30+$0x0], $0xffff;
	_ =	sdelay $0x2  }
0x1b4: {  	v44 =	vor.u32 v9, v61  }
0x1b5: {  	v38 =	vor.u32 v3, v38  }
0x1b6: {  	v35 =	vmul.f32 v43, v35;
	_ =	sdelay $0x1  }
0x1b7: {  	[tilespmem:v40+s30+$0x0] =	vst.idx.msk $0xffff, v35  }
0x1b8: {  	s31 =	sadd.s32 $0x4, s4;
	v35 =	vld.idx.msk [tilespmem:v44+s13+$0x0], $0xffff  }
0x1b9: {  	v46 =	vmov s31;
	v45 =	vld.idx.msk [tilespmem:v38+s30+$0x0], $0xffff  }
0x1ba: {  	v47 =	vbroadcast v34, $0x4;
	v48 =	vshll.u32 v46, $0x3  }
0x1bb: {  	v37 =	vand.u32 $0x74, v46;
	v40 =	vand.u32 $0xC00, v48  }
0x1bc: {  	v49 =	vor.u32 v10, v47;
	v37 =	vor.u32 v37, v40  }
0x1bd: {  	v40 =	vor.u32 v1, v37  }
0x1be: {  	v35 =	vmul.f32 v45, v35;
	_ =	sdelay $0x1  }
0x1bf: {  	[tilespmem:v38+s30+$0x0] =	vst.idx.msk $0xffff, v35  }
0x1c0: {  	v35 =	vld.idx.msk [tilespmem:v49+s13+$0x0], $0xffff  }
0x1c1: {  	v50 =	vld.idx.msk [tilespmem:v40+s30+$0x0], $0xffff;
	_ =	sdelay $0x2  }
0x1c2: {  	v51 =	vor.u32 v11, v47  }
0x1c3: {  	v37 =	vor.u32 v3, v37  }
0x1c4: {  	v35 =	vmul.f32 v50, v35;
	_ =	sdelay $0x1  }
0x1c5: {  	[tilespmem:v40+s30+$0x0] =	vst.idx.msk $0xffff, v35  }
0x1c6: {  	s31 =	sadd.s32 $0x5, s4;
	v35 =	vld.idx.msk [tilespmem:v51+s13+$0x0], $0xffff  }
0x1c7: {  	v53 =	vmov s31;
	v52 =	vld.idx.msk [tilespmem:v37+s30+$0x0], $0xffff  }
0x1c8: {  	v54 =	vbroadcast v34, $0x5;
	v55 =	vshll.u32 v53, $0x3  }
0x1c9: {  	v38 =	vand.u32 $0x75, v53;
	v40 =	vand.u32 $0xC00, v55  }
0x1ca: {  	v56 =	vor.u32 v12, v54;
	v38 =	vor.u32 v38, v40  }
0x1cb: {  	v40 =	vor.u32 v1, v38  }
0x1cc: {  	v35 =	vmul.f32 v52, v35;
	_ =	sdelay $0x1  }
0x1cd: {  	[tilespmem:v37+s30+$0x0] =	vst.idx.msk $0xffff, v35  }
0x1ce: {  	v35 =	vld.idx.msk [tilespmem:v56+s13+$0x0], $0xffff  }
0x1cf: {  	v57 =	vld.idx.msk [tilespmem:v40+s30+$0x0], $0xffff;
	_ =	sdelay $0x2  }
0x1d0: {  	v58 =	vor.u32 v13, v54  }
0x1d1: {  	v38 =	vor.u32 v3, v38  }
0x1d2: {  	v35 =	vmul.f32 v57, v35;
	_ =	sdelay $0x1  }
0x1d3: {  	[tilespmem:v40+s30+$0x0] =	vst.idx.msk $0xffff, v35  }
0x1d4: {  	s31 =	sadd.s32 $0x6, s4;
	v35 =	vld.idx.msk [tilespmem:v58+s13+$0x0], $0xffff  }
0x1d5: {  	v60 =	vmov s31;
	v59 =	vld.idx.msk [tilespmem:v38+s30+$0x0], $0xffff  }
0x1d6: {  	v61 =	vbroadcast v34, $0x6;
	v62 =	vshll.u32 v60, $0x3  }
0x1d7: {  	v37 =	vand.u32 $0x76, v60;
	v40 =	vand.u32 $0xC00, v62  }
0x1d8: {  	v63 =	vor.u32 v14, v61;
	v37 =	vor.u32 v37, v40  }
0x1d9: {  	v40 =	vor.u32 v1, v37  }
0x1da: {  	v35 =	vmul.f32 v59, v35;
	_ =	sdelay $0x1  }
0x1db: {  	[tilespmem:v38+s30+$0x0] =	vst.idx.msk $0xffff, v35  }
0x1dc: {  	v35 =	vld.idx.msk [tilespmem:v63+s13+$0x0], $0xffff  }
0x1dd: {  	v43 =	vld.idx.msk [tilespmem:v40+s30+$0x0], $0xffff;
	_ =	sdelay $0x2  }
0x1de: {  	v44 =	vor.u32 v15, v61  }
0x1df: {  	v37 =	vor.u32 v3, v37  }
0x1e0: {  	v35 =	vmul.f32 v43, v35;
	_ =	sdelay $0x1  }
0x1e1: {  	[tilespmem:v40+s30+$0x0] =	vst.idx.msk $0xffff, v35  }
0x1e2: {  	s31 =	sadd.s32 $0x7, s4;
	v35 =	vld.idx.msk [tilespmem:v44+s13+$0x0], $0xffff  }
0x1e3: {  	v46 =	vmov s31;
	v45 =	vld.idx.msk [tilespmem:v37+s30+$0x0], $0xffff  }
0x1e4: {  	v47 =	vbroadcast v34, $0x7;
	v48 =	vshll.u32 v46, $0x3  }
0x1e5: {  	v38 =	vand.u32 $0x77, v46;
	v40 =	vand.u32 $0xC00, v48  }
0x1e6: {  	v49 =	vor.u32 v16, v47;
	v38 =	vor.u32 v38, v40  }
0x1e7: {  	v40 =	vor.u32 v1, v38  }
0x1e8: {  	v35 =	vmul.f32 v45, v35;
	_ =	sdelay $0x1  }
0x1e9: {  	[tilespmem:v37+s30+$0x0] =	vst.idx.msk $0xffff, v35  }
0x1ea: {  	v35 =	vld.idx.msk [tilespmem:v49+s13+$0x0], $0xffff  }
0x1eb: {  	v50 =	vld.idx.msk [tilespmem:v40+s30+$0x0], $0xffff;
	_ =	sdelay $0x2  }
0x1ec: {  	v51 =	vor.u32 v17, v47  }
0x1ed: {  	v38 =	vor.u32 v3, v38  }
0x1ee: {  	v35 =	vmul.f32 v50, v35;
	_ =	sdelay $0x1  }
0x1ef: {  	[tilespmem:v40+s30+$0x0] =	vst.idx.msk $0xffff, v35  }
0x1f0: {  	s31 =	sadd.s32 $0x8, s4;
	v35 =	vld.idx.msk [tilespmem:v51+s13+$0x0], $0xffff  }
0x1f1: {  	v53 =	vmov s31;
	v52 =	vld.idx.msk [tilespmem:v38+s30+$0x0], $0xffff  }
0x1f2: {  	v54 =	vbroadcast v34, $0x8;
	v55 =	vshll.u32 v53, $0x3  }
0x1f3: {  	v37 =	vand.u32 $0x78, v53;
	v40 =	vand.u32 $0xC00, v55  }
0x1f4: {  	v56 =	vor.u32 v18, v54;
	v37 =	vor.u32 v37, v40  }
0x1f5: {  	v40 =	vor.u32 v1, v37  }
0x1f6: {  	v35 =	vmul.f32 v52, v35;
	_ =	sdelay $0x1  }
0x1f7: {  	[tilespmem:v38+s30+$0x0] =	vst.idx.msk $0xffff, v35  }
0x1f8: {  	v35 =	vld.idx.msk [tilespmem:v56+s13+$0x0], $0xffff  }
0x1f9: {  	v57 =	vld.idx.msk [tilespmem:v40+s30+$0x0], $0xffff;
	_ =	sdelay $0x2  }
0x1fa: {  	v58 =	vor.u32 v19, v54  }
0x1fb: {  	v37 =	vor.u32 v3, v37  }
0x1fc: {  	v35 =	vmul.f32 v57, v35;
	_ =	sdelay $0x1  }
0x1fd: {  	[tilespmem:v40+s30+$0x0] =	vst.idx.msk $0xffff, v35  }
0x1fe: {  	s31 =	sadd.s32 $0x9, s4;
	v35 =	vld.idx.msk [tilespmem:v58+s13+$0x0], $0xffff  }
0x1ff: {  	v60 =	vmov s31;
	v59 =	vld.idx.msk [tilespmem:v37+s30+$0x0], $0xffff  }
0x200: {  	v61 =	vbroadcast v34, $0x9;
	v62 =	vshll.u32 v60, $0x3  }
0x201: {  	v38 =	vand.u32 $0x79, v60;
	v40 =	vand.u32 $0xC00, v62  }
0x202: {  	v63 =	vor.u32 v20, v61;
	v38 =	vor.u32 v38, v40  }
0x203: {  	v40 =	vor.u32 v1, v38  }
0x204: {  	v35 =	vmul.f32 v59, v35;
	_ =	sdelay $0x1  }
0x205: {  	[tilespmem:v37+s30+$0x0] =	vst.idx.msk $0xffff, v35  }
0x206: {  	v35 =	vld.idx.msk [tilespmem:v63+s13+$0x0], $0xffff  }
0x207: {  	v43 =	vld.idx.msk [tilespmem:v40+s30+$0x0], $0xffff;
	_ =	sdelay $0x2  }
0x208: {  	v44 =	vor.u32 v21, v61  }
0x209: {  	v38 =	vor.u32 v3, v38  }
0x20a: {  	v35 =	vmul.f32 v43, v35;
	_ =	sdelay $0x1  }
0x20b: {  	[tilespmem:v40+s30+$0x0] =	vst.idx.msk $0xffff, v35  }
0x20c: {  	s31 =	sadd.s32 $0xA, s4;
	v35 =	vld.idx.msk [tilespmem:v44+s13+$0x0], $0xffff  }
0x20d: {  	v46 =	vmov s31;
	v45 =	vld.idx.msk [tilespmem:v38+s30+$0x0], $0xffff  }
0x20e: {  	v47 =	vbroadcast v34, $0xA;
	v48 =	vshll.u32 v46, $0x3  }
0x20f: {  	v37 =	vand.u32 $0x7A, v46;
	v40 =	vand.u32 $0xC00, v48  }
0x210: {  	v49 =	vor.u32 v22, v47;
	v37 =	vor.u32 v37, v40  }
0x211: {  	v40 =	vor.u32 v1, v37  }
0x212: {  	v35 =	vmul.f32 v45, v35;
	_ =	sdelay $0x1  }
0x213: {  	[tilespmem:v38+s30+$0x0] =	vst.idx.msk $0xffff, v35  }
0x214: {  	v35 =	vld.idx.msk [tilespmem:v49+s13+$0x0], $0xffff  }
0x215: {  	v50 =	vld.idx.msk [tilespmem:v40+s30+$0x0], $0xffff;
	_ =	sdelay $0x2  }
0x216: {  	v51 =	vor.u32 v23, v47  }
0x217: {  	v37 =	vor.u32 v3, v37  }
0x218: {  	v35 =	vmul.f32 v50, v35;
	_ =	sdelay $0x1  }
0x219: {  	[tilespmem:v40+s30+$0x0] =	vst.idx.msk $0xffff, v35  }
0x21a: {  	s31 =	sadd.s32 $0xB, s4;
	v35 =	vld.idx.msk [tilespmem:v51+s13+$0x0], $0xffff  }
0x21b: {  	v53 =	vmov s31;
	v52 =	vld.idx.msk [tilespmem:v37+s30+$0x0], $0xffff  }
0x21c: {  	v54 =	vbroadcast v34, $0xB;
	v55 =	vshll.u32 v53, $0x3  }
0x21d: {  	v38 =	vand.u32 $0x7B, v53;
	v40 =	vand.u32 $0xC00, v55  }
0x21e: {  	v56 =	vor.u32 v24, v54;
	v38 =	vor.u32 v38, v40  }
0x21f: {  	v40 =	vor.u32 v1, v38  }
0x220: {  	v35 =	vmul.f32 v52, v35;
	_ =	sdelay $0x1  }
0x221: {  	[tilespmem:v37+s30+$0x0] =	vst.idx.msk $0xffff, v35  }
0x222: {  	v35 =	vld.idx.msk [tilespmem:v56+s13+$0x0], $0xffff  }
0x223: {  	v57 =	vld.idx.msk [tilespmem:v40+s30+$0x0], $0xffff;
	_ =	sdelay $0x2  }
0x224: {  	v58 =	vor.u32 v25, v54  }
0x225: {  	v38 =	vor.u32 v3, v38  }
0x226: {  	v35 =	vmul.f32 v57, v35;
	_ =	sdelay $0x1  }
0x227: {  	[tilespmem:v40+s30+$0x0] =	vst.idx.msk $0xffff, v35  }
0x228: {  	s31 =	sadd.s32 $0xC, s4;
	v35 =	vld.idx.msk [tilespmem:v58+s13+$0x0], $0xffff  }
0x229: {  	v60 =	vmov s31;
	v59 =	vld.idx.msk [tilespmem:v38+s30+$0x0], $0xffff  }
0x22a: {  	v61 =	vbroadcast v34, $0xC;
	v62 =	vshll.u32 v60, $0x3  }
0x22b: {  	v37 =	vand.u32 $0x7C, v60;
	v40 =	vand.u32 $0xC00, v62  }
0x22c: {  	v63 =	vor.u32 v26, v61;
	v37 =	vor.u32 v37, v40  }
0x22d: {  	v40 =	vor.u32 v1, v37  }
0x22e: {  	v35 =	vmul.f32 v59, v35;
	_ =	sdelay $0x1  }
0x22f: {  	[tilespmem:v38+s30+$0x0] =	vst.idx.msk $0xffff, v35  }
0x230: {  	v35 =	vld.idx.msk [tilespmem:v63+s13+$0x0], $0xffff  }
0x231: {  	v42 =	vld.idx.msk [tilespmem:v40+s30+$0x0], $0xffff;
	_ =	sdelay $0x2  }
0x232: {  	v43 =	vor.u32 v27, v61  }
0x233: {  	v37 =	vor.u32 v3, v37  }
0x234: {  	v35 =	vmul.f32 v42, v35;
	_ =	sdelay $0x1  }
0x235: {  	[tilespmem:v40+s30+$0x0] =	vst.idx.msk $0xffff, v35  }
0x236: {  	s31 =	sadd.s32 $0xD, s4;
	v35 =	vld.idx.msk [tilespmem:v43+s13+$0x0], $0xffff  }
0x237: {  	v45 =	vmov s31;
	v44 =	vld.idx.msk [tilespmem:v37+s30+$0x0], $0xffff  }
0x238: {  	v46 =	vbroadcast v34, $0xD;
	v47 =	vshll.u32 v45, $0x3  }
0x239: {  	v38 =	vand.u32 $0x7D, v45;
	v40 =	vand.u32 $0xC00, v47  }
0x23a: {  	v48 =	vor.u32 v28, v46;
	v38 =	vor.u32 v38, v40  }
0x23b: {  	v40 =	vor.u32 v1, v38  }
0x23c: {  	v35 =	vmul.f32 v44, v35;
	_ =	sdelay $0x1  }
0x23d: {  	[tilespmem:v37+s30+$0x0] =	vst.idx.msk $0xffff, v35  }
0x23e: {  	v35 =	vld.idx.msk [tilespmem:v48+s13+$0x0], $0xffff  }
0x23f: {  	v49 =	vld.idx.msk [tilespmem:v40+s30+$0x0], $0xffff;
	_ =	sdelay $0x2  }
0x240: {  	v50 =	vor.u32 v29, v46  }
0x241: {  	v38 =	vor.u32 v3, v38  }
0x242: {  	v35 =	vmul.f32 v49, v35;
	_ =	sdelay $0x1  }
0x243: {  	[tilespmem:v40+s30+$0x0] =	vst.idx.msk $0xffff, v35  }
0x244: {  	s31 =	sadd.s32 $0xE, s4;
	v35 =	vld.idx.msk [tilespmem:v50+s13+$0x0], $0xffff  }
0x245: {  	v52 =	vmov s31;
	v51 =	vld.idx.msk [tilespmem:v38+s30+$0x0], $0xffff  }
0x246: {  	v53 =	vbroadcast v34, $0xE;
	v54 =	vshll.u32 v52, $0x3  }
0x247: {  	v37 =	vand.u32 $0x7E, v52;
	v40 =	vand.u32 $0xC00, v54  }
0x248: {  	v55 =	vor.u32 v30, v53;
	v37 =	vor.u32 v37, v40  }
0x249: {  	v40 =	vor.u32 v1, v37  }
0x24a: {  	v35 =	vmul.f32 v51, v35;
	_ =	sdelay $0x1  }
0x24b: {  	[tilespmem:v38+s30+$0x0] =	vst.idx.msk $0xffff, v35  }
0x24c: {  	v35 =	vld.idx.msk [tilespmem:v55+s13+$0x0], $0xffff  }
0x24d: {  	v56 =	vld.idx.msk [tilespmem:v40+s30+$0x0], $0xffff;
	_ =	sdelay $0x2  }
0x24e: {  	v57 =	vor.u32 v31, v53  }
0x24f: {  	v37 =	vor.u32 v3, v37  }
0x250: {  	v35 =	vmul.f32 v56, v35;
	_ =	sdelay $0x1  }
0x251: {  	[tilespmem:v40+s30+$0x0] =	vst.idx.msk $0xffff, v35  }
0x252: {  	s31 =	sadd.s32 $0xF, s4;
	v35 =	vld.idx.msk [tilespmem:v57+s13+$0x0], $0xffff  }
0x253: {  	v59 =	vmov s31;
	v58 =	vld.idx.msk [tilespmem:v37+s30+$0x0], $0xffff  }
0x254: {  	v34 =	vbroadcast v34, $0xF;
	v60 =	vshll.u32 v59, $0x3  }
0x255: {  	v39 =	vand.u32 $0xC00, v60;
	v38 =	vand.u32 $0x7F, v59  }
0x256: {  	v61 =	vor.u32 v32, v34;
	v38 =	vor.u32 v38, v39  }
0x257: {  	v39 =	vor.u32 v1, v38  }
0x258: {  	v35 =	vmul.f32 v58, v35;
	_ =	sdelay $0x1  }
0x259: {  	[tilespmem:v37+s30+$0x0] =	vst.idx.msk $0xffff, v35  }
0x25a: {  	v35 =	vld.idx.msk [tilespmem:v61+s13+$0x0], $0xffff  }
0x25b: {  	v62 =	vld.idx.msk [tilespmem:v39+s30+$0x0], $0xffff;
	_ =	sdelay $0x2  }
0x25c: {  	v34 =	vor.u32 v33, v34  }
0x25d: {  	v63 =	vor.u32 v3, v38  }
0x25e: {  	v35 =	vmul.f32 v62, v35;
	_ =	sdelay $0x1  }
0x25f: {  	[tilespmem:v39+s30+$0x0] =	vst.idx.msk $0xffff, v35  }
0x260: {  	v34 =	vld.idx.msk [tilespmem:v34+s13+$0x0], $0xffff  }
0x261: {  	v35 =	vld.idx.msk [tilespmem:v63+s30+$0x0], $0xffff;
	_ =	sdelay $0x1  }
0x262: {  	p0 =	sne.s32 s4, $0x1F0  }
.Ltmp1:
0x263: {  	_ = 	snop;
	(pc) =	sbr.rel @p0 .LBB2_4-.Ltmp1, $3  }
0x264: {  	_ = 	snop  }
0x265: {  	v34 =	vmul.f32 v35, v34;
	_ =	sdelay $0x1  }
0x266: {  	s4 =	sadd.s32 $0x10, s4;
	[tilespmem:v63+s30+$0x0] =	vst.idx.msk $0xffff, v34  }
0x267: {  	s0 =	sadd.s32 $0x1, s0  }
0x268: {  	p0 =	sne.s32 s0, s10  }
.Ltmp2:
0x269: {  	s3 =	simm.s32 $0x1000;
	s4 =	simm.s32 $0x20000;
	(pc) =	sbr.rel @p0 .LBB2_1-.Ltmp2, $4  }
0x26a: {  	[hbm4b:s9+s3] =	stream.strided.scatter [tilespmem:s30], [sflag:$0x2], $0x4000, s4, s3, $0x38;
	[tilespmem:$0x14400] =	vst v63  }
0x26b: {  	_ =	swait.ge [sflag:s12], $0x4000  }
0x26c: {  	[sflag:s12] =	ssyncset.done $0x0  }
0x26d: {  	[sflag:s12] =	ssyncadd.s32 $0xFFFFC000  }
0x26e: {  	_ =	sfence.sel $0x180000  }
0x26f: {  	[bflag:$0x0] =	sbarrier.arrive $0xFFFF  }
0x270: {  	_ =	strace $0x90000047  }
0x271: {  	s0 =	stileid.u32;
	[bflag:$0x2] =	sbarrier.arrive $0xFFFF  }
0x272: {  	p0 =	sne.s32 s0, $0x0;
	s0 =	rddreg [dreg:$0x5]  }
0x273: {  	s0 =	sadd.s32 @!p0 $0x100000, s0  }
0x274: {  	[sflag:s0] =	ssyncadd.tile.s32 @!p0 $0x1;
	_ =	shalt  }
.Lfunc_end2:
_tile_overlayer_lowered:
.L_overlay_start_2:
0x275: {  	(tag) =	ssettag $0x2  }
0x276: {  	s0 =	rddreg [dreg:$0x0];
	s2 =	stileid.u32  }
0x277: {  	s1 =	rddreg [dreg:$0x1];
	p0 =	sne.s32 s2, $0x0  }
0x278: {  	s3 =	rddreg [dreg:$0x2];
	[bflag:$0x3] =	sbarrier.arrive $0xFFFF;
	s2 =	simm.s32 @!p0 $0x1C02  }
0x279: {  	[timem:s3], [sflag:s2] =	dma.local @!p0 [hbm:s0], s1  }
0x27a: {  	s0 =	simm.s32 @!p0 $0x2  }
0x27b: {  	_ =	swait.ge @!p0 [sflag:s0], s1  }
0x27c: {  	s1 =	ssub.s32 @!p0 $0x0, s1;
	[sflag:s0] =	ssyncset.done @!p0 $0x0  }
0x27d: {  	[sflag:s0] =	ssyncadd.s32 @!p0 s1  }
0x27e: {  	[bflag:$0x3] =	sbarrier.arrive $0xFFFF  }
0x27f: {  	_ =	shalt  }

</sc_bundles>
